<compile_context>
chip_gen: v7x
topology: tpu7x:2x2x1
jax: 0.10.2.dev20260603
libtpu: 0.0.44.dev20260713+nightly
codegen_flags: <defaults>
</compile_context>

<pallas_src>
import functools

import jax
import jax.numpy as jnp
from jax import lax
from jax.experimental import pallas as pl
from jax.experimental.pallas import tpu as pltpu
from jax.experimental.pallas import tpu_sc as plsc

_D = 64
_S = 200
_B = 4096
_W = 128
_T = 512
_NBT = _T // _W


@functools.lru_cache(maxsize=None)
def _build(V: int):
    info = plsc.get_sparse_core_info()
    nc, ns = info.num_cores, info.num_subcores
    nw = nc * ns
    ntok = _S * _B
    tasks = ntok // _T
    t_per_w = tasks // nw
    tok_per_w = ntok // nw
    asm_words = 8 * _NBT * 8 * _W
    dt_span = _NBT * 8 * _W
    mesh = plsc.VectorSubcoreMesh(core_axis_name="c", subcore_axis_name="s")

    @functools.partial(
        pl.kernel,
        mesh=mesh,
        out_type=jax.ShapeDtypeStruct((ntok * _D,), jnp.float32),
        scratch_types=[
            pltpu.VMEM((tok_per_w,), jnp.int32),
            pltpu.VMEM((_W, _D), jnp.float32),
            pltpu.VMEM((_W, _D), jnp.float32),
            pltpu.VMEM((asm_words,), jnp.float32),
            pltpu.VMEM((asm_words,), jnp.float32),
            pltpu.SemaphoreType.DMA,
            pltpu.SemaphoreType.DMA,
            pltpu.SemaphoreType.DMA,
            pltpu.SemaphoreType.DMA,
        ],
        compiler_params=pltpu.CompilerParams(
            use_tc_tiling_on_sc=False, needs_layout_passes=False
        ),
    )
    def emb_kernel(idx_hbm, table_hbm, out_hbm, idx_v, rb0, rb1, as0, as1,
                   g0, g1, s0, s1):
        rbufs = (rb0, rb1)
        asms = (as0, as1)
        gsems = (g0, g1)
        ssems = (s0, s1)
        wid = lax.axis_index("s") * nc + lax.axis_index("c")
        tbase = wid * t_per_w
        pltpu.sync_copy(idx_hbm.at[pl.ds(wid * tok_per_w, tok_per_w)], idx_v)
        iota16 = lax.iota(jnp.int32, 16)

        def start_gather(j, btl, slot):
            off = j * _T + btl * _W
            pltpu.async_copy(
                table_hbm.at[idx_v.at[pl.ds(off, _W)]],
                rbufs[slot], gsems[slot],
            )

        def drain_gather(slot):
            pltpu.make_async_copy(
                table_hbm.at[pl.ds(0, _W)], rbufs[slot], gsems[slot]
            ).wait()

        def drain_stores(slot):
            pltpu.make_async_copy(
                out_hbm.at[pl.ds(0, asm_words)], asms[slot], ssems[slot]
            ).wait()

        def task(j, slot):
            t = tbase + j
            s = t >> 3
            oct_ = t & 7
            asm = asms[slot]
            for btl in range(_NBT):
                gslot = btl & 1
                drain_gather(gslot)
                rb = rbufs[gslot]
                bvecs = []
                for lg in range(_D // 16):
                    dvec = iota16 + (lg * 16)
                    bvecs.append(
                        (dvec >> 3) * dt_span + (dvec & 7) * _W
                        + btl * (8 * _W)
                    )

                @plsc.parallel_loop(0, _W, unroll=4)
                def _(b, rb=rb, bvecs=bvecs):
                    for lg in range(_D // 16):
                        v = rb[b, pl.ds(lg * 16, 16)]
                        plsc.store_scatter(asm, [bvecs[lg] + b], v)
                if btl < _NBT - 2:
                    start_gather(j, btl + 2, gslot)
                else:

                    @pl.when(j + 1 < t_per_w)
                    def _(j=j, btl=btl, gslot=gslot):
                        start_gather(j + 1, btl - (_NBT - 2), gslot)
            obase_o = s * (8 * 32 * 8 * _W) + oct_ * dt_span
            for dt in range(8):
                pltpu.async_copy(
                    asm.at[pl.ds(dt * dt_span, dt_span)],
                    out_hbm.at[pl.ds(obase_o + dt * (32 * 8 * _W), dt_span)],
                    ssems[slot],
                )

        start_gather(0, 0, 0)
        start_gather(0, 1, 1)

        def body(k2, carry):
            for b2 in range(2):
                j = 2 * k2 + b2

                @pl.when(j >= 2)
                def _(b2=b2):
                    drain_stores(b2)

                task(j, b2)
            return carry

        lax.fori_loop(0, t_per_w // 2, body, 0)
        drain_stores(0)
        drain_stores(1)

    return emb_kernel


def kernel(token_ids, emb):
    bsz, seq = token_ids.shape
    idx = jnp.transpose(token_ids).reshape(-1).astype(jnp.int32)
    o = _build(emb.shape[0])(idx, emb)
    o5 = o.reshape(seq, 8, bsz // 128, 8, 128)
    t = jnp.transpose(o5, (2, 4, 0, 1, 3))
    return t.reshape(bsz, seq, _D)

# --- scband reference (transcript-rebuilt; emitter-appended) ---
"""Pipeline reference for scband-embedding-23167053594930 (READ-ONLY COPY).

The authoritative reference and input builder live on the scoring server;
editing this copy changes nothing except your own understanding.
"""

import jax, jax.numpy as jnp
import numpy as np

NUM_EMBEDDINGS = 1000000
EMBEDDING_DIM = 64

def setup_inputs(seed: int = 0) -> dict:
    key = jax.random.key(seed)
    k_idx, k_emb = jax.random.split(key)
    token_ids = jax.random.randint(k_idx, (4096, 200), 0, NUM_EMBEDDINGS, dtype=jnp.int64 if jax.config.jax_enable_x64 else jnp.int32)
    # trunc_normal_(mean=0.0, std=1.0, a=-3.0, b=3.0)
    emb = jax.random.truncated_normal(k_emb, -3.0, 3.0, (NUM_EMBEDDINGS, EMBEDDING_DIM), dtype=jnp.float32)
    return {"token_ids": token_ids, "emb": emb}

def reference(token_ids, emb):
    # forward: self.emb[token_ids] -> [batch, seqlen, d_model]
    return jnp.take(emb, token_ids, axis=0)

if __name__ == "__main__":
    import jax
    _d = setup_inputs()
    print(jax.jit(kernel)(*tuple(_d.values())))

</pallas_src>

<mosaic_0001>
#map = affine_map<(d0, d1) -> (0)>
#map1 = affine_map<(d0, d1) -> (0, 0)>
module attributes {stable_mosaic.version = 14 : i64} {
  func.func @emb_kernel(%arg0: i32, %arg1: i32, %arg2: memref<819200xi32, #tpu.memory_space<hbm>>, %arg3: memref<1000000x64xf32, #tpu.memory_space<hbm>>, %arg4: memref<52428800xf32, #tpu.memory_space<hbm>>, %arg5: memref<25600xi32, #tpu.memory_space<vmem>>, %arg6: memref<128x64xf32, #tpu.memory_space<vmem>>, %arg7: memref<128x64xf32, #tpu.memory_space<vmem>>, %arg8: memref<32768xf32, #tpu.memory_space<vmem>>, %arg9: memref<32768xf32, #tpu.memory_space<vmem>>, %arg10: memref<!tpu.dma_semaphore, #tpu.memory_space<semaphore_mem>>, %arg11: memref<!tpu.dma_semaphore, #tpu.memory_space<semaphore_mem>>, %arg12: memref<!tpu.dma_semaphore, #tpu.memory_space<semaphore_mem>>, %arg13: memref<!tpu.dma_semaphore, #tpu.memory_space<semaphore_mem>>) attributes {dimension_semantics = [#tpu.dimension_semantics<core_parallel>, #tpu.dimension_semantics<subcore_parallel>], iteration_bounds = array<i64: 2, 16>, scalar_prefetch = 0 : i64, scratch_operands = 9 : i64, tpu.core_type = #tpu.core_type<sc_vector_subcore>, window_params = [{transform_indices = #map}, {transform_indices = #map1}, {transform_indices = #map}]} {
    %mul3A = arith.constant 2 : i32
    %mul3A_0 = arith.muli %arg1, %mul3A : i32
    %add3A = arith.addi %mul3A_0, %arg0 : i32
    %mul3A_1 = arith.constant 50 : i32
    %mul3A_2 = arith.muli %add3A, %mul3A_1 : i32
    %mul3A_3 = arith.constant 25600 : i32
    %mul3A_4 = arith.muli %add3A, %mul3A_3 : i32
    "tpu.region"() ({
      %run_scoped3A = tpu.sem_alloc : memref<!tpu.dma_semaphore, #tpu.memory_space<semaphore_mem>>
      %dma_start3A_26 = tpu.memref_slice %arg2[%mul3A_4] : memref<819200xi32, #tpu.memory_space<hbm>> -> memref<25600xi32, #tpu.memory_space<hbm>>
      %dma_start3A_27 = tpu.memref_slice %arg2[%mul3A_4] : memref<819200xi32, #tpu.memory_space<hbm>> -> memref<25600xi32, #tpu.memory_space<hbm>>
      tpu.enqueue_dma source(%dma_start3A_27 : memref<25600xi32, #tpu.memory_space<hbm>>) target(%arg5 : memref<25600xi32, #tpu.memory_space<vmem>>) target_semaphore(%run_scoped3A : memref<!tpu.dma_semaphore, #tpu.memory_space<semaphore_mem>>)
      %dma_wait3A_28 = tpu.memref_slice %arg2[%mul3A_4] : memref<819200xi32, #tpu.memory_space<hbm>> -> memref<25600xi32, #tpu.memory_space<hbm>>
      %dma_wait3A_29 = tpu.memref_slice %arg2[%mul3A_4] : memref<819200xi32, #tpu.memory_space<hbm>> -> memref<25600xi32, #tpu.memory_space<hbm>>
      tpu.wait_dma2 semaphore(%run_scoped3A : memref<!tpu.dma_semaphore, #tpu.memory_space<semaphore_mem>>) src(%dma_wait3A_29 : memref<25600xi32, #tpu.memory_space<hbm>>) dst(%arg5 : memref<25600xi32, #tpu.memory_space<vmem>>)
      tpu.yield
    }) : () -> ()
    %iota3A = tpu.iota {dimensions = array<i32: 0>} : vector<16xi32>
    %dma_start3A = arith.constant 0 : i32
    %dma_start3A_5 = tpu.memref_slice %arg5[%dma_start3A] : memref<25600xi32, #tpu.memory_space<vmem>> -> memref<128xi32, #tpu.memory_space<vmem>>
    %dma_start3A_6 = arith.constant 0 : i32
    %dma_start3A_7 = arith.constant 0 : i32
    %dma_start3A_8 = tpu.memref_slice %arg3[%dma_start3A_6, %dma_start3A_7] : memref<1000000x64xf32, #tpu.memory_space<hbm>> -> memref<1000000x64xf32, #tpu.memory_space<hbm>>
    tpu.enqueue_indirect_dma source(%dma_start3A_8 : memref<1000000x64xf32, #tpu.memory_space<hbm>>) target(%arg6 : memref<128x64xf32, #tpu.memory_space<vmem>>) offsets(%dma_start3A_5 : memref<128xi32, #tpu.memory_space<vmem>>) semaphore(%arg10 : memref<!tpu.dma_semaphore, #tpu.memory_space<semaphore_mem>>)
    %dma_start3A_9 = arith.constant 128 : i32
    %dma_start3A_10 = tpu.memref_slice %arg5[%dma_start3A_9] : memref<25600xi32, #tpu.memory_space<vmem>> -> memref<128xi32, #tpu.memory_space<vmem>>
    %dma_start3A_11 = arith.constant 0 : i32
    %dma_start3A_12 = arith.constant 0 : i32
    %dma_start3A_13 = tpu.memref_slice %arg3[%dma_start3A_11, %dma_start3A_12] : memref<1000000x64xf32, #tpu.memory_space<hbm>> -> memref<1000000x64xf32, #tpu.memory_space<hbm>>
    tpu.enqueue_indirect_dma source(%dma_start3A_13 : memref<1000000x64xf32, #tpu.memory_space<hbm>>) target(%arg7 : memref<128x64xf32, #tpu.memory_space<vmem>>) offsets(%dma_start3A_10 : memref<128xi32, #tpu.memory_space<vmem>>) semaphore(%arg11 : memref<!tpu.dma_semaphore, #tpu.memory_space<semaphore_mem>>)
    %scan3A = arith.constant 0 : i32
    %scan3A_14 = arith.constant 0 : i32
    %scan3A_15 = arith.constant 25 : i32
    %scan3A_16 = arith.addi %scan3A_14, %scan3A_15 : i32
    %scan3A_17 = arith.constant 1 : i32
    scf.for %scan3A_26 = %scan3A_14 to %scan3A_16 step %scan3A_17  : i32 {
      %mul3A_27 = arith.constant 2 : i32
      %mul3A_28 = arith.muli %mul3A_27, %scan3A_26 : i32
      %add3A_29 = arith.constant 0 : i32
      %add3A_30 = arith.addi %mul3A_28, %add3A_29 : i32
      %ge3A = arith.constant 2 : i32
      %ge3A_31 = arith.cmpi sge, %add3A_30, %ge3A : i32
      %convert_element_type3A = arith.extui %ge3A_31 : i1 to i32
      %cond3A = arith.constant 0 : i32
      %cond3A_32 = arith.cmpi ne, %convert_element_type3A, %cond3A : i32
      scf.if %cond3A_32 {
        %dma_wait3A_926 = arith.constant 0 : i32
        %dma_wait3A_927 = tpu.memref_slice %arg4[%dma_wait3A_926] : memref<52428800xf32, #tpu.memory_space<hbm>> -> memref<32768xf32, #tpu.memory_space<hbm>>
        %dma_wait3A_928 = arith.constant 0 : i32
        %dma_wait3A_929 = tpu.memref_slice %arg4[%dma_wait3A_928] : memref<52428800xf32, #tpu.memory_space<hbm>> -> memref<32768xf32, #tpu.memory_space<hbm>>
        tpu.wait_dma2 semaphore(%arg12 : memref<!tpu.dma_semaphore, #tpu.memory_space<semaphore_mem>>) src(%dma_wait3A_929 : memref<32768xf32, #tpu.memory_space<hbm>>) dst(%arg8 : memref<32768xf32, #tpu.memory_space<vmem>>)
      } else {
      }
      %add3A_33 = arith.addi %mul3A_2, %add3A_30 : i32
      %shift_right_arithmetic3A = arith.constant 3 : i32
      %shift_right_arithmetic3A_34 = arith.shrsi %add3A_33, %shift_right_arithmetic3A : i32
      %and3A = arith.constant 7 : i32
      %and3A_35 = arith.andi %add3A_33, %and3A : i32
      %dma_wait3A_36 = arith.constant 0 : i32
      %dma_wait3A_37 = arith.constant 0 : i32
      %dma_wait3A_38 = tpu.memref_slice %arg3[%dma_wait3A_36, %dma_wait3A_37] : memref<1000000x64xf32, #tpu.memory_space<hbm>> -> memref<128x64xf32, #tpu.memory_space<hbm>>
      %dma_wait3A_39 = arith.constant 0 : i32
      %dma_wait3A_40 = arith.constant 0 : i32
      %dma_wait3A_41 = tpu.memref_slice %arg3[%dma_wait3A_39, %dma_wait3A_40] : memref<1000000x64xf32, #tpu.memory_space<hbm>> -> memref<128x64xf32, #tpu.memory_space<hbm>>
      tpu.wait_dma2 semaphore(%arg10 : memref<!tpu.dma_semaphore, #tpu.memory_space<semaphore_mem>>) src(%dma_wait3A_41 : memref<128x64xf32, #tpu.memory_space<hbm>>) dst(%arg6 : memref<128x64xf32, #tpu.memory_space<vmem>>)
      %add3A_42 = arith.constant 0 : i32
      %add3A_43 = vector.broadcast %add3A_42 : i32 to vector<16xi32>
      %add3A_44 = arith.addi %iota3A, %add3A_43 : vector<16xi32>
      %shift_right_arithmetic3A_45 = arith.constant 3 : i32
      %shift_right_arithmetic3A_46 = vector.broadcast %shift_right_arithmetic3A_45 : i32 to vector<16xi32>
      %shift_right_arithmetic3A_47 = arith.shrsi %add3A_44, %shift_right_arithmetic3A_46 : vector<16xi32>
      %mul3A_48 = arith.constant 4096 : i32
      %mul3A_49 = vector.broadcast %mul3A_48 : i32 to vector<16xi32>
      %mul3A_50 = arith.muli %shift_right_arithmetic3A_47, %mul3A_49 : vector<16xi32>
      %and3A_51 = arith.constant 7 : i32
      %and3A_52 = vector.broadcast %and3A_51 : i32 to vector<16xi32>
      %and3A_53 = arith.andi %add3A_44, %and3A_52 : vector<16xi32>
      %mul3A_54 = arith.constant 128 : i32
      %mul3A_55 = vector.broadcast %mul3A_54 : i32 to vector<16xi32>
      %mul3A_56 = arith.muli %and3A_53, %mul3A_55 : vector<16xi32>
      %add3A_57 = arith.addi %mul3A_50, %mul3A_56 : vector<16xi32>
      %add3A_58 = arith.constant 0 : i32
      %add3A_59 = vector.broadcast %add3A_58 : i32 to vector<16xi32>
      %add3A_60 = arith.addi %add3A_57, %add3A_59 : vector<16xi32>
      %add3A_61 = arith.constant 16 : i32
      %add3A_62 = vector.broadcast %add3A_61 : i32 to vector<16xi32>
      %add3A_63 = arith.addi %iota3A, %add3A_62 : vector<16xi32>
      %shift_right_arithmetic3A_64 = arith.constant 3 : i32
      %shift_right_arithmetic3A_65 = vector.broadcast %shift_right_arithmetic3A_64 : i32 to vector<16xi32>
      %shift_right_arithmetic3A_66 = arith.shrsi %add3A_63, %shift_right_arithmetic3A_65 : vector<16xi32>
      %mul3A_67 = arith.constant 4096 : i32
      %mul3A_68 = vector.broadcast %mul3A_67 : i32 to vector<16xi32>
      %mul3A_69 = arith.muli %shift_right_arithmetic3A_66, %mul3A_68 : vector<16xi32>
      %and3A_70 = arith.constant 7 : i32
      %and3A_71 = vector.broadcast %and3A_70 : i32 to vector<16xi32>
      %and3A_72 = arith.andi %add3A_63, %and3A_71 : vector<16xi32>
      %mul3A_73 = arith.constant 128 : i32
      %mul3A_74 = vector.broadcast %mul3A_73 : i32 to vector<16xi32>
      %mul3A_75 = arith.muli %and3A_72, %mul3A_74 : vector<16xi32>
      %add3A_76 = arith.addi %mul3A_69, %mul3A_75 : vector<16xi32>
      %add3A_77 = arith.constant 0 : i32
      %add3A_78 = vector.broadcast %add3A_77 : i32 to vector<16xi32>
      %add3A_79 = arith.addi %add3A_76, %add3A_78 : vector<16xi32>
      %add3A_80 = arith.constant 32 : i32
      %add3A_81 = vector.broadcast %add3A_80 : i32 to vector<16xi32>
      %add3A_82 = arith.addi %iota3A, %add3A_81 : vector<16xi32>
      %shift_right_arithmetic3A_83 = arith.constant 3 : i32
      %shift_right_arithmetic3A_84 = vector.broadcast %shift_right_arithmetic3A_83 : i32 to vector<16xi32>
      %shift_right_arithmetic3A_85 = arith.shrsi %add3A_82, %shift_right_arithmetic3A_84 : vector<16xi32>
      %mul3A_86 = arith.constant 4096 : i32
      %mul3A_87 = vector.broadcast %mul3A_86 : i32 to vector<16xi32>
      %mul3A_88 = arith.muli %shift_right_arithmetic3A_85, %mul3A_87 : vector<16xi32>
      %and3A_89 = arith.constant 7 : i32
      %and3A_90 = vector.broadcast %and3A_89 : i32 to vector<16xi32>
      %and3A_91 = arith.andi %add3A_82, %and3A_90 : vector<16xi32>
      %mul3A_92 = arith.constant 128 : i32
      %mul3A_93 = vector.broadcast %mul3A_92 : i32 to vector<16xi32>
      %mul3A_94 = arith.muli %and3A_91, %mul3A_93 : vector<16xi32>
      %add3A_95 = arith.addi %mul3A_88, %mul3A_94 : vector<16xi32>
      %add3A_96 = arith.constant 0 : i32
      %add3A_97 = vector.broadcast %add3A_96 : i32 to vector<16xi32>
      %add3A_98 = arith.addi %add3A_95, %add3A_97 : vector<16xi32>
      %add3A_99 = arith.constant 48 : i32
      %add3A_100 = vector.broadcast %add3A_99 : i32 to vector<16xi32>
      %add3A_101 = arith.addi %iota3A, %add3A_100 : vector<16xi32>
      %shift_right_arithmetic3A_102 = arith.constant 3 : i32
      %shift_right_arithmetic3A_103 = vector.broadcast %shift_right_arithmetic3A_102 : i32 to vector<16xi32>
      %shift_right_arithmetic3A_104 = arith.shrsi %add3A_101, %shift_right_arithmetic3A_103 : vector<16xi32>
      %mul3A_105 = arith.constant 4096 : i32
      %mul3A_106 = vector.broadcast %mul3A_105 : i32 to vector<16xi32>
      %mul3A_107 = arith.muli %shift_right_arithmetic3A_104, %mul3A_106 : vector<16xi32>
      %and3A_108 = arith.constant 7 : i32
      %and3A_109 = vector.broadcast %and3A_108 : i32 to vector<16xi32>
      %and3A_110 = arith.andi %add3A_101, %and3A_109 : vector<16xi32>
      %mul3A_111 = arith.constant 128 : i32
      %mul3A_112 = vector.broadcast %mul3A_111 : i32 to vector<16xi32>
      %mul3A_113 = arith.muli %and3A_110, %mul3A_112 : vector<16xi32>
      %add3A_114 = arith.addi %mul3A_107, %mul3A_113 : vector<16xi32>
      %add3A_115 = arith.constant 0 : i32
      %add3A_116 = vector.broadcast %add3A_115 : i32 to vector<16xi32>
      %add3A_117 = arith.addi %add3A_114, %add3A_116 : vector<16xi32>
      %parallel_loop3A = arith.constant 0 : i32
      %parallel_loop3A_118 = arith.constant 128 : i32
      %parallel_loop3A_119 = arith.constant 1 : i32
      scf.for %parallel_loop3A_926 = %parallel_loop3A to %parallel_loop3A_118 step %parallel_loop3A_119  : i32 {
        %parallel_loop3A_927 = arith.index_cast %parallel_loop3A_926 : i32 to index
        %parallel_loop3A_928 = arith.constant 0 : index
        %parallel_loop3A_929 = tpu.vector_load %arg6[%parallel_loop3A_927, %parallel_loop3A_928] {strides = array<i32>} : memref<128x64xf32, #tpu.memory_space<vmem>>, vector<16xf32>,
        %parallel_loop3A_930 = vector.broadcast %parallel_loop3A_926 : i32 to vector<16xi32>
        %parallel_loop3A_931 = arith.addi %add3A_60, %parallel_loop3A_930 : vector<16xi32>
        tpu.vector_store_idx %arg8[%parallel_loop3A_931], %parallel_loop3A_929 : memref<32768xf32, #tpu.memory_space<vmem>>[vector<16xi32>], vector<16xf32>,
        %parallel_loop3A_932 = arith.index_cast %parallel_loop3A_926 : i32 to index
        %parallel_loop3A_933 = arith.constant 16 : index
        %parallel_loop3A_934 = tpu.vector_load %arg6[%parallel_loop3A_932, %parallel_loop3A_933] {strides = array<i32>} : memref<128x64xf32, #tpu.memory_space<vmem>>, vector<16xf32>,
        %parallel_loop3A_935 = vector.broadcast %parallel_loop3A_926 : i32 to vector<16xi32>
        %parallel_loop3A_936 = arith.addi %add3A_79, %parallel_loop3A_935 : vector<16xi32>
        tpu.vector_store_idx %arg8[%parallel_loop3A_936], %parallel_loop3A_934 : memref<32768xf32, #tpu.memory_space<vmem>>[vector<16xi32>], vector<16xf32>,
        %parallel_loop3A_937 = arith.index_cast %parallel_loop3A_926 : i32 to index
        %parallel_loop3A_938 = arith.constant 32 : index
        %parallel_loop3A_939 = tpu.vector_load %arg6[%parallel_loop3A_937, %parallel_loop3A_938] {strides = array<i32>} : memref<128x64xf32, #tpu.memory_space<vmem>>, vector<16xf32>,
        %parallel_loop3A_940 = vector.broadcast %parallel_loop3A_926 : i32 to vector<16xi32>
        %parallel_loop3A_941 = arith.addi %add3A_98, %parallel_loop3A_940 : vector<16xi32>
        tpu.vector_store_idx %arg8[%parallel_loop3A_941], %parallel_loop3A_939 : memref<32768xf32, #tpu.memory_space<vmem>>[vector<16xi32>], vector<16xf32>,
        %parallel_loop3A_942 = arith.index_cast %parallel_loop3A_926 : i32 to index
        %parallel_loop3A_943 = arith.constant 48 : index
        %parallel_loop3A_944 = tpu.vector_load %arg6[%parallel_loop3A_942, %parallel_loop3A_943] {strides = array<i32>} : memref<128x64xf32, #tpu.memory_space<vmem>>, vector<16xf32>,
        %parallel_loop3A_945 = vector.broadcast %parallel_loop3A_926 : i32 to vector<16xi32>
        %parallel_loop3A_946 = arith.addi %add3A_117, %parallel_loop3A_945 : vector<16xi32>
        tpu.vector_store_idx %arg8[%parallel_loop3A_946], %parallel_loop3A_944 : memref<32768xf32, #tpu.memory_space<vmem>>[vector<16xi32>], vector<16xf32>,
      } {sc.loop_unroll_factor = 4 : i64, sc.parallel_access}
      %mul3A_120 = arith.constant 512 : i32
      %mul3A_121 = arith.muli %add3A_30, %mul3A_120 : i32
      %add3A_122 = arith.constant 256 : i32
      %add3A_123 = arith.addi %mul3A_121, %add3A_122 : i32
      %dma_start3A_124 = tpu.memref_slice %arg5[%add3A_123] : memref<25600xi32, #tpu.memory_space<vmem>> -> memref<128xi32, #tpu.memory_space<vmem>>
      %dma_start3A_125 = arith.constant 0 : i32
      %dma_start3A_126 = arith.constant 0 : i32
      %dma_start3A_127 = tpu.memref_slice %arg3[%dma_start3A_125, %dma_start3A_126] : memref<1000000x64xf32, #tpu.memory_space<hbm>> -> memref<1000000x64xf32, #tpu.memory_space<hbm>>
      tpu.enqueue_indirect_dma source(%dma_start3A_127 : memref<1000000x64xf32, #tpu.memory_space<hbm>>) target(%arg6 : memref<128x64xf32, #tpu.memory_space<vmem>>) offsets(%dma_start3A_124 : memref<128xi32, #tpu.memory_space<vmem>>) semaphore(%arg10 : memref<!tpu.dma_semaphore, #tpu.memory_space<semaphore_mem>>)
      %dma_wait3A_128 = arith.constant 0 : i32
      %dma_wait3A_129 = arith.constant 0 : i32
      %dma_wait3A_130 = tpu.memref_slice %arg3[%dma_wait3A_128, %dma_wait3A_129] : memref<1000000x64xf32, #tpu.memory_space<hbm>> -> memref<128x64xf32, #tpu.memory_space<hbm>>
      %dma_wait3A_131 = arith.constant 0 : i32
      %dma_wait3A_132 = arith.constant 0 : i32
      %dma_wait3A_133 = tpu.memref_slice %arg3[%dma_wait3A_131, %dma_wait3A_132] : memref<1000000x64xf32, #tpu.memory_space<hbm>> -> memref<128x64xf32, #tpu.memory_space<hbm>>
      tpu.wait_dma2 semaphore(%arg11 : memref<!tpu.dma_semaphore, #tpu.memory_space<semaphore_mem>>) src(%dma_wait3A_133 : memref<128x64xf32, #tpu.memory_space<hbm>>) dst(%arg7 : memref<128x64xf32, #tpu.memory_space<vmem>>)
      %add3A_134 = arith.constant 0 : i32
      %add3A_135 = vector.broadcast %add3A_134 : i32 to vector<16xi32>
      %add3A_136 = arith.addi %iota3A, %add3A_135 : vector<16xi32>
      %shift_right_arithmetic3A_137 = arith.constant 3 : i32
      %shift_right_arithmetic3A_138 = vector.broadcast %shift_right_arithmetic3A_137 : i32 to vector<16xi32>
      %shift_right_arithmetic3A_139 = arith.shrsi %add3A_136, %shift_right_arithmetic3A_138 : vector<16xi32>
      %mul3A_140 = arith.constant 4096 : i32
      %mul3A_141 = vector.broadcast %mul3A_140 : i32 to vector<16xi32>
      %mul3A_142 = arith.muli %shift_right_arithmetic3A_139, %mul3A_141 : vector<16xi32>
      %and3A_143 = arith.constant 7 : i32
      %and3A_144 = vector.broadcast %and3A_143 : i32 to vector<16xi32>
      %and3A_145 = arith.andi %add3A_136, %and3A_144 : vector<16xi32>
      %mul3A_146 = arith.constant 128 : i32
      %mul3A_147 = vector.broadcast %mul3A_146 : i32 to vector<16xi32>
      %mul3A_148 = arith.muli %and3A_145, %mul3A_147 : vector<16xi32>
      %add3A_149 = arith.addi %mul3A_142, %mul3A_148 : vector<16xi32>
      %add3A_150 = arith.constant 1024 : i32
      %add3A_151 = vector.broadcast %add3A_150 : i32 to vector<16xi32>
      %add3A_152 = arith.addi %add3A_149, %add3A_151 : vector<16xi32>
      %add3A_153 = arith.constant 16 : i32
      %add3A_154 = vector.broadcast %add3A_153 : i32 to vector<16xi32>
      %add3A_155 = arith.addi %iota3A, %add3A_154 : vector<16xi32>
      %shift_right_arithmetic3A_156 = arith.constant 3 : i32
      %shift_right_arithmetic3A_157 = vector.broadcast %shift_right_arithmetic3A_156 : i32 to vector<16xi32>
      %shift_right_arithmetic3A_158 = arith.shrsi %add3A_155, %shift_right_arithmetic3A_157 : vector<16xi32>
      %mul3A_159 = arith.constant 4096 : i32
      %mul3A_160 = vector.broadcast %mul3A_159 : i32 to vector<16xi32>
      %mul3A_161 = arith.muli %shift_right_arithmetic3A_158, %mul3A_160 : vector<16xi32>
      %and3A_162 = arith.constant 7 : i32
      %and3A_163 = vector.broadcast %and3A_162 : i32 to vector<16xi32>
      %and3A_164 = arith.andi %add3A_155, %and3A_163 : vector<16xi32>
      %mul3A_165 = arith.constant 128 : i32
      %mul3A_166 = vector.broadcast %mul3A_165 : i32 to vector<16xi32>
      %mul3A_167 = arith.muli %and3A_164, %mul3A_166 : vector<16xi32>
      %add3A_168 = arith.addi %mul3A_161, %mul3A_167 : vector<16xi32>
      %add3A_169 = arith.constant 1024 : i32
      %add3A_170 = vector.broadcast %add3A_169 : i32 to vector<16xi32>
      %add3A_171 = arith.addi %add3A_168, %add3A_170 : vector<16xi32>
      %add3A_172 = arith.constant 32 : i32
      %add3A_173 = vector.broadcast %add3A_172 : i32 to vector<16xi32>
      %add3A_174 = arith.addi %iota3A, %add3A_173 : vector<16xi32>
      %shift_right_arithmetic3A_175 = arith.constant 3 : i32
      %shift_right_arithmetic3A_176 = vector.broadcast %shift_right_arithmetic3A_175 : i32 to vector<16xi32>
      %shift_right_arithmetic3A_177 = arith.shrsi %add3A_174, %shift_right_arithmetic3A_176 : vector<16xi32>
      %mul3A_178 = arith.constant 4096 : i32
      %mul3A_179 = vector.broadcast %mul3A_178 : i32 to vector<16xi32>
      %mul3A_180 = arith.muli %shift_right_arithmetic3A_177, %mul3A_179 : vector<16xi32>
      %and3A_181 = arith.constant 7 : i32
      %and3A_182 = vector.broadcast %and3A_181 : i32 to vector<16xi32>
      %and3A_183 = arith.andi %add3A_174, %and3A_182 : vector<16xi32>
      %mul3A_184 = arith.constant 128 : i32
      %mul3A_185 = vector.broadcast %mul3A_184 : i32 to vector<16xi32>
      %mul3A_186 = arith.muli %and3A_183, %mul3A_185 : vector<16xi32>
      %add3A_187 = arith.addi %mul3A_180, %mul3A_186 : vector<16xi32>
      %add3A_188 = arith.constant 1024 : i32
      %add3A_189 = vector.broadcast %add3A_188 : i32 to vector<16xi32>
      %add3A_190 = arith.addi %add3A_187, %add3A_189 : vector<16xi32>
      %add3A_191 = arith.constant 48 : i32
      %add3A_192 = vector.broadcast %add3A_191 : i32 to vector<16xi32>
      %add3A_193 = arith.addi %iota3A, %add3A_192 : vector<16xi32>
      %shift_right_arithmetic3A_194 = arith.constant 3 : i32
      %shift_right_arithmetic3A_195 = vector.broadcast %shift_right_arithmetic3A_194 : i32 to vector<16xi32>
      %shift_right_arithmetic3A_196 = arith.shrsi %add3A_193, %shift_right_arithmetic3A_195 : vector<16xi32>
      %mul3A_197 = arith.constant 4096 : i32
      %mul3A_198 = vector.broadcast %mul3A_197 : i32 to vector<16xi32>
      %mul3A_199 = arith.muli %shift_right_arithmetic3A_196, %mul3A_198 : vector<16xi32>
      %and3A_200 = arith.constant 7 : i32
      %and3A_201 = vector.broadcast %and3A_200 : i32 to vector<16xi32>
      %and3A_202 = arith.andi %add3A_193, %and3A_201 : vector<16xi32>
      %mul3A_203 = arith.constant 128 : i32
      %mul3A_204 = vector.broadcast %mul3A_203 : i32 to vector<16xi32>
      %mul3A_205 = arith.muli %and3A_202, %mul3A_204 : vector<16xi32>
      %add3A_206 = arith.addi %mul3A_199, %mul3A_205 : vector<16xi32>
      %add3A_207 = arith.constant 1024 : i32
      %add3A_208 = vector.broadcast %add3A_207 : i32 to vector<16xi32>
      %add3A_209 = arith.addi %add3A_206, %add3A_208 : vector<16xi32>
      %parallel_loop3A_210 = arith.constant 0 : i32
      %parallel_loop3A_211 = arith.constant 128 : i32
      %parallel_loop3A_212 = arith.constant 1 : i32
      scf.for %parallel_loop3A_926 = %parallel_loop3A_210 to %parallel_loop3A_211 step %parallel_loop3A_212  : i32 {
        %parallel_loop3A_927 = arith.index_cast %parallel_loop3A_926 : i32 to index
        %parallel_loop3A_928 = arith.constant 0 : index
        %parallel_loop3A_929 = tpu.vector_load %arg7[%parallel_loop3A_927, %parallel_loop3A_928] {strides = array<i32>} : memref<128x64xf32, #tpu.memory_space<vmem>>, vector<16xf32>,
        %parallel_loop3A_930 = vector.broadcast %parallel_loop3A_926 : i32 to vector<16xi32>
        %parallel_loop3A_931 = arith.addi %add3A_152, %parallel_loop3A_930 : vector<16xi32>
        tpu.vector_store_idx %arg8[%parallel_loop3A_931], %parallel_loop3A_929 : memref<32768xf32, #tpu.memory_space<vmem>>[vector<16xi32>], vector<16xf32>,
        %parallel_loop3A_932 = arith.index_cast %parallel_loop3A_926 : i32 to index
        %parallel_loop3A_933 = arith.constant 16 : index
        %parallel_loop3A_934 = tpu.vector_load %arg7[%parallel_loop3A_932, %parallel_loop3A_933] {strides = array<i32>} : memref<128x64xf32, #tpu.memory_space<vmem>>, vector<16xf32>,
        %parallel_loop3A_935 = vector.broadcast %parallel_loop3A_926 : i32 to vector<16xi32>
        %parallel_loop3A_936 = arith.addi %add3A_171, %parallel_loop3A_935 : vector<16xi32>
        tpu.vector_store_idx %arg8[%parallel_loop3A_936], %parallel_loop3A_934 : memref<32768xf32, #tpu.memory_space<vmem>>[vector<16xi32>], vector<16xf32>,
        %parallel_loop3A_937 = arith.index_cast %parallel_loop3A_926 : i32 to index
        %parallel_loop3A_938 = arith.constant 32 : index
        %parallel_loop3A_939 = tpu.vector_load %arg7[%parallel_loop3A_937, %parallel_loop3A_938] {strides = array<i32>} : memref<128x64xf32, #tpu.memory_space<vmem>>, vector<16xf32>,
        %parallel_loop3A_940 = vector.broadcast %parallel_loop3A_926 : i32 to vector<16xi32>
        %parallel_loop3A_941 = arith.addi %add3A_190, %parallel_loop3A_940 : vector<16xi32>
        tpu.vector_store_idx %arg8[%parallel_loop3A_941], %parallel_loop3A_939 : memref<32768xf32, #tpu.memory_space<vmem>>[vector<16xi32>], vector<16xf32>,
        %parallel_loop3A_942 = arith.index_cast %parallel_loop3A_926 : i32 to index
        %parallel_loop3A_943 = arith.constant 48 : index
        %parallel_loop3A_944 = tpu.vector_load %arg7[%parallel_loop3A_942, %parallel_loop3A_943] {strides = array<i32>} : memref<128x64xf32, #tpu.memory_space<vmem>>, vector<16xf32>,
        %parallel_loop3A_945 = vector.broadcast %parallel_loop3A_926 : i32 to vector<16xi32>
        %parallel_loop3A_946 = arith.addi %add3A_209, %parallel_loop3A_945 : vector<16xi32>
        tpu.vector_store_idx %arg8[%parallel_loop3A_946], %parallel_loop3A_944 : memref<32768xf32, #tpu.memory_space<vmem>>[vector<16xi32>], vector<16xf32>,
      } {sc.loop_unroll_factor = 4 : i64, sc.parallel_access}
      %mul3A_213 = arith.constant 512 : i32
      %mul3A_214 = arith.muli %add3A_30, %mul3A_213 : i32
      %add3A_215 = arith.constant 384 : i32
      %add3A_216 = arith.addi %mul3A_214, %add3A_215 : i32
      %dma_start3A_217 = tpu.memref_slice %arg5[%add3A_216] : memref<25600xi32, #tpu.memory_space<vmem>> -> memref<128xi32, #tpu.memory_space<vmem>>
      %dma_start3A_218 = arith.constant 0 : i32
      %dma_start3A_219 = arith.constant 0 : i32
      %dma_start3A_220 = tpu.memref_slice %arg3[%dma_start3A_218, %dma_start3A_219] : memref<1000000x64xf32, #tpu.memory_space<hbm>> -> memref<1000000x64xf32, #tpu.memory_space<hbm>>
      tpu.enqueue_indirect_dma source(%dma_start3A_220 : memref<1000000x64xf32, #tpu.memory_space<hbm>>) target(%arg7 : memref<128x64xf32, #tpu.memory_space<vmem>>) offsets(%dma_start3A_217 : memref<128xi32, #tpu.memory_space<vmem>>) semaphore(%arg11 : memref<!tpu.dma_semaphore, #tpu.memory_space<semaphore_mem>>)
      %dma_wait3A_221 = arith.constant 0 : i32
      %dma_wait3A_222 = arith.constant 0 : i32
      %dma_wait3A_223 = tpu.memref_slice %arg3[%dma_wait3A_221, %dma_wait3A_222] : memref<1000000x64xf32, #tpu.memory_space<hbm>> -> memref<128x64xf32, #tpu.memory_space<hbm>>
      %dma_wait3A_224 = arith.constant 0 : i32
      %dma_wait3A_225 = arith.constant 0 : i32
      %dma_wait3A_226 = tpu.memref_slice %arg3[%dma_wait3A_224, %dma_wait3A_225] : memref<1000000x64xf32, #tpu.memory_space<hbm>> -> memref<128x64xf32, #tpu.memory_space<hbm>>
      tpu.wait_dma2 semaphore(%arg10 : memref<!tpu.dma_semaphore, #tpu.memory_space<semaphore_mem>>) src(%dma_wait3A_226 : memref<128x64xf32, #tpu.memory_space<hbm>>) dst(%arg6 : memref<128x64xf32, #tpu.memory_space<vmem>>)
      %add3A_227 = arith.constant 0 : i32
      %add3A_228 = vector.broadcast %add3A_227 : i32 to vector<16xi32>
      %add3A_229 = arith.addi %iota3A, %add3A_228 : vector<16xi32>
      %shift_right_arithmetic3A_230 = arith.constant 3 : i32
      %shift_right_arithmetic3A_231 = vector.broadcast %shift_right_arithmetic3A_230 : i32 to vector<16xi32>
      %shift_right_arithmetic3A_232 = arith.shrsi %add3A_229, %shift_right_arithmetic3A_231 : vector<16xi32>
      %mul3A_233 = arith.constant 4096 : i32
      %mul3A_234 = vector.broadcast %mul3A_233 : i32 to vector<16xi32>
      %mul3A_235 = arith.muli %shift_right_arithmetic3A_232, %mul3A_234 : vector<16xi32>
      %and3A_236 = arith.constant 7 : i32
      %and3A_237 = vector.broadcast %and3A_236 : i32 to vector<16xi32>
      %and3A_238 = arith.andi %add3A_229, %and3A_237 : vector<16xi32>
      %mul3A_239 = arith.constant 128 : i32
      %mul3A_240 = vector.broadcast %mul3A_239 : i32 to vector<16xi32>
      %mul3A_241 = arith.muli %and3A_238, %mul3A_240 : vector<16xi32>
      %add3A_242 = arith.addi %mul3A_235, %mul3A_241 : vector<16xi32>
      %add3A_243 = arith.constant 2048 : i32
      %add3A_244 = vector.broadcast %add3A_243 : i32 to vector<16xi32>
      %add3A_245 = arith.addi %add3A_242, %add3A_244 : vector<16xi32>
      %add3A_246 = arith.constant 16 : i32
      %add3A_247 = vector.broadcast %add3A_246 : i32 to vector<16xi32>
      %add3A_248 = arith.addi %iota3A, %add3A_247 : vector<16xi32>
      %shift_right_arithmetic3A_249 = arith.constant 3 : i32
      %shift_right_arithmetic3A_250 = vector.broadcast %shift_right_arithmetic3A_249 : i32 to vector<16xi32>
      %shift_right_arithmetic3A_251 = arith.shrsi %add3A_248, %shift_right_arithmetic3A_250 : vector<16xi32>
      %mul3A_252 = arith.constant 4096 : i32
      %mul3A_253 = vector.broadcast %mul3A_252 : i32 to vector<16xi32>
      %mul3A_254 = arith.muli %shift_right_arithmetic3A_251, %mul3A_253 : vector<16xi32>
      %and3A_255 = arith.constant 7 : i32
      %and3A_256 = vector.broadcast %and3A_255 : i32 to vector<16xi32>
      %and3A_257 = arith.andi %add3A_248, %and3A_256 : vector<16xi32>
      %mul3A_258 = arith.constant 128 : i32
      %mul3A_259 = vector.broadcast %mul3A_258 : i32 to vector<16xi32>
      %mul3A_260 = arith.muli %and3A_257, %mul3A_259 : vector<16xi32>
      %add3A_261 = arith.addi %mul3A_254, %mul3A_260 : vector<16xi32>
      %add3A_262 = arith.constant 2048 : i32
      %add3A_263 = vector.broadcast %add3A_262 : i32 to vector<16xi32>
      %add3A_264 = arith.addi %add3A_261, %add3A_263 : vector<16xi32>
      %add3A_265 = arith.constant 32 : i32
      %add3A_266 = vector.broadcast %add3A_265 : i32 to vector<16xi32>
      %add3A_267 = arith.addi %iota3A, %add3A_266 : vector<16xi32>
      %shift_right_arithmetic3A_268 = arith.constant 3 : i32
      %shift_right_arithmetic3A_269 = vector.broadcast %shift_right_arithmetic3A_268 : i32 to vector<16xi32>
      %shift_right_arithmetic3A_270 = arith.shrsi %add3A_267, %shift_right_arithmetic3A_269 : vector<16xi32>
      %mul3A_271 = arith.constant 4096 : i32
      %mul3A_272 = vector.broadcast %mul3A_271 : i32 to vector<16xi32>
      %mul3A_273 = arith.muli %shift_right_arithmetic3A_270, %mul3A_272 : vector<16xi32>
      %and3A_274 = arith.constant 7 : i32
      %and3A_275 = vector.broadcast %and3A_274 : i32 to vector<16xi32>
      %and3A_276 = arith.andi %add3A_267, %and3A_275 : vector<16xi32>
      %mul3A_277 = arith.constant 128 : i32
      %mul3A_278 = vector.broadcast %mul3A_277 : i32 to vector<16xi32>
      %mul3A_279 = arith.muli %and3A_276, %mul3A_278 : vector<16xi32>
      %add3A_280 = arith.addi %mul3A_273, %mul3A_279 : vector<16xi32>
      %add3A_281 = arith.constant 2048 : i32
      %add3A_282 = vector.broadcast %add3A_281 : i32 to vector<16xi32>
      %add3A_283 = arith.addi %add3A_280, %add3A_282 : vector<16xi32>
      %add3A_284 = arith.constant 48 : i32
      %add3A_285 = vector.broadcast %add3A_284 : i32 to vector<16xi32>
      %add3A_286 = arith.addi %iota3A, %add3A_285 : vector<16xi32>
      %shift_right_arithmetic3A_287 = arith.constant 3 : i32
      %shift_right_arithmetic3A_288 = vector.broadcast %shift_right_arithmetic3A_287 : i32 to vector<16xi32>
      %shift_right_arithmetic3A_289 = arith.shrsi %add3A_286, %shift_right_arithmetic3A_288 : vector<16xi32>
      %mul3A_290 = arith.constant 4096 : i32
      %mul3A_291 = vector.broadcast %mul3A_290 : i32 to vector<16xi32>
      %mul3A_292 = arith.muli %shift_right_arithmetic3A_289, %mul3A_291 : vector<16xi32>
      %and3A_293 = arith.constant 7 : i32
      %and3A_294 = vector.broadcast %and3A_293 : i32 to vector<16xi32>
      %and3A_295 = arith.andi %add3A_286, %and3A_294 : vector<16xi32>
      %mul3A_296 = arith.constant 128 : i32
      %mul3A_297 = vector.broadcast %mul3A_296 : i32 to vector<16xi32>
      %mul3A_298 = arith.muli %and3A_295, %mul3A_297 : vector<16xi32>
      %add3A_299 = arith.addi %mul3A_292, %mul3A_298 : vector<16xi32>
      %add3A_300 = arith.constant 2048 : i32
      %add3A_301 = vector.broadcast %add3A_300 : i32 to vector<16xi32>
      %add3A_302 = arith.addi %add3A_299, %add3A_301 : vector<16xi32>
      %parallel_loop3A_303 = arith.constant 0 : i32
      %parallel_loop3A_304 = arith.constant 128 : i32
      %parallel_loop3A_305 = arith.constant 1 : i32
      scf.for %parallel_loop3A_926 = %parallel_loop3A_303 to %parallel_loop3A_304 step %parallel_loop3A_305  : i32 {
        %parallel_loop3A_927 = arith.index_cast %parallel_loop3A_926 : i32 to index
        %parallel_loop3A_928 = arith.constant 0 : index
        %parallel_loop3A_929 = tpu.vector_load %arg6[%parallel_loop3A_927, %parallel_loop3A_928] {strides = array<i32>} : memref<128x64xf32, #tpu.memory_space<vmem>>, vector<16xf32>,
        %parallel_loop3A_930 = vector.broadcast %parallel_loop3A_926 : i32 to vector<16xi32>
        %parallel_loop3A_931 = arith.addi %add3A_245, %parallel_loop3A_930 : vector<16xi32>
        tpu.vector_store_idx %arg8[%parallel_loop3A_931], %parallel_loop3A_929 : memref<32768xf32, #tpu.memory_space<vmem>>[vector<16xi32>], vector<16xf32>,
        %parallel_loop3A_932 = arith.index_cast %parallel_loop3A_926 : i32 to index
        %parallel_loop3A_933 = arith.constant 16 : index
        %parallel_loop3A_934 = tpu.vector_load %arg6[%parallel_loop3A_932, %parallel_loop3A_933] {strides = array<i32>} : memref<128x64xf32, #tpu.memory_space<vmem>>, vector<16xf32>,
        %parallel_loop3A_935 = vector.broadcast %parallel_loop3A_926 : i32 to vector<16xi32>
        %parallel_loop3A_936 = arith.addi %add3A_264, %parallel_loop3A_935 : vector<16xi32>
        tpu.vector_store_idx %arg8[%parallel_loop3A_936], %parallel_loop3A_934 : memref<32768xf32, #tpu.memory_space<vmem>>[vector<16xi32>], vector<16xf32>,
        %parallel_loop3A_937 = arith.index_cast %parallel_loop3A_926 : i32 to index
        %parallel_loop3A_938 = arith.constant 32 : index
        %parallel_loop3A_939 = tpu.vector_load %arg6[%parallel_loop3A_937, %parallel_loop3A_938] {strides = array<i32>} : memref<128x64xf32, #tpu.memory_space<vmem>>, vector<16xf32>,
        %parallel_loop3A_940 = vector.broadcast %parallel_loop3A_926 : i32 to vector<16xi32>
        %parallel_loop3A_941 = arith.addi %add3A_283, %parallel_loop3A_940 : vector<16xi32>
        tpu.vector_store_idx %arg8[%parallel_loop3A_941], %parallel_loop3A_939 : memref<32768xf32, #tpu.memory_space<vmem>>[vector<16xi32>], vector<16xf32>,
        %parallel_loop3A_942 = arith.index_cast %parallel_loop3A_926 : i32 to index
        %parallel_loop3A_943 = arith.constant 48 : index
        %parallel_loop3A_944 = tpu.vector_load %arg6[%parallel_loop3A_942, %parallel_loop3A_943] {strides = array<i32>} : memref<128x64xf32, #tpu.memory_space<vmem>>, vector<16xf32>,
        %parallel_loop3A_945 = vector.broadcast %parallel_loop3A_926 : i32 to vector<16xi32>
        %parallel_loop3A_946 = arith.addi %add3A_302, %parallel_loop3A_945 : vector<16xi32>
        tpu.vector_store_idx %arg8[%parallel_loop3A_946], %parallel_loop3A_944 : memref<32768xf32, #tpu.memory_space<vmem>>[vector<16xi32>], vector<16xf32>,
      } {sc.loop_unroll_factor = 4 : i64, sc.parallel_access}
      %add3A_306 = arith.constant 1 : i32
      %add3A_307 = arith.addi %add3A_30, %add3A_306 : i32
      %lt3A = arith.constant 50 : i32
      %lt3A_308 = arith.cmpi slt, %add3A_307, %lt3A : i32
      %convert_element_type3A_309 = arith.extui %lt3A_308 : i1 to i32
      %cond3A_310 = arith.constant 0 : i32
      %cond3A_311 = arith.cmpi ne, %convert_element_type3A_309, %cond3A_310 : i32
      scf.if %cond3A_311 {
        %add3A_926 = arith.constant 1 : i32
        %add3A_927 = arith.addi %add3A_30, %add3A_926 : i32
        %mul3A_928 = arith.constant 512 : i32
        %mul3A_929 = arith.muli %add3A_927, %mul3A_928 : i32
        %add3A_930 = arith.constant 0 : i32
        %add3A_931 = arith.addi %mul3A_929, %add3A_930 : i32
        %dma_start3A_932 = tpu.memref_slice %arg5[%add3A_931] : memref<25600xi32, #tpu.memory_space<vmem>> -> memref<128xi32, #tpu.memory_space<vmem>>
        %dma_start3A_933 = arith.constant 0 : i32
        %dma_start3A_934 = arith.constant 0 : i32
        %dma_start3A_935 = tpu.memref_slice %arg3[%dma_start3A_933, %dma_start3A_934] : memref<1000000x64xf32, #tpu.memory_space<hbm>> -> memref<1000000x64xf32, #tpu.memory_space<hbm>>
        tpu.enqueue_indirect_dma source(%dma_start3A_935 : memref<1000000x64xf32, #tpu.memory_space<hbm>>) target(%arg6 : memref<128x64xf32, #tpu.memory_space<vmem>>) offsets(%dma_start3A_932 : memref<128xi32, #tpu.memory_space<vmem>>) semaphore(%arg10 : memref<!tpu.dma_semaphore, #tpu.memory_space<semaphore_mem>>)
      } else {
      }
      %dma_wait3A_312 = arith.constant 0 : i32
      %dma_wait3A_313 = arith.constant 0 : i32
      %dma_wait3A_314 = tpu.memref_slice %arg3[%dma_wait3A_312, %dma_wait3A_313] : memref<1000000x64xf32, #tpu.memory_space<hbm>> -> memref<128x64xf32, #tpu.memory_space<hbm>>
      %dma_wait3A_315 = arith.constant 0 : i32
      %dma_wait3A_316 = arith.constant 0 : i32
      %dma_wait3A_317 = tpu.memref_slice %arg3[%dma_wait3A_315, %dma_wait3A_316] : memref<1000000x64xf32, #tpu.memory_space<hbm>> -> memref<128x64xf32, #tpu.memory_space<hbm>>
      tpu.wait_dma2 semaphore(%arg11 : memref<!tpu.dma_semaphore, #tpu.memory_space<semaphore_mem>>) src(%dma_wait3A_317 : memref<128x64xf32, #tpu.memory_space<hbm>>) dst(%arg7 : memref<128x64xf32, #tpu.memory_space<vmem>>)
      %add3A_318 = arith.constant 0 : i32
      %add3A_319 = vector.broadcast %add3A_318 : i32 to vector<16xi32>
      %add3A_320 = arith.addi %iota3A, %add3A_319 : vector<16xi32>
      %shift_right_arithmetic3A_321 = arith.constant 3 : i32
      %shift_right_arithmetic3A_322 = vector.broadcast %shift_right_arithmetic3A_321 : i32 to vector<16xi32>
      %shift_right_arithmetic3A_323 = arith.shrsi %add3A_320, %shift_right_arithmetic3A_322 : vector<16xi32>
      %mul3A_324 = arith.constant 4096 : i32
      %mul3A_325 = vector.broadcast %mul3A_324 : i32 to vector<16xi32>
      %mul3A_326 = arith.muli %shift_right_arithmetic3A_323, %mul3A_325 : vector<16xi32>
      %and3A_327 = arith.constant 7 : i32
      %and3A_328 = vector.broadcast %and3A_327 : i32 to vector<16xi32>
      %and3A_329 = arith.andi %add3A_320, %and3A_328 : vector<16xi32>
      %mul3A_330 = arith.constant 128 : i32
      %mul3A_331 = vector.broadcast %mul3A_330 : i32 to vector<16xi32>
      %mul3A_332 = arith.muli %and3A_329, %mul3A_331 : vector<16xi32>
      %add3A_333 = arith.addi %mul3A_326, %mul3A_332 : vector<16xi32>
      %add3A_334 = arith.constant 3072 : i32
      %add3A_335 = vector.broadcast %add3A_334 : i32 to vector<16xi32>
      %add3A_336 = arith.addi %add3A_333, %add3A_335 : vector<16xi32>
      %add3A_337 = arith.constant 16 : i32
      %add3A_338 = vector.broadcast %add3A_337 : i32 to vector<16xi32>
      %add3A_339 = arith.addi %iota3A, %add3A_338 : vector<16xi32>
      %shift_right_arithmetic3A_340 = arith.constant 3 : i32
      %shift_right_arithmetic3A_341 = vector.broadcast %shift_right_arithmetic3A_340 : i32 to vector<16xi32>
      %shift_right_arithmetic3A_342 = arith.shrsi %add3A_339, %shift_right_arithmetic3A_341 : vector<16xi32>
      %mul3A_343 = arith.constant 4096 : i32
      %mul3A_344 = vector.broadcast %mul3A_343 : i32 to vector<16xi32>
      %mul3A_345 = arith.muli %shift_right_arithmetic3A_342, %mul3A_344 : vector<16xi32>
      %and3A_346 = arith.constant 7 : i32
      %and3A_347 = vector.broadcast %and3A_346 : i32 to vector<16xi32>
      %and3A_348 = arith.andi %add3A_339, %and3A_347 : vector<16xi32>
      %mul3A_349 = arith.constant 128 : i32
      %mul3A_350 = vector.broadcast %mul3A_349 : i32 to vector<16xi32>
      %mul3A_351 = arith.muli %and3A_348, %mul3A_350 : vector<16xi32>
      %add3A_352 = arith.addi %mul3A_345, %mul3A_351 : vector<16xi32>
      %add3A_353 = arith.constant 3072 : i32
      %add3A_354 = vector.broadcast %add3A_353 : i32 to vector<16xi32>
      %add3A_355 = arith.addi %add3A_352, %add3A_354 : vector<16xi32>
      %add3A_356 = arith.constant 32 : i32
      %add3A_357 = vector.broadcast %add3A_356 : i32 to vector<16xi32>
      %add3A_358 = arith.addi %iota3A, %add3A_357 : vector<16xi32>
      %shift_right_arithmetic3A_359 = arith.constant 3 : i32
      %shift_right_arithmetic3A_360 = vector.broadcast %shift_right_arithmetic3A_359 : i32 to vector<16xi32>
      %shift_right_arithmetic3A_361 = arith.shrsi %add3A_358, %shift_right_arithmetic3A_360 : vector<16xi32>
      %mul3A_362 = arith.constant 4096 : i32
      %mul3A_363 = vector.broadcast %mul3A_362 : i32 to vector<16xi32>
      %mul3A_364 = arith.muli %shift_right_arithmetic3A_361, %mul3A_363 : vector<16xi32>
      %and3A_365 = arith.constant 7 : i32
      %and3A_366 = vector.broadcast %and3A_365 : i32 to vector<16xi32>
      %and3A_367 = arith.andi %add3A_358, %and3A_366 : vector<16xi32>
      %mul3A_368 = arith.constant 128 : i32
      %mul3A_369 = vector.broadcast %mul3A_368 : i32 to vector<16xi32>
      %mul3A_370 = arith.muli %and3A_367, %mul3A_369 : vector<16xi32>
      %add3A_371 = arith.addi %mul3A_364, %mul3A_370 : vector<16xi32>
      %add3A_372 = arith.constant 3072 : i32
      %add3A_373 = vector.broadcast %add3A_372 : i32 to vector<16xi32>
      %add3A_374 = arith.addi %add3A_371, %add3A_373 : vector<16xi32>
      %add3A_375 = arith.constant 48 : i32
      %add3A_376 = vector.broadcast %add3A_375 : i32 to vector<16xi32>
      %add3A_377 = arith.addi %iota3A, %add3A_376 : vector<16xi32>
      %shift_right_arithmetic3A_378 = arith.constant 3 : i32
      %shift_right_arithmetic3A_379 = vector.broadcast %shift_right_arithmetic3A_378 : i32 to vector<16xi32>
      %shift_right_arithmetic3A_380 = arith.shrsi %add3A_377, %shift_right_arithmetic3A_379 : vector<16xi32>
      %mul3A_381 = arith.constant 4096 : i32
      %mul3A_382 = vector.broadcast %mul3A_381 : i32 to vector<16xi32>
      %mul3A_383 = arith.muli %shift_right_arithmetic3A_380, %mul3A_382 : vector<16xi32>
      %and3A_384 = arith.constant 7 : i32
      %and3A_385 = vector.broadcast %and3A_384 : i32 to vector<16xi32>
      %and3A_386 = arith.andi %add3A_377, %and3A_385 : vector<16xi32>
      %mul3A_387 = arith.constant 128 : i32
      %mul3A_388 = vector.broadcast %mul3A_387 : i32 to vector<16xi32>
      %mul3A_389 = arith.muli %and3A_386, %mul3A_388 : vector<16xi32>
      %add3A_390 = arith.addi %mul3A_383, %mul3A_389 : vector<16xi32>
      %add3A_391 = arith.constant 3072 : i32
      %add3A_392 = vector.broadcast %add3A_391 : i32 to vector<16xi32>
      %add3A_393 = arith.addi %add3A_390, %add3A_392 : vector<16xi32>
      %parallel_loop3A_394 = arith.constant 0 : i32
      %parallel_loop3A_395 = arith.constant 128 : i32
      %parallel_loop3A_396 = arith.constant 1 : i32
      scf.for %parallel_loop3A_926 = %parallel_loop3A_394 to %parallel_loop3A_395 step %parallel_loop3A_396  : i32 {
        %parallel_loop3A_927 = arith.index_cast %parallel_loop3A_926 : i32 to index
        %parallel_loop3A_928 = arith.constant 0 : index
        %parallel_loop3A_929 = tpu.vector_load %arg7[%parallel_loop3A_927, %parallel_loop3A_928] {strides = array<i32>} : memref<128x64xf32, #tpu.memory_space<vmem>>, vector<16xf32>,
        %parallel_loop3A_930 = vector.broadcast %parallel_loop3A_926 : i32 to vector<16xi32>
        %parallel_loop3A_931 = arith.addi %add3A_336, %parallel_loop3A_930 : vector<16xi32>
        tpu.vector_store_idx %arg8[%parallel_loop3A_931], %parallel_loop3A_929 : memref<32768xf32, #tpu.memory_space<vmem>>[vector<16xi32>], vector<16xf32>,
        %parallel_loop3A_932 = arith.index_cast %parallel_loop3A_926 : i32 to index
        %parallel_loop3A_933 = arith.constant 16 : index
        %parallel_loop3A_934 = tpu.vector_load %arg7[%parallel_loop3A_932, %parallel_loop3A_933] {strides = array<i32>} : memref<128x64xf32, #tpu.memory_space<vmem>>, vector<16xf32>,
        %parallel_loop3A_935 = vector.broadcast %parallel_loop3A_926 : i32 to vector<16xi32>
        %parallel_loop3A_936 = arith.addi %add3A_355, %parallel_loop3A_935 : vector<16xi32>
        tpu.vector_store_idx %arg8[%parallel_loop3A_936], %parallel_loop3A_934 : memref<32768xf32, #tpu.memory_space<vmem>>[vector<16xi32>], vector<16xf32>,
        %parallel_loop3A_937 = arith.index_cast %parallel_loop3A_926 : i32 to index
        %parallel_loop3A_938 = arith.constant 32 : index
        %parallel_loop3A_939 = tpu.vector_load %arg7[%parallel_loop3A_937, %parallel_loop3A_938] {strides = array<i32>} : memref<128x64xf32, #tpu.memory_space<vmem>>, vector<16xf32>,
        %parallel_loop3A_940 = vector.broadcast %parallel_loop3A_926 : i32 to vector<16xi32>
        %parallel_loop3A_941 = arith.addi %add3A_374, %parallel_loop3A_940 : vector<16xi32>
        tpu.vector_store_idx %arg8[%parallel_loop3A_941], %parallel_loop3A_939 : memref<32768xf32, #tpu.memory_space<vmem>>[vector<16xi32>], vector<16xf32>,
        %parallel_loop3A_942 = arith.index_cast %parallel_loop3A_926 : i32 to index
        %parallel_loop3A_943 = arith.constant 48 : index
        %parallel_loop3A_944 = tpu.vector_load %arg7[%parallel_loop3A_942, %parallel_loop3A_943] {strides = array<i32>} : memref<128x64xf32, #tpu.memory_space<vmem>>, vector<16xf32>,
        %parallel_loop3A_945 = vector.broadcast %parallel_loop3A_926 : i32 to vector<16xi32>
        %parallel_loop3A_946 = arith.addi %add3A_393, %parallel_loop3A_945 : vector<16xi32>
        tpu.vector_store_idx %arg8[%parallel_loop3A_946], %parallel_loop3A_944 : memref<32768xf32, #tpu.memory_space<vmem>>[vector<16xi32>], vector<16xf32>,
      } {sc.loop_unroll_factor = 4 : i64, sc.parallel_access}
      %add3A_397 = arith.constant 1 : i32
      %add3A_398 = arith.addi %add3A_30, %add3A_397 : i32
      %lt3A_399 = arith.constant 50 : i32
      %lt3A_400 = arith.cmpi slt, %add3A_398, %lt3A_399 : i32
      %convert_element_type3A_401 = arith.extui %lt3A_400 : i1 to i32
      %cond3A_402 = arith.constant 0 : i32
      %cond3A_403 = arith.cmpi ne, %convert_element_type3A_401, %cond3A_402 : i32
      scf.if %cond3A_403 {
        %add3A_926 = arith.constant 1 : i32
        %add3A_927 = arith.addi %add3A_30, %add3A_926 : i32
        %mul3A_928 = arith.constant 512 : i32
        %mul3A_929 = arith.muli %add3A_927, %mul3A_928 : i32
        %add3A_930 = arith.constant 128 : i32
        %add3A_931 = arith.addi %mul3A_929, %add3A_930 : i32
        %dma_start3A_932 = tpu.memref_slice %arg5[%add3A_931] : memref<25600xi32, #tpu.memory_space<vmem>> -> memref<128xi32, #tpu.memory_space<vmem>>
        %dma_start3A_933 = arith.constant 0 : i32
        %dma_start3A_934 = arith.constant 0 : i32
        %dma_start3A_935 = tpu.memref_slice %arg3[%dma_start3A_933, %dma_start3A_934] : memref<1000000x64xf32, #tpu.memory_space<hbm>> -> memref<1000000x64xf32, #tpu.memory_space<hbm>>
        tpu.enqueue_indirect_dma source(%dma_start3A_935 : memref<1000000x64xf32, #tpu.memory_space<hbm>>) target(%arg7 : memref<128x64xf32, #tpu.memory_space<vmem>>) offsets(%dma_start3A_932 : memref<128xi32, #tpu.memory_space<vmem>>) semaphore(%arg11 : memref<!tpu.dma_semaphore, #tpu.memory_space<semaphore_mem>>)
      } else {
      }
      %mul3A_404 = arith.constant 262144 : i32
      %mul3A_405 = arith.muli %shift_right_arithmetic3A_34, %mul3A_404 : i32
      %mul3A_406 = arith.constant 4096 : i32
      %mul3A_407 = arith.muli %and3A_35, %mul3A_406 : i32
      %add3A_408 = arith.addi %mul3A_405, %mul3A_407 : i32
      %add3A_409 = arith.constant 0 : i32
      %add3A_410 = arith.addi %add3A_408, %add3A_409 : i32
      %dma_start3A_411 = arith.constant 0 : i32
      %dma_start3A_412 = tpu.memref_slice %arg8[%dma_start3A_411] : memref<32768xf32, #tpu.memory_space<vmem>> -> memref<4096xf32, #tpu.memory_space<vmem>>
      %dma_start3A_413 = tpu.memref_slice %arg4[%add3A_410] : memref<52428800xf32, #tpu.memory_space<hbm>> -> memref<4096xf32, #tpu.memory_space<hbm>>
      %dma_start3A_414 = tpu.memref_slice %arg4[%add3A_410] : memref<52428800xf32, #tpu.memory_space<hbm>> -> memref<4096xf32, #tpu.memory_space<hbm>>
      %dma_start3A_415 = arith.constant 0 : i32
      %dma_start3A_416 = tpu.memref_slice %arg8[%dma_start3A_415] : memref<32768xf32, #tpu.memory_space<vmem>> -> memref<4096xf32, #tpu.memory_space<vmem>>
      tpu.enqueue_dma source(%dma_start3A_416 : memref<4096xf32, #tpu.memory_space<vmem>>) target(%dma_start3A_414 : memref<4096xf32, #tpu.memory_space<hbm>>) target_semaphore(%arg12 : memref<!tpu.dma_semaphore, #tpu.memory_space<semaphore_mem>>)
      %add3A_417 = arith.constant 32768 : i32
      %add3A_418 = arith.addi %add3A_408, %add3A_417 : i32
      %dma_start3A_419 = arith.constant 4096 : i32
      %dma_start3A_420 = tpu.memref_slice %arg8[%dma_start3A_419] : memref<32768xf32, #tpu.memory_space<vmem>> -> memref<4096xf32, #tpu.memory_space<vmem>>
      %dma_start3A_421 = tpu.memref_slice %arg4[%add3A_418] : memref<52428800xf32, #tpu.memory_space<hbm>> -> memref<4096xf32, #tpu.memory_space<hbm>>
      %dma_start3A_422 = tpu.memref_slice %arg4[%add3A_418] : memref<52428800xf32, #tpu.memory_space<hbm>> -> memref<4096xf32, #tpu.memory_space<hbm>>
      %dma_start3A_423 = arith.constant 4096 : i32
      %dma_start3A_424 = tpu.memref_slice %arg8[%dma_start3A_423] : memref<32768xf32, #tpu.memory_space<vmem>> -> memref<4096xf32, #tpu.memory_space<vmem>>
      tpu.enqueue_dma source(%dma_start3A_424 : memref<4096xf32, #tpu.memory_space<vmem>>) target(%dma_start3A_422 : memref<4096xf32, #tpu.memory_space<hbm>>) target_semaphore(%arg12 : memref<!tpu.dma_semaphore, #tpu.memory_space<semaphore_mem>>)
      %add3A_425 = arith.constant 65536 : i32
      %add3A_426 = arith.addi %add3A_408, %add3A_425 : i32
      %dma_start3A_427 = arith.constant 8192 : i32
      %dma_start3A_428 = tpu.memref_slice %arg8[%dma_start3A_427] : memref<32768xf32, #tpu.memory_space<vmem>> -> memref<4096xf32, #tpu.memory_space<vmem>>
      %dma_start3A_429 = tpu.memref_slice %arg4[%add3A_426] : memref<52428800xf32, #tpu.memory_space<hbm>> -> memref<4096xf32, #tpu.memory_space<hbm>>
      %dma_start3A_430 = tpu.memref_slice %arg4[%add3A_426] : memref<52428800xf32, #tpu.memory_space<hbm>> -> memref<4096xf32, #tpu.memory_space<hbm>>
      %dma_start3A_431 = arith.constant 8192 : i32
      %dma_start3A_432 = tpu.memref_slice %arg8[%dma_start3A_431] : memref<32768xf32, #tpu.memory_space<vmem>> -> memref<4096xf32, #tpu.memory_space<vmem>>
      tpu.enqueue_dma source(%dma_start3A_432 : memref<4096xf32, #tpu.memory_space<vmem>>) target(%dma_start3A_430 : memref<4096xf32, #tpu.memory_space<hbm>>) target_semaphore(%arg12 : memref<!tpu.dma_semaphore, #tpu.memory_space<semaphore_mem>>)
      %add3A_433 = arith.constant 98304 : i32
      %add3A_434 = arith.addi %add3A_408, %add3A_433 : i32
      %dma_start3A_435 = arith.constant 12288 : i32
      %dma_start3A_436 = tpu.memref_slice %arg8[%dma_start3A_435] : memref<32768xf32, #tpu.memory_space<vmem>> -> memref<4096xf32, #tpu.memory_space<vmem>>
      %dma_start3A_437 = tpu.memref_slice %arg4[%add3A_434] : memref<52428800xf32, #tpu.memory_space<hbm>> -> memref<4096xf32, #tpu.memory_space<hbm>>
      %dma_start3A_438 = tpu.memref_slice %arg4[%add3A_434] : memref<52428800xf32, #tpu.memory_space<hbm>> -> memref<4096xf32, #tpu.memory_space<hbm>>
      %dma_start3A_439 = arith.constant 12288 : i32
      %dma_start3A_440 = tpu.memref_slice %arg8[%dma_start3A_439] : memref<32768xf32, #tpu.memory_space<vmem>> -> memref<4096xf32, #tpu.memory_space<vmem>>
      tpu.enqueue_dma source(%dma_start3A_440 : memref<4096xf32, #tpu.memory_space<vmem>>) target(%dma_start3A_438 : memref<4096xf32, #tpu.memory_space<hbm>>) target_semaphore(%arg12 : memref<!tpu.dma_semaphore, #tpu.memory_space<semaphore_mem>>)
      %add3A_441 = arith.constant 131072 : i32
      %add3A_442 = arith.addi %add3A_408, %add3A_441 : i32
      %dma_start3A_443 = arith.constant 16384 : i32
      %dma_start3A_444 = tpu.memref_slice %arg8[%dma_start3A_443] : memref<32768xf32, #tpu.memory_space<vmem>> -> memref<4096xf32, #tpu.memory_space<vmem>>
      %dma_start3A_445 = tpu.memref_slice %arg4[%add3A_442] : memref<52428800xf32, #tpu.memory_space<hbm>> -> memref<4096xf32, #tpu.memory_space<hbm>>
      %dma_start3A_446 = tpu.memref_slice %arg4[%add3A_442] : memref<52428800xf32, #tpu.memory_space<hbm>> -> memref<4096xf32, #tpu.memory_space<hbm>>
      %dma_start3A_447 = arith.constant 16384 : i32
      %dma_start3A_448 = tpu.memref_slice %arg8[%dma_start3A_447] : memref<32768xf32, #tpu.memory_space<vmem>> -> memref<4096xf32, #tpu.memory_space<vmem>>
      tpu.enqueue_dma source(%dma_start3A_448 : memref<4096xf32, #tpu.memory_space<vmem>>) target(%dma_start3A_446 : memref<4096xf32, #tpu.memory_space<hbm>>) target_semaphore(%arg12 : memref<!tpu.dma_semaphore, #tpu.memory_space<semaphore_mem>>)
      %add3A_449 = arith.constant 163840 : i32
      %add3A_450 = arith.addi %add3A_408, %add3A_449 : i32
      %dma_start3A_451 = arith.constant 20480 : i32
      %dma_start3A_452 = tpu.memref_slice %arg8[%dma_start3A_451] : memref<32768xf32, #tpu.memory_space<vmem>> -> memref<4096xf32, #tpu.memory_space<vmem>>
      %dma_start3A_453 = tpu.memref_slice %arg4[%add3A_450] : memref<52428800xf32, #tpu.memory_space<hbm>> -> memref<4096xf32, #tpu.memory_space<hbm>>
      %dma_start3A_454 = tpu.memref_slice %arg4[%add3A_450] : memref<52428800xf32, #tpu.memory_space<hbm>> -> memref<4096xf32, #tpu.memory_space<hbm>>
      %dma_start3A_455 = arith.constant 20480 : i32
      %dma_start3A_456 = tpu.memref_slice %arg8[%dma_start3A_455] : memref<32768xf32, #tpu.memory_space<vmem>> -> memref<4096xf32, #tpu.memory_space<vmem>>
      tpu.enqueue_dma source(%dma_start3A_456 : memref<4096xf32, #tpu.memory_space<vmem>>) target(%dma_start3A_454 : memref<4096xf32, #tpu.memory_space<hbm>>) target_semaphore(%arg12 : memref<!tpu.dma_semaphore, #tpu.memory_space<semaphore_mem>>)
      %add3A_457 = arith.constant 196608 : i32
      %add3A_458 = arith.addi %add3A_408, %add3A_457 : i32
      %dma_start3A_459 = arith.constant 24576 : i32
      %dma_start3A_460 = tpu.memref_slice %arg8[%dma_start3A_459] : memref<32768xf32, #tpu.memory_space<vmem>> -> memref<4096xf32, #tpu.memory_space<vmem>>
      %dma_start3A_461 = tpu.memref_slice %arg4[%add3A_458] : memref<52428800xf32, #tpu.memory_space<hbm>> -> memref<4096xf32, #tpu.memory_space<hbm>>
      %dma_start3A_462 = tpu.memref_slice %arg4[%add3A_458] : memref<52428800xf32, #tpu.memory_space<hbm>> -> memref<4096xf32, #tpu.memory_space<hbm>>
      %dma_start3A_463 = arith.constant 24576 : i32
      %dma_start3A_464 = tpu.memref_slice %arg8[%dma_start3A_463] : memref<32768xf32, #tpu.memory_space<vmem>> -> memref<4096xf32, #tpu.memory_space<vmem>>
      tpu.enqueue_dma source(%dma_start3A_464 : memref<4096xf32, #tpu.memory_space<vmem>>) target(%dma_start3A_462 : memref<4096xf32, #tpu.memory_space<hbm>>) target_semaphore(%arg12 : memref<!tpu.dma_semaphore, #tpu.memory_space<semaphore_mem>>)
      %add3A_465 = arith.constant 229376 : i32
      %add3A_466 = arith.addi %add3A_408, %add3A_465 : i32
      %dma_start3A_467 = arith.constant 28672 : i32
      %dma_start3A_468 = tpu.memref_slice %arg8[%dma_start3A_467] : memref<32768xf32, #tpu.memory_space<vmem>> -> memref<4096xf32, #tpu.memory_space<vmem>>
      %dma_start3A_469 = tpu.memref_slice %arg4[%add3A_466] : memref<52428800xf32, #tpu.memory_space<hbm>> -> memref<4096xf32, #tpu.memory_space<hbm>>
      %dma_start3A_470 = tpu.memref_slice %arg4[%add3A_466] : memref<52428800xf32, #tpu.memory_space<hbm>> -> memref<4096xf32, #tpu.memory_space<hbm>>
      %dma_start3A_471 = arith.constant 28672 : i32
      %dma_start3A_472 = tpu.memref_slice %arg8[%dma_start3A_471] : memref<32768xf32, #tpu.memory_space<vmem>> -> memref<4096xf32, #tpu.memory_space<vmem>>
      tpu.enqueue_dma source(%dma_start3A_472 : memref<4096xf32, #tpu.memory_space<vmem>>) target(%dma_start3A_470 : memref<4096xf32, #tpu.memory_space<hbm>>) target_semaphore(%arg12 : memref<!tpu.dma_semaphore, #tpu.memory_space<semaphore_mem>>)
      %mul3A_473 = arith.constant 2 : i32
      %mul3A_474 = arith.muli %mul3A_473, %scan3A_26 : i32
      %add3A_475 = arith.constant 1 : i32
      %add3A_476 = arith.addi %mul3A_474, %add3A_475 : i32
      %ge3A_477 = arith.constant 2 : i32
      %ge3A_478 = arith.cmpi sge, %add3A_476, %ge3A_477 : i32
      %convert_element_type3A_479 = arith.extui %ge3A_478 : i1 to i32
      %cond3A_480 = arith.constant 0 : i32
      %cond3A_481 = arith.cmpi ne, %convert_element_type3A_479, %cond3A_480 : i32
      scf.if %cond3A_481 {
        %dma_wait3A_926 = arith.constant 0 : i32
        %dma_wait3A_927 = tpu.memref_slice %arg4[%dma_wait3A_926] : memref<52428800xf32, #tpu.memory_space<hbm>> -> memref<32768xf32, #tpu.memory_space<hbm>>
        %dma_wait3A_928 = arith.constant 0 : i32
        %dma_wait3A_929 = tpu.memref_slice %arg4[%dma_wait3A_928] : memref<52428800xf32, #tpu.memory_space<hbm>> -> memref<32768xf32, #tpu.memory_space<hbm>>
        tpu.wait_dma2 semaphore(%arg13 : memref<!tpu.dma_semaphore, #tpu.memory_space<semaphore_mem>>) src(%dma_wait3A_929 : memref<32768xf32, #tpu.memory_space<hbm>>) dst(%arg9 : memref<32768xf32, #tpu.memory_space<vmem>>)
      } else {
      }
      %add3A_482 = arith.addi %mul3A_2, %add3A_476 : i32
      %shift_right_arithmetic3A_483 = arith.constant 3 : i32
      %shift_right_arithmetic3A_484 = arith.shrsi %add3A_482, %shift_right_arithmetic3A_483 : i32
      %and3A_485 = arith.constant 7 : i32
      %and3A_486 = arith.andi %add3A_482, %and3A_485 : i32
      %dma_wait3A_487 = arith.constant 0 : i32
      %dma_wait3A_488 = arith.constant 0 : i32
      %dma_wait3A_489 = tpu.memref_slice %arg3[%dma_wait3A_487, %dma_wait3A_488] : memref<1000000x64xf32, #tpu.memory_space<hbm>> -> memref<128x64xf32, #tpu.memory_space<hbm>>
      %dma_wait3A_490 = arith.constant 0 : i32
      %dma_wait3A_491 = arith.constant 0 : i32
      %dma_wait3A_492 = tpu.memref_slice %arg3[%dma_wait3A_490, %dma_wait3A_491] : memref<1000000x64xf32, #tpu.memory_space<hbm>> -> memref<128x64xf32, #tpu.memory_space<hbm>>
      tpu.wait_dma2 semaphore(%arg10 : memref<!tpu.dma_semaphore, #tpu.memory_space<semaphore_mem>>) src(%dma_wait3A_492 : memref<128x64xf32, #tpu.memory_space<hbm>>) dst(%arg6 : memref<128x64xf32, #tpu.memory_space<vmem>>)
      %add3A_493 = arith.constant 0 : i32
      %add3A_494 = vector.broadcast %add3A_493 : i32 to vector<16xi32>
      %add3A_495 = arith.addi %iota3A, %add3A_494 : vector<16xi32>
      %shift_right_arithmetic3A_496 = arith.constant 3 : i32
      %shift_right_arithmetic3A_497 = vector.broadcast %shift_right_arithmetic3A_496 : i32 to vector<16xi32>
      %shift_right_arithmetic3A_498 = arith.shrsi %add3A_495, %shift_right_arithmetic3A_497 : vector<16xi32>
      %mul3A_499 = arith.constant 4096 : i32
      %mul3A_500 = vector.broadcast %mul3A_499 : i32 to vector<16xi32>
      %mul3A_501 = arith.muli %shift_right_arithmetic3A_498, %mul3A_500 : vector<16xi32>
      %and3A_502 = arith.constant 7 : i32
      %and3A_503 = vector.broadcast %and3A_502 : i32 to vector<16xi32>
      %and3A_504 = arith.andi %add3A_495, %and3A_503 : vector<16xi32>
      %mul3A_505 = arith.constant 128 : i32
      %mul3A_506 = vector.broadcast %mul3A_505 : i32 to vector<16xi32>
      %mul3A_507 = arith.muli %and3A_504, %mul3A_506 : vector<16xi32>
      %add3A_508 = arith.addi %mul3A_501, %mul3A_507 : vector<16xi32>
      %add3A_509 = arith.constant 0 : i32
      %add3A_510 = vector.broadcast %add3A_509 : i32 to vector<16xi32>
      %add3A_511 = arith.addi %add3A_508, %add3A_510 : vector<16xi32>
      %add3A_512 = arith.constant 16 : i32
      %add3A_513 = vector.broadcast %add3A_512 : i32 to vector<16xi32>
      %add3A_514 = arith.addi %iota3A, %add3A_513 : vector<16xi32>
      %shift_right_arithmetic3A_515 = arith.constant 3 : i32
      %shift_right_arithmetic3A_516 = vector.broadcast %shift_right_arithmetic3A_515 : i32 to vector<16xi32>
      %shift_right_arithmetic3A_517 = arith.shrsi %add3A_514, %shift_right_arithmetic3A_516 : vector<16xi32>
      %mul3A_518 = arith.constant 4096 : i32
      %mul3A_519 = vector.broadcast %mul3A_518 : i32 to vector<16xi32>
      %mul3A_520 = arith.muli %shift_right_arithmetic3A_517, %mul3A_519 : vector<16xi32>
      %and3A_521 = arith.constant 7 : i32
      %and3A_522 = vector.broadcast %and3A_521 : i32 to vector<16xi32>
      %and3A_523 = arith.andi %add3A_514, %and3A_522 : vector<16xi32>
      %mul3A_524 = arith.constant 128 : i32
      %mul3A_525 = vector.broadcast %mul3A_524 : i32 to vector<16xi32>
      %mul3A_526 = arith.muli %and3A_523, %mul3A_525 : vector<16xi32>
      %add3A_527 = arith.addi %mul3A_520, %mul3A_526 : vector<16xi32>
      %add3A_528 = arith.constant 0 : i32
      %add3A_529 = vector.broadcast %add3A_528 : i32 to vector<16xi32>
      %add3A_530 = arith.addi %add3A_527, %add3A_529 : vector<16xi32>
      %add3A_531 = arith.constant 32 : i32
      %add3A_532 = vector.broadcast %add3A_531 : i32 to vector<16xi32>
      %add3A_533 = arith.addi %iota3A, %add3A_532 : vector<16xi32>
      %shift_right_arithmetic3A_534 = arith.constant 3 : i32
      %shift_right_arithmetic3A_535 = vector.broadcast %shift_right_arithmetic3A_534 : i32 to vector<16xi32>
      %shift_right_arithmetic3A_536 = arith.shrsi %add3A_533, %shift_right_arithmetic3A_535 : vector<16xi32>
      %mul3A_537 = arith.constant 4096 : i32
      %mul3A_538 = vector.broadcast %mul3A_537 : i32 to vector<16xi32>
      %mul3A_539 = arith.muli %shift_right_arithmetic3A_536, %mul3A_538 : vector<16xi32>
      %and3A_540 = arith.constant 7 : i32
      %and3A_541 = vector.broadcast %and3A_540 : i32 to vector<16xi32>
      %and3A_542 = arith.andi %add3A_533, %and3A_541 : vector<16xi32>
      %mul3A_543 = arith.constant 128 : i32
      %mul3A_544 = vector.broadcast %mul3A_543 : i32 to vector<16xi32>
      %mul3A_545 = arith.muli %and3A_542, %mul3A_544 : vector<16xi32>
      %add3A_546 = arith.addi %mul3A_539, %mul3A_545 : vector<16xi32>
      %add3A_547 = arith.constant 0 : i32
      %add3A_548 = vector.broadcast %add3A_547 : i32 to vector<16xi32>
      %add3A_549 = arith.addi %add3A_546, %add3A_548 : vector<16xi32>
      %add3A_550 = arith.constant 48 : i32
      %add3A_551 = vector.broadcast %add3A_550 : i32 to vector<16xi32>
      %add3A_552 = arith.addi %iota3A, %add3A_551 : vector<16xi32>
      %shift_right_arithmetic3A_553 = arith.constant 3 : i32
      %shift_right_arithmetic3A_554 = vector.broadcast %shift_right_arithmetic3A_553 : i32 to vector<16xi32>
      %shift_right_arithmetic3A_555 = arith.shrsi %add3A_552, %shift_right_arithmetic3A_554 : vector<16xi32>
      %mul3A_556 = arith.constant 4096 : i32
      %mul3A_557 = vector.broadcast %mul3A_556 : i32 to vector<16xi32>
      %mul3A_558 = arith.muli %shift_right_arithmetic3A_555, %mul3A_557 : vector<16xi32>
      %and3A_559 = arith.constant 7 : i32
      %and3A_560 = vector.broadcast %and3A_559 : i32 to vector<16xi32>
      %and3A_561 = arith.andi %add3A_552, %and3A_560 : vector<16xi32>
      %mul3A_562 = arith.constant 128 : i32
      %mul3A_563 = vector.broadcast %mul3A_562 : i32 to vector<16xi32>
      %mul3A_564 = arith.muli %and3A_561, %mul3A_563 : vector<16xi32>
      %add3A_565 = arith.addi %mul3A_558, %mul3A_564 : vector<16xi32>
      %add3A_566 = arith.constant 0 : i32
      %add3A_567 = vector.broadcast %add3A_566 : i32 to vector<16xi32>
      %add3A_568 = arith.addi %add3A_565, %add3A_567 : vector<16xi32>
      %parallel_loop3A_569 = arith.constant 0 : i32
      %parallel_loop3A_570 = arith.constant 128 : i32
      %parallel_loop3A_571 = arith.constant 1 : i32
      scf.for %parallel_loop3A_926 = %parallel_loop3A_569 to %parallel_loop3A_570 step %parallel_loop3A_571  : i32 {
        %parallel_loop3A_927 = arith.index_cast %parallel_loop3A_926 : i32 to index
        %parallel_loop3A_928 = arith.constant 0 : index
        %parallel_loop3A_929 = tpu.vector_load %arg6[%parallel_loop3A_927, %parallel_loop3A_928] {strides = array<i32>} : memref<128x64xf32, #tpu.memory_space<vmem>>, vector<16xf32>,
        %parallel_loop3A_930 = vector.broadcast %parallel_loop3A_926 : i32 to vector<16xi32>
        %parallel_loop3A_931 = arith.addi %add3A_511, %parallel_loop3A_930 : vector<16xi32>
        tpu.vector_store_idx %arg9[%parallel_loop3A_931], %parallel_loop3A_929 : memref<32768xf32, #tpu.memory_space<vmem>>[vector<16xi32>], vector<16xf32>,
        %parallel_loop3A_932 = arith.index_cast %parallel_loop3A_926 : i32 to index
        %parallel_loop3A_933 = arith.constant 16 : index
        %parallel_loop3A_934 = tpu.vector_load %arg6[%parallel_loop3A_932, %parallel_loop3A_933] {strides = array<i32>} : memref<128x64xf32, #tpu.memory_space<vmem>>, vector<16xf32>,
        %parallel_loop3A_935 = vector.broadcast %parallel_loop3A_926 : i32 to vector<16xi32>
        %parallel_loop3A_936 = arith.addi %add3A_530, %parallel_loop3A_935 : vector<16xi32>
        tpu.vector_store_idx %arg9[%parallel_loop3A_936], %parallel_loop3A_934 : memref<32768xf32, #tpu.memory_space<vmem>>[vector<16xi32>], vector<16xf32>,
        %parallel_loop3A_937 = arith.index_cast %parallel_loop3A_926 : i32 to index
        %parallel_loop3A_938 = arith.constant 32 : index
        %parallel_loop3A_939 = tpu.vector_load %arg6[%parallel_loop3A_937, %parallel_loop3A_938] {strides = array<i32>} : memref<128x64xf32, #tpu.memory_space<vmem>>, vector<16xf32>,
        %parallel_loop3A_940 = vector.broadcast %parallel_loop3A_926 : i32 to vector<16xi32>
        %parallel_loop3A_941 = arith.addi %add3A_549, %parallel_loop3A_940 : vector<16xi32>
        tpu.vector_store_idx %arg9[%parallel_loop3A_941], %parallel_loop3A_939 : memref<32768xf32, #tpu.memory_space<vmem>>[vector<16xi32>], vector<16xf32>,
        %parallel_loop3A_942 = arith.index_cast %parallel_loop3A_926 : i32 to index
        %parallel_loop3A_943 = arith.constant 48 : index
        %parallel_loop3A_944 = tpu.vector_load %arg6[%parallel_loop3A_942, %parallel_loop3A_943] {strides = array<i32>} : memref<128x64xf32, #tpu.memory_space<vmem>>, vector<16xf32>,
        %parallel_loop3A_945 = vector.broadcast %parallel_loop3A_926 : i32 to vector<16xi32>
        %parallel_loop3A_946 = arith.addi %add3A_568, %parallel_loop3A_945 : vector<16xi32>
        tpu.vector_store_idx %arg9[%parallel_loop3A_946], %parallel_loop3A_944 : memref<32768xf32, #tpu.memory_space<vmem>>[vector<16xi32>], vector<16xf32>,
      } {sc.loop_unroll_factor = 4 : i64, sc.parallel_access}
      %mul3A_572 = arith.constant 512 : i32
      %mul3A_573 = arith.muli %add3A_476, %mul3A_572 : i32
      %add3A_574 = arith.constant 256 : i32
      %add3A_575 = arith.addi %mul3A_573, %add3A_574 : i32
      %dma_start3A_576 = tpu.memref_slice %arg5[%add3A_575] : memref<25600xi32, #tpu.memory_space<vmem>> -> memref<128xi32, #tpu.memory_space<vmem>>
      %dma_start3A_577 = arith.constant 0 : i32
      %dma_start3A_578 = arith.constant 0 : i32
      %dma_start3A_579 = tpu.memref_slice %arg3[%dma_start3A_577, %dma_start3A_578] : memref<1000000x64xf32, #tpu.memory_space<hbm>> -> memref<1000000x64xf32, #tpu.memory_space<hbm>>
      tpu.enqueue_indirect_dma source(%dma_start3A_579 : memref<1000000x64xf32, #tpu.memory_space<hbm>>) target(%arg6 : memref<128x64xf32, #tpu.memory_space<vmem>>) offsets(%dma_start3A_576 : memref<128xi32, #tpu.memory_space<vmem>>) semaphore(%arg10 : memref<!tpu.dma_semaphore, #tpu.memory_space<semaphore_mem>>)
      %dma_wait3A_580 = arith.constant 0 : i32
      %dma_wait3A_581 = arith.constant 0 : i32
      %dma_wait3A_582 = tpu.memref_slice %arg3[%dma_wait3A_580, %dma_wait3A_581] : memref<1000000x64xf32, #tpu.memory_space<hbm>> -> memref<128x64xf32, #tpu.memory_space<hbm>>
      %dma_wait3A_583 = arith.constant 0 : i32
      %dma_wait3A_584 = arith.constant 0 : i32
      %dma_wait3A_585 = tpu.memref_slice %arg3[%dma_wait3A_583, %dma_wait3A_584] : memref<1000000x64xf32, #tpu.memory_space<hbm>> -> memref<128x64xf32, #tpu.memory_space<hbm>>
      tpu.wait_dma2 semaphore(%arg11 : memref<!tpu.dma_semaphore, #tpu.memory_space<semaphore_mem>>) src(%dma_wait3A_585 : memref<128x64xf32, #tpu.memory_space<hbm>>) dst(%arg7 : memref<128x64xf32, #tpu.memory_space<vmem>>)
      %add3A_586 = arith.constant 0 : i32
      %add3A_587 = vector.broadcast %add3A_586 : i32 to vector<16xi32>
      %add3A_588 = arith.addi %iota3A, %add3A_587 : vector<16xi32>
      %shift_right_arithmetic3A_589 = arith.constant 3 : i32
      %shift_right_arithmetic3A_590 = vector.broadcast %shift_right_arithmetic3A_589 : i32 to vector<16xi32>
      %shift_right_arithmetic3A_591 = arith.shrsi %add3A_588, %shift_right_arithmetic3A_590 : vector<16xi32>
      %mul3A_592 = arith.constant 4096 : i32
      %mul3A_593 = vector.broadcast %mul3A_592 : i32 to vector<16xi32>
      %mul3A_594 = arith.muli %shift_right_arithmetic3A_591, %mul3A_593 : vector<16xi32>
      %and3A_595 = arith.constant 7 : i32
      %and3A_596 = vector.broadcast %and3A_595 : i32 to vector<16xi32>
      %and3A_597 = arith.andi %add3A_588, %and3A_596 : vector<16xi32>
      %mul3A_598 = arith.constant 128 : i32
      %mul3A_599 = vector.broadcast %mul3A_598 : i32 to vector<16xi32>
      %mul3A_600 = arith.muli %and3A_597, %mul3A_599 : vector<16xi32>
      %add3A_601 = arith.addi %mul3A_594, %mul3A_600 : vector<16xi32>
      %add3A_602 = arith.constant 1024 : i32
      %add3A_603 = vector.broadcast %add3A_602 : i32 to vector<16xi32>
      %add3A_604 = arith.addi %add3A_601, %add3A_603 : vector<16xi32>
      %add3A_605 = arith.constant 16 : i32
      %add3A_606 = vector.broadcast %add3A_605 : i32 to vector<16xi32>
      %add3A_607 = arith.addi %iota3A, %add3A_606 : vector<16xi32>
      %shift_right_arithmetic3A_608 = arith.constant 3 : i32
      %shift_right_arithmetic3A_609 = vector.broadcast %shift_right_arithmetic3A_608 : i32 to vector<16xi32>
      %shift_right_arithmetic3A_610 = arith.shrsi %add3A_607, %shift_right_arithmetic3A_609 : vector<16xi32>
      %mul3A_611 = arith.constant 4096 : i32
      %mul3A_612 = vector.broadcast %mul3A_611 : i32 to vector<16xi32>
      %mul3A_613 = arith.muli %shift_right_arithmetic3A_610, %mul3A_612 : vector<16xi32>
      %and3A_614 = arith.constant 7 : i32
      %and3A_615 = vector.broadcast %and3A_614 : i32 to vector<16xi32>
      %and3A_616 = arith.andi %add3A_607, %and3A_615 : vector<16xi32>
      %mul3A_617 = arith.constant 128 : i32
      %mul3A_618 = vector.broadcast %mul3A_617 : i32 to vector<16xi32>
      %mul3A_619 = arith.muli %and3A_616, %mul3A_618 : vector<16xi32>
      %add3A_620 = arith.addi %mul3A_613, %mul3A_619 : vector<16xi32>
      %add3A_621 = arith.constant 1024 : i32
      %add3A_622 = vector.broadcast %add3A_621 : i32 to vector<16xi32>
      %add3A_623 = arith.addi %add3A_620, %add3A_622 : vector<16xi32>
      %add3A_624 = arith.constant 32 : i32
      %add3A_625 = vector.broadcast %add3A_624 : i32 to vector<16xi32>
      %add3A_626 = arith.addi %iota3A, %add3A_625 : vector<16xi32>
      %shift_right_arithmetic3A_627 = arith.constant 3 : i32
      %shift_right_arithmetic3A_628 = vector.broadcast %shift_right_arithmetic3A_627 : i32 to vector<16xi32>
      %shift_right_arithmetic3A_629 = arith.shrsi %add3A_626, %shift_right_arithmetic3A_628 : vector<16xi32>
      %mul3A_630 = arith.constant 4096 : i32
      %mul3A_631 = vector.broadcast %mul3A_630 : i32 to vector<16xi32>
      %mul3A_632 = arith.muli %shift_right_arithmetic3A_629, %mul3A_631 : vector<16xi32>
      %and3A_633 = arith.constant 7 : i32
      %and3A_634 = vector.broadcast %and3A_633 : i32 to vector<16xi32>
      %and3A_635 = arith.andi %add3A_626, %and3A_634 : vector<16xi32>
      %mul3A_636 = arith.constant 128 : i32
      %mul3A_637 = vector.broadcast %mul3A_636 : i32 to vector<16xi32>
      %mul3A_638 = arith.muli %and3A_635, %mul3A_637 : vector<16xi32>
      %add3A_639 = arith.addi %mul3A_632, %mul3A_638 : vector<16xi32>
      %add3A_640 = arith.constant 1024 : i32
      %add3A_641 = vector.broadcast %add3A_640 : i32 to vector<16xi32>
      %add3A_642 = arith.addi %add3A_639, %add3A_641 : vector<16xi32>
      %add3A_643 = arith.constant 48 : i32
      %add3A_644 = vector.broadcast %add3A_643 : i32 to vector<16xi32>
      %add3A_645 = arith.addi %iota3A, %add3A_644 : vector<16xi32>
      %shift_right_arithmetic3A_646 = arith.constant 3 : i32
      %shift_right_arithmetic3A_647 = vector.broadcast %shift_right_arithmetic3A_646 : i32 to vector<16xi32>
      %shift_right_arithmetic3A_648 = arith.shrsi %add3A_645, %shift_right_arithmetic3A_647 : vector<16xi32>
      %mul3A_649 = arith.constant 4096 : i32
      %mul3A_650 = vector.broadcast %mul3A_649 : i32 to vector<16xi32>
      %mul3A_651 = arith.muli %shift_right_arithmetic3A_648, %mul3A_650 : vector<16xi32>
      %and3A_652 = arith.constant 7 : i32
      %and3A_653 = vector.broadcast %and3A_652 : i32 to vector<16xi32>
      %and3A_654 = arith.andi %add3A_645, %and3A_653 : vector<16xi32>
      %mul3A_655 = arith.constant 128 : i32
      %mul3A_656 = vector.broadcast %mul3A_655 : i32 to vector<16xi32>
      %mul3A_657 = arith.muli %and3A_654, %mul3A_656 : vector<16xi32>
      %add3A_658 = arith.addi %mul3A_651, %mul3A_657 : vector<16xi32>
      %add3A_659 = arith.constant 1024 : i32
      %add3A_660 = vector.broadcast %add3A_659 : i32 to vector<16xi32>
      %add3A_661 = arith.addi %add3A_658, %add3A_660 : vector<16xi32>
      %parallel_loop3A_662 = arith.constant 0 : i32
      %parallel_loop3A_663 = arith.constant 128 : i32
      %parallel_loop3A_664 = arith.constant 1 : i32
      scf.for %parallel_loop3A_926 = %parallel_loop3A_662 to %parallel_loop3A_663 step %parallel_loop3A_664  : i32 {
        %parallel_loop3A_927 = arith.index_cast %parallel_loop3A_926 : i32 to index
        %parallel_loop3A_928 = arith.constant 0 : index
        %parallel_loop3A_929 = tpu.vector_load %arg7[%parallel_loop3A_927, %parallel_loop3A_928] {strides = array<i32>} : memref<128x64xf32, #tpu.memory_space<vmem>>, vector<16xf32>,
        %parallel_loop3A_930 = vector.broadcast %parallel_loop3A_926 : i32 to vector<16xi32>
        %parallel_loop3A_931 = arith.addi %add3A_604, %parallel_loop3A_930 : vector<16xi32>
        tpu.vector_store_idx %arg9[%parallel_loop3A_931], %parallel_loop3A_929 : memref<32768xf32, #tpu.memory_space<vmem>>[vector<16xi32>], vector<16xf32>,
        %parallel_loop3A_932 = arith.index_cast %parallel_loop3A_926 : i32 to index
        %parallel_loop3A_933 = arith.constant 16 : index
        %parallel_loop3A_934 = tpu.vector_load %arg7[%parallel_loop3A_932, %parallel_loop3A_933] {strides = array<i32>} : memref<128x64xf32, #tpu.memory_space<vmem>>, vector<16xf32>,
        %parallel_loop3A_935 = vector.broadcast %parallel_loop3A_926 : i32 to vector<16xi32>
        %parallel_loop3A_936 = arith.addi %add3A_623, %parallel_loop3A_935 : vector<16xi32>
        tpu.vector_store_idx %arg9[%parallel_loop3A_936], %parallel_loop3A_934 : memref<32768xf32, #tpu.memory_space<vmem>>[vector<16xi32>], vector<16xf32>,
        %parallel_loop3A_937 = arith.index_cast %parallel_loop3A_926 : i32 to index
        %parallel_loop3A_938 = arith.constant 32 : index
        %parallel_loop3A_939 = tpu.vector_load %arg7[%parallel_loop3A_937, %parallel_loop3A_938] {strides = array<i32>} : memref<128x64xf32, #tpu.memory_space<vmem>>, vector<16xf32>,
        %parallel_loop3A_940 = vector.broadcast %parallel_loop3A_926 : i32 to vector<16xi32>
        %parallel_loop3A_941 = arith.addi %add3A_642, %parallel_loop3A_940 : vector<16xi32>
        tpu.vector_store_idx %arg9[%parallel_loop3A_941], %parallel_loop3A_939 : memref<32768xf32, #tpu.memory_space<vmem>>[vector<16xi32>], vector<16xf32>,
        %parallel_loop3A_942 = arith.index_cast %parallel_loop3A_926 : i32 to index
        %parallel_loop3A_943 = arith.constant 48 : index
        %parallel_loop3A_944 = tpu.vector_load %arg7[%parallel_loop3A_942, %parallel_loop3A_943] {strides = array<i32>} : memref<128x64xf32, #tpu.memory_space<vmem>>, vector<16xf32>,
        %parallel_loop3A_945 = vector.broadcast %parallel_loop3A_926 : i32 to vector<16xi32>
        %parallel_loop3A_946 = arith.addi %add3A_661, %parallel_loop3A_945 : vector<16xi32>
        tpu.vector_store_idx %arg9[%parallel_loop3A_946], %parallel_loop3A_944 : memref<32768xf32, #tpu.memory_space<vmem>>[vector<16xi32>], vector<16xf32>,
      } {sc.loop_unroll_factor = 4 : i64, sc.parallel_access}
      %mul3A_665 = arith.constant 512 : i32
      %mul3A_666 = arith.muli %add3A_476, %mul3A_665 : i32
      %add3A_667 = arith.constant 384 : i32
      %add3A_668 = arith.addi %mul3A_666, %add3A_667 : i32
      %dma_start3A_669 = tpu.memref_slice %arg5[%add3A_668] : memref<25600xi32, #tpu.memory_space<vmem>> -> memref<128xi32, #tpu.memory_space<vmem>>
      %dma_start3A_670 = arith.constant 0 : i32
      %dma_start3A_671 = arith.constant 0 : i32
      %dma_start3A_672 = tpu.memref_slice %arg3[%dma_start3A_670, %dma_start3A_671] : memref<1000000x64xf32, #tpu.memory_space<hbm>> -> memref<1000000x64xf32, #tpu.memory_space<hbm>>
      tpu.enqueue_indirect_dma source(%dma_start3A_672 : memref<1000000x64xf32, #tpu.memory_space<hbm>>) target(%arg7 : memref<128x64xf32, #tpu.memory_space<vmem>>) offsets(%dma_start3A_669 : memref<128xi32, #tpu.memory_space<vmem>>) semaphore(%arg11 : memref<!tpu.dma_semaphore, #tpu.memory_space<semaphore_mem>>)
      %dma_wait3A_673 = arith.constant 0 : i32
      %dma_wait3A_674 = arith.constant 0 : i32
      %dma_wait3A_675 = tpu.memref_slice %arg3[%dma_wait3A_673, %dma_wait3A_674] : memref<1000000x64xf32, #tpu.memory_space<hbm>> -> memref<128x64xf32, #tpu.memory_space<hbm>>
      %dma_wait3A_676 = arith.constant 0 : i32
      %dma_wait3A_677 = arith.constant 0 : i32
      %dma_wait3A_678 = tpu.memref_slice %arg3[%dma_wait3A_676, %dma_wait3A_677] : memref<1000000x64xf32, #tpu.memory_space<hbm>> -> memref<128x64xf32, #tpu.memory_space<hbm>>
      tpu.wait_dma2 semaphore(%arg10 : memref<!tpu.dma_semaphore, #tpu.memory_space<semaphore_mem>>) src(%dma_wait3A_678 : memref<128x64xf32, #tpu.memory_space<hbm>>) dst(%arg6 : memref<128x64xf32, #tpu.memory_space<vmem>>)
      %add3A_679 = arith.constant 0 : i32
      %add3A_680 = vector.broadcast %add3A_679 : i32 to vector<16xi32>
      %add3A_681 = arith.addi %iota3A, %add3A_680 : vector<16xi32>
      %shift_right_arithmetic3A_682 = arith.constant 3 : i32
      %shift_right_arithmetic3A_683 = vector.broadcast %shift_right_arithmetic3A_682 : i32 to vector<16xi32>
      %shift_right_arithmetic3A_684 = arith.shrsi %add3A_681, %shift_right_arithmetic3A_683 : vector<16xi32>
      %mul3A_685 = arith.constant 4096 : i32
      %mul3A_686 = vector.broadcast %mul3A_685 : i32 to vector<16xi32>
      %mul3A_687 = arith.muli %shift_right_arithmetic3A_684, %mul3A_686 : vector<16xi32>
      %and3A_688 = arith.constant 7 : i32
      %and3A_689 = vector.broadcast %and3A_688 : i32 to vector<16xi32>
      %and3A_690 = arith.andi %add3A_681, %and3A_689 : vector<16xi32>
      %mul3A_691 = arith.constant 128 : i32
      %mul3A_692 = vector.broadcast %mul3A_691 : i32 to vector<16xi32>
      %mul3A_693 = arith.muli %and3A_690, %mul3A_692 : vector<16xi32>
      %add3A_694 = arith.addi %mul3A_687, %mul3A_693 : vector<16xi32>
      %add3A_695 = arith.constant 2048 : i32
      %add3A_696 = vector.broadcast %add3A_695 : i32 to vector<16xi32>
      %add3A_697 = arith.addi %add3A_694, %add3A_696 : vector<16xi32>
      %add3A_698 = arith.constant 16 : i32
      %add3A_699 = vector.broadcast %add3A_698 : i32 to vector<16xi32>
      %add3A_700 = arith.addi %iota3A, %add3A_699 : vector<16xi32>
      %shift_right_arithmetic3A_701 = arith.constant 3 : i32
      %shift_right_arithmetic3A_702 = vector.broadcast %shift_right_arithmetic3A_701 : i32 to vector<16xi32>
      %shift_right_arithmetic3A_703 = arith.shrsi %add3A_700, %shift_right_arithmetic3A_702 : vector<16xi32>
      %mul3A_704 = arith.constant 4096 : i32
      %mul3A_705 = vector.broadcast %mul3A_704 : i32 to vector<16xi32>
      %mul3A_706 = arith.muli %shift_right_arithmetic3A_703, %mul3A_705 : vector<16xi32>
      %and3A_707 = arith.constant 7 : i32
      %and3A_708 = vector.broadcast %and3A_707 : i32 to vector<16xi32>
      %and3A_709 = arith.andi %add3A_700, %and3A_708 : vector<16xi32>
      %mul3A_710 = arith.constant 128 : i32
      %mul3A_711 = vector.broadcast %mul3A_710 : i32 to vector<16xi32>
      %mul3A_712 = arith.muli %and3A_709, %mul3A_711 : vector<16xi32>
      %add3A_713 = arith.addi %mul3A_706, %mul3A_712 : vector<16xi32>
      %add3A_714 = arith.constant 2048 : i32
      %add3A_715 = vector.broadcast %add3A_714 : i32 to vector<16xi32>
      %add3A_716 = arith.addi %add3A_713, %add3A_715 : vector<16xi32>
      %add3A_717 = arith.constant 32 : i32
      %add3A_718 = vector.broadcast %add3A_717 : i32 to vector<16xi32>
      %add3A_719 = arith.addi %iota3A, %add3A_718 : vector<16xi32>
      %shift_right_arithmetic3A_720 = arith.constant 3 : i32
      %shift_right_arithmetic3A_721 = vector.broadcast %shift_right_arithmetic3A_720 : i32 to vector<16xi32>
      %shift_right_arithmetic3A_722 = arith.shrsi %add3A_719, %shift_right_arithmetic3A_721 : vector<16xi32>
      %mul3A_723 = arith.constant 4096 : i32
      %mul3A_724 = vector.broadcast %mul3A_723 : i32 to vector<16xi32>
      %mul3A_725 = arith.muli %shift_right_arithmetic3A_722, %mul3A_724 : vector<16xi32>
      %and3A_726 = arith.constant 7 : i32
      %and3A_727 = vector.broadcast %and3A_726 : i32 to vector<16xi32>
      %and3A_728 = arith.andi %add3A_719, %and3A_727 : vector<16xi32>
      %mul3A_729 = arith.constant 128 : i32
      %mul3A_730 = vector.broadcast %mul3A_729 : i32 to vector<16xi32>
      %mul3A_731 = arith.muli %and3A_728, %mul3A_730 : vector<16xi32>
      %add3A_732 = arith.addi %mul3A_725, %mul3A_731 : vector<16xi32>
      %add3A_733 = arith.constant 2048 : i32
      %add3A_734 = vector.broadcast %add3A_733 : i32 to vector<16xi32>
      %add3A_735 = arith.addi %add3A_732, %add3A_734 : vector<16xi32>
      %add3A_736 = arith.constant 48 : i32
      %add3A_737 = vector.broadcast %add3A_736 : i32 to vector<16xi32>
      %add3A_738 = arith.addi %iota3A, %add3A_737 : vector<16xi32>
      %shift_right_arithmetic3A_739 = arith.constant 3 : i32
      %shift_right_arithmetic3A_740 = vector.broadcast %shift_right_arithmetic3A_739 : i32 to vector<16xi32>
      %shift_right_arithmetic3A_741 = arith.shrsi %add3A_738, %shift_right_arithmetic3A_740 : vector<16xi32>
      %mul3A_742 = arith.constant 4096 : i32
      %mul3A_743 = vector.broadcast %mul3A_742 : i32 to vector<16xi32>
      %mul3A_744 = arith.muli %shift_right_arithmetic3A_741, %mul3A_743 : vector<16xi32>
      %and3A_745 = arith.constant 7 : i32
      %and3A_746 = vector.broadcast %and3A_745 : i32 to vector<16xi32>
      %and3A_747 = arith.andi %add3A_738, %and3A_746 : vector<16xi32>
      %mul3A_748 = arith.constant 128 : i32
      %mul3A_749 = vector.broadcast %mul3A_748 : i32 to vector<16xi32>
      %mul3A_750 = arith.muli %and3A_747, %mul3A_749 : vector<16xi32>
      %add3A_751 = arith.addi %mul3A_744, %mul3A_750 : vector<16xi32>
      %add3A_752 = arith.constant 2048 : i32
      %add3A_753 = vector.broadcast %add3A_752 : i32 to vector<16xi32>
      %add3A_754 = arith.addi %add3A_751, %add3A_753 : vector<16xi32>
      %parallel_loop3A_755 = arith.constant 0 : i32
      %parallel_loop3A_756 = arith.constant 128 : i32
      %parallel_loop3A_757 = arith.constant 1 : i32
      scf.for %parallel_loop3A_926 = %parallel_loop3A_755 to %parallel_loop3A_756 step %parallel_loop3A_757  : i32 {
        %parallel_loop3A_927 = arith.index_cast %parallel_loop3A_926 : i32 to index
        %parallel_loop3A_928 = arith.constant 0 : index
        %parallel_loop3A_929 = tpu.vector_load %arg6[%parallel_loop3A_927, %parallel_loop3A_928] {strides = array<i32>} : memref<128x64xf32, #tpu.memory_space<vmem>>, vector<16xf32>,
        %parallel_loop3A_930 = vector.broadcast %parallel_loop3A_926 : i32 to vector<16xi32>
        %parallel_loop3A_931 = arith.addi %add3A_697, %parallel_loop3A_930 : vector<16xi32>
        tpu.vector_store_idx %arg9[%parallel_loop3A_931], %parallel_loop3A_929 : memref<32768xf32, #tpu.memory_space<vmem>>[vector<16xi32>], vector<16xf32>,
        %parallel_loop3A_932 = arith.index_cast %parallel_loop3A_926 : i32 to index
        %parallel_loop3A_933 = arith.constant 16 : index
        %parallel_loop3A_934 = tpu.vector_load %arg6[%parallel_loop3A_932, %parallel_loop3A_933] {strides = array<i32>} : memref<128x64xf32, #tpu.memory_space<vmem>>, vector<16xf32>,
        %parallel_loop3A_935 = vector.broadcast %parallel_loop3A_926 : i32 to vector<16xi32>
        %parallel_loop3A_936 = arith.addi %add3A_716, %parallel_loop3A_935 : vector<16xi32>
        tpu.vector_store_idx %arg9[%parallel_loop3A_936], %parallel_loop3A_934 : memref<32768xf32, #tpu.memory_space<vmem>>[vector<16xi32>], vector<16xf32>,
        %parallel_loop3A_937 = arith.index_cast %parallel_loop3A_926 : i32 to index
        %parallel_loop3A_938 = arith.constant 32 : index
        %parallel_loop3A_939 = tpu.vector_load %arg6[%parallel_loop3A_937, %parallel_loop3A_938] {strides = array<i32>} : memref<128x64xf32, #tpu.memory_space<vmem>>, vector<16xf32>,
        %parallel_loop3A_940 = vector.broadcast %parallel_loop3A_926 : i32 to vector<16xi32>
        %parallel_loop3A_941 = arith.addi %add3A_735, %parallel_loop3A_940 : vector<16xi32>
        tpu.vector_store_idx %arg9[%parallel_loop3A_941], %parallel_loop3A_939 : memref<32768xf32, #tpu.memory_space<vmem>>[vector<16xi32>], vector<16xf32>,
        %parallel_loop3A_942 = arith.index_cast %parallel_loop3A_926 : i32 to index
        %parallel_loop3A_943 = arith.constant 48 : index
        %parallel_loop3A_944 = tpu.vector_load %arg6[%parallel_loop3A_942, %parallel_loop3A_943] {strides = array<i32>} : memref<128x64xf32, #tpu.memory_space<vmem>>, vector<16xf32>,
        %parallel_loop3A_945 = vector.broadcast %parallel_loop3A_926 : i32 to vector<16xi32>
        %parallel_loop3A_946 = arith.addi %add3A_754, %parallel_loop3A_945 : vector<16xi32>
        tpu.vector_store_idx %arg9[%parallel_loop3A_946], %parallel_loop3A_944 : memref<32768xf32, #tpu.memory_space<vmem>>[vector<16xi32>], vector<16xf32>,
      } {sc.loop_unroll_factor = 4 : i64, sc.parallel_access}
      %add3A_758 = arith.constant 1 : i32
      %add3A_759 = arith.addi %add3A_476, %add3A_758 : i32
      %lt3A_760 = arith.constant 50 : i32
      %lt3A_761 = arith.cmpi slt, %add3A_759, %lt3A_760 : i32
      %convert_element_type3A_762 = arith.extui %lt3A_761 : i1 to i32
      %cond3A_763 = arith.constant 0 : i32
      %cond3A_764 = arith.cmpi ne, %convert_element_type3A_762, %cond3A_763 : i32
      scf.if %cond3A_764 {
        %add3A_926 = arith.constant 1 : i32
        %add3A_927 = arith.addi %add3A_476, %add3A_926 : i32
        %mul3A_928 = arith.constant 512 : i32
        %mul3A_929 = arith.muli %add3A_927, %mul3A_928 : i32
        %add3A_930 = arith.constant 0 : i32
        %add3A_931 = arith.addi %mul3A_929, %add3A_930 : i32
        %dma_start3A_932 = tpu.memref_slice %arg5[%add3A_931] : memref<25600xi32, #tpu.memory_space<vmem>> -> memref<128xi32, #tpu.memory_space<vmem>>
        %dma_start3A_933 = arith.constant 0 : i32
        %dma_start3A_934 = arith.constant 0 : i32
        %dma_start3A_935 = tpu.memref_slice %arg3[%dma_start3A_933, %dma_start3A_934] : memref<1000000x64xf32, #tpu.memory_space<hbm>> -> memref<1000000x64xf32, #tpu.memory_space<hbm>>
        tpu.enqueue_indirect_dma source(%dma_start3A_935 : memref<1000000x64xf32, #tpu.memory_space<hbm>>) target(%arg6 : memref<128x64xf32, #tpu.memory_space<vmem>>) offsets(%dma_start3A_932 : memref<128xi32, #tpu.memory_space<vmem>>) semaphore(%arg10 : memref<!tpu.dma_semaphore, #tpu.memory_space<semaphore_mem>>)
      } else {
      }
      %dma_wait3A_765 = arith.constant 0 : i32
      %dma_wait3A_766 = arith.constant 0 : i32
      %dma_wait3A_767 = tpu.memref_slice %arg3[%dma_wait3A_765, %dma_wait3A_766] : memref<1000000x64xf32, #tpu.memory_space<hbm>> -> memref<128x64xf32, #tpu.memory_space<hbm>>
      %dma_wait3A_768 = arith.constant 0 : i32
      %dma_wait3A_769 = arith.constant 0 : i32
      %dma_wait3A_770 = tpu.memref_slice %arg3[%dma_wait3A_768, %dma_wait3A_769] : memref<1000000x64xf32, #tpu.memory_space<hbm>> -> memref<128x64xf32, #tpu.memory_space<hbm>>
      tpu.wait_dma2 semaphore(%arg11 : memref<!tpu.dma_semaphore, #tpu.memory_space<semaphore_mem>>) src(%dma_wait3A_770 : memref<128x64xf32, #tpu.memory_space<hbm>>) dst(%arg7 : memref<128x64xf32, #tpu.memory_space<vmem>>)
      %add3A_771 = arith.constant 0 : i32
      %add3A_772 = vector.broadcast %add3A_771 : i32 to vector<16xi32>
      %add3A_773 = arith.addi %iota3A, %add3A_772 : vector<16xi32>
      %shift_right_arithmetic3A_774 = arith.constant 3 : i32
      %shift_right_arithmetic3A_775 = vector.broadcast %shift_right_arithmetic3A_774 : i32 to vector<16xi32>
      %shift_right_arithmetic3A_776 = arith.shrsi %add3A_773, %shift_right_arithmetic3A_775 : vector<16xi32>
      %mul3A_777 = arith.constant 4096 : i32
      %mul3A_778 = vector.broadcast %mul3A_777 : i32 to vector<16xi32>
      %mul3A_779 = arith.muli %shift_right_arithmetic3A_776, %mul3A_778 : vector<16xi32>
      %and3A_780 = arith.constant 7 : i32
      %and3A_781 = vector.broadcast %and3A_780 : i32 to vector<16xi32>
      %and3A_782 = arith.andi %add3A_773, %and3A_781 : vector<16xi32>
      %mul3A_783 = arith.constant 128 : i32
      %mul3A_784 = vector.broadcast %mul3A_783 : i32 to vector<16xi32>
      %mul3A_785 = arith.muli %and3A_782, %mul3A_784 : vector<16xi32>
      %add3A_786 = arith.addi %mul3A_779, %mul3A_785 : vector<16xi32>
      %add3A_787 = arith.constant 3072 : i32
      %add3A_788 = vector.broadcast %add3A_787 : i32 to vector<16xi32>
      %add3A_789 = arith.addi %add3A_786, %add3A_788 : vector<16xi32>
      %add3A_790 = arith.constant 16 : i32
      %add3A_791 = vector.broadcast %add3A_790 : i32 to vector<16xi32>
      %add3A_792 = arith.addi %iota3A, %add3A_791 : vector<16xi32>
      %shift_right_arithmetic3A_793 = arith.constant 3 : i32
      %shift_right_arithmetic3A_794 = vector.broadcast %shift_right_arithmetic3A_793 : i32 to vector<16xi32>
      %shift_right_arithmetic3A_795 = arith.shrsi %add3A_792, %shift_right_arithmetic3A_794 : vector<16xi32>
      %mul3A_796 = arith.constant 4096 : i32
      %mul3A_797 = vector.broadcast %mul3A_796 : i32 to vector<16xi32>
      %mul3A_798 = arith.muli %shift_right_arithmetic3A_795, %mul3A_797 : vector<16xi32>
      %and3A_799 = arith.constant 7 : i32
      %and3A_800 = vector.broadcast %and3A_799 : i32 to vector<16xi32>
      %and3A_801 = arith.andi %add3A_792, %and3A_800 : vector<16xi32>
      %mul3A_802 = arith.constant 128 : i32
      %mul3A_803 = vector.broadcast %mul3A_802 : i32 to vector<16xi32>
      %mul3A_804 = arith.muli %and3A_801, %mul3A_803 : vector<16xi32>
      %add3A_805 = arith.addi %mul3A_798, %mul3A_804 : vector<16xi32>
      %add3A_806 = arith.constant 3072 : i32
      %add3A_807 = vector.broadcast %add3A_806 : i32 to vector<16xi32>
      %add3A_808 = arith.addi %add3A_805, %add3A_807 : vector<16xi32>
      %add3A_809 = arith.constant 32 : i32
      %add3A_810 = vector.broadcast %add3A_809 : i32 to vector<16xi32>
      %add3A_811 = arith.addi %iota3A, %add3A_810 : vector<16xi32>
      %shift_right_arithmetic3A_812 = arith.constant 3 : i32
      %shift_right_arithmetic3A_813 = vector.broadcast %shift_right_arithmetic3A_812 : i32 to vector<16xi32>
      %shift_right_arithmetic3A_814 = arith.shrsi %add3A_811, %shift_right_arithmetic3A_813 : vector<16xi32>
      %mul3A_815 = arith.constant 4096 : i32
      %mul3A_816 = vector.broadcast %mul3A_815 : i32 to vector<16xi32>
      %mul3A_817 = arith.muli %shift_right_arithmetic3A_814, %mul3A_816 : vector<16xi32>
      %and3A_818 = arith.constant 7 : i32
      %and3A_819 = vector.broadcast %and3A_818 : i32 to vector<16xi32>
      %and3A_820 = arith.andi %add3A_811, %and3A_819 : vector<16xi32>
      %mul3A_821 = arith.constant 128 : i32
      %mul3A_822 = vector.broadcast %mul3A_821 : i32 to vector<16xi32>
      %mul3A_823 = arith.muli %and3A_820, %mul3A_822 : vector<16xi32>
      %add3A_824 = arith.addi %mul3A_817, %mul3A_823 : vector<16xi32>
      %add3A_825 = arith.constant 3072 : i32
      %add3A_826 = vector.broadcast %add3A_825 : i32 to vector<16xi32>
      %add3A_827 = arith.addi %add3A_824, %add3A_826 : vector<16xi32>
      %add3A_828 = arith.constant 48 : i32
      %add3A_829 = vector.broadcast %add3A_828 : i32 to vector<16xi32>
      %add3A_830 = arith.addi %iota3A, %add3A_829 : vector<16xi32>
      %shift_right_arithmetic3A_831 = arith.constant 3 : i32
      %shift_right_arithmetic3A_832 = vector.broadcast %shift_right_arithmetic3A_831 : i32 to vector<16xi32>
      %shift_right_arithmetic3A_833 = arith.shrsi %add3A_830, %shift_right_arithmetic3A_832 : vector<16xi32>
      %mul3A_834 = arith.constant 4096 : i32
      %mul3A_835 = vector.broadcast %mul3A_834 : i32 to vector<16xi32>
      %mul3A_836 = arith.muli %shift_right_arithmetic3A_833, %mul3A_835 : vector<16xi32>
      %and3A_837 = arith.constant 7 : i32
      %and3A_838 = vector.broadcast %and3A_837 : i32 to vector<16xi32>
      %and3A_839 = arith.andi %add3A_830, %and3A_838 : vector<16xi32>
      %mul3A_840 = arith.constant 128 : i32
      %mul3A_841 = vector.broadcast %mul3A_840 : i32 to vector<16xi32>
      %mul3A_842 = arith.muli %and3A_839, %mul3A_841 : vector<16xi32>
      %add3A_843 = arith.addi %mul3A_836, %mul3A_842 : vector<16xi32>
      %add3A_844 = arith.constant 3072 : i32
      %add3A_845 = vector.broadcast %add3A_844 : i32 to vector<16xi32>
      %add3A_846 = arith.addi %add3A_843, %add3A_845 : vector<16xi32>
      %parallel_loop3A_847 = arith.constant 0 : i32
      %parallel_loop3A_848 = arith.constant 128 : i32
      %parallel_loop3A_849 = arith.constant 1 : i32
      scf.for %parallel_loop3A_926 = %parallel_loop3A_847 to %parallel_loop3A_848 step %parallel_loop3A_849  : i32 {
        %parallel_loop3A_927 = arith.index_cast %parallel_loop3A_926 : i32 to index
        %parallel_loop3A_928 = arith.constant 0 : index
        %parallel_loop3A_929 = tpu.vector_load %arg7[%parallel_loop3A_927, %parallel_loop3A_928] {strides = array<i32>} : memref<128x64xf32, #tpu.memory_space<vmem>>, vector<16xf32>,
        %parallel_loop3A_930 = vector.broadcast %parallel_loop3A_926 : i32 to vector<16xi32>
        %parallel_loop3A_931 = arith.addi %add3A_789, %parallel_loop3A_930 : vector<16xi32>
        tpu.vector_store_idx %arg9[%parallel_loop3A_931], %parallel_loop3A_929 : memref<32768xf32, #tpu.memory_space<vmem>>[vector<16xi32>], vector<16xf32>,
        %parallel_loop3A_932 = arith.index_cast %parallel_loop3A_926 : i32 to index
        %parallel_loop3A_933 = arith.constant 16 : index
        %parallel_loop3A_934 = tpu.vector_load %arg7[%parallel_loop3A_932, %parallel_loop3A_933] {strides = array<i32>} : memref<128x64xf32, #tpu.memory_space<vmem>>, vector<16xf32>,
        %parallel_loop3A_935 = vector.broadcast %parallel_loop3A_926 : i32 to vector<16xi32>
        %parallel_loop3A_936 = arith.addi %add3A_808, %parallel_loop3A_935 : vector<16xi32>
        tpu.vector_store_idx %arg9[%parallel_loop3A_936], %parallel_loop3A_934 : memref<32768xf32, #tpu.memory_space<vmem>>[vector<16xi32>], vector<16xf32>,
        %parallel_loop3A_937 = arith.index_cast %parallel_loop3A_926 : i32 to index
        %parallel_loop3A_938 = arith.constant 32 : index
        %parallel_loop3A_939 = tpu.vector_load %arg7[%parallel_loop3A_937, %parallel_loop3A_938] {strides = array<i32>} : memref<128x64xf32, #tpu.memory_space<vmem>>, vector<16xf32>,
        %parallel_loop3A_940 = vector.broadcast %parallel_loop3A_926 : i32 to vector<16xi32>
        %parallel_loop3A_941 = arith.addi %add3A_827, %parallel_loop3A_940 : vector<16xi32>
        tpu.vector_store_idx %arg9[%parallel_loop3A_941], %parallel_loop3A_939 : memref<32768xf32, #tpu.memory_space<vmem>>[vector<16xi32>], vector<16xf32>,
        %parallel_loop3A_942 = arith.index_cast %parallel_loop3A_926 : i32 to index
        %parallel_loop3A_943 = arith.constant 48 : index
        %parallel_loop3A_944 = tpu.vector_load %arg7[%parallel_loop3A_942, %parallel_loop3A_943] {strides = array<i32>} : memref<128x64xf32, #tpu.memory_space<vmem>>, vector<16xf32>,
        %parallel_loop3A_945 = vector.broadcast %parallel_loop3A_926 : i32 to vector<16xi32>
        %parallel_loop3A_946 = arith.addi %add3A_846, %parallel_loop3A_945 : vector<16xi32>
        tpu.vector_store_idx %arg9[%parallel_loop3A_946], %parallel_loop3A_944 : memref<32768xf32, #tpu.memory_space<vmem>>[vector<16xi32>], vector<16xf32>,
      } {sc.loop_unroll_factor = 4 : i64, sc.parallel_access}
      %add3A_850 = arith.constant 1 : i32
      %add3A_851 = arith.addi %add3A_476, %add3A_850 : i32
      %lt3A_852 = arith.constant 50 : i32
      %lt3A_853 = arith.cmpi slt, %add3A_851, %lt3A_852 : i32
      %convert_element_type3A_854 = arith.extui %lt3A_853 : i1 to i32
      %cond3A_855 = arith.constant 0 : i32
      %cond3A_856 = arith.cmpi ne, %convert_element_type3A_854, %cond3A_855 : i32
      scf.if %cond3A_856 {
        %add3A_926 = arith.constant 1 : i32
        %add3A_927 = arith.addi %add3A_476, %add3A_926 : i32
        %mul3A_928 = arith.constant 512 : i32
        %mul3A_929 = arith.muli %add3A_927, %mul3A_928 : i32
        %add3A_930 = arith.constant 128 : i32
        %add3A_931 = arith.addi %mul3A_929, %add3A_930 : i32
        %dma_start3A_932 = tpu.memref_slice %arg5[%add3A_931] : memref<25600xi32, #tpu.memory_space<vmem>> -> memref<128xi32, #tpu.memory_space<vmem>>
        %dma_start3A_933 = arith.constant 0 : i32
        %dma_start3A_934 = arith.constant 0 : i32
        %dma_start3A_935 = tpu.memref_slice %arg3[%dma_start3A_933, %dma_start3A_934] : memref<1000000x64xf32, #tpu.memory_space<hbm>> -> memref<1000000x64xf32, #tpu.memory_space<hbm>>
        tpu.enqueue_indirect_dma source(%dma_start3A_935 : memref<1000000x64xf32, #tpu.memory_space<hbm>>) target(%arg7 : memref<128x64xf32, #tpu.memory_space<vmem>>) offsets(%dma_start3A_932 : memref<128xi32, #tpu.memory_space<vmem>>) semaphore(%arg11 : memref<!tpu.dma_semaphore, #tpu.memory_space<semaphore_mem>>)
      } else {
      }
      %mul3A_857 = arith.constant 262144 : i32
      %mul3A_858 = arith.muli %shift_right_arithmetic3A_484, %mul3A_857 : i32
      %mul3A_859 = arith.constant 4096 : i32
      %mul3A_860 = arith.muli %and3A_486, %mul3A_859 : i32
      %add3A_861 = arith.addi %mul3A_858, %mul3A_860 : i32
      %add3A_862 = arith.constant 0 : i32
      %add3A_863 = arith.addi %add3A_861, %add3A_862 : i32
      %dma_start3A_864 = arith.constant 0 : i32
      %dma_start3A_865 = tpu.memref_slice %arg9[%dma_start3A_864] : memref<32768xf32, #tpu.memory_space<vmem>> -> memref<4096xf32, #tpu.memory_space<vmem>>
      %dma_start3A_866 = tpu.memref_slice %arg4[%add3A_863] : memref<52428800xf32, #tpu.memory_space<hbm>> -> memref<4096xf32, #tpu.memory_space<hbm>>
      %dma_start3A_867 = tpu.memref_slice %arg4[%add3A_863] : memref<52428800xf32, #tpu.memory_space<hbm>> -> memref<4096xf32, #tpu.memory_space<hbm>>
      %dma_start3A_868 = arith.constant 0 : i32
      %dma_start3A_869 = tpu.memref_slice %arg9[%dma_start3A_868] : memref<32768xf32, #tpu.memory_space<vmem>> -> memref<4096xf32, #tpu.memory_space<vmem>>
      tpu.enqueue_dma source(%dma_start3A_869 : memref<4096xf32, #tpu.memory_space<vmem>>) target(%dma_start3A_867 : memref<4096xf32, #tpu.memory_space<hbm>>) target_semaphore(%arg13 : memref<!tpu.dma_semaphore, #tpu.memory_space<semaphore_mem>>)
      %add3A_870 = arith.constant 32768 : i32
      %add3A_871 = arith.addi %add3A_861, %add3A_870 : i32
      %dma_start3A_872 = arith.constant 4096 : i32
      %dma_start3A_873 = tpu.memref_slice %arg9[%dma_start3A_872] : memref<32768xf32, #tpu.memory_space<vmem>> -> memref<4096xf32, #tpu.memory_space<vmem>>
      %dma_start3A_874 = tpu.memref_slice %arg4[%add3A_871] : memref<52428800xf32, #tpu.memory_space<hbm>> -> memref<4096xf32, #tpu.memory_space<hbm>>
      %dma_start3A_875 = tpu.memref_slice %arg4[%add3A_871] : memref<52428800xf32, #tpu.memory_space<hbm>> -> memref<4096xf32, #tpu.memory_space<hbm>>
      %dma_start3A_876 = arith.constant 4096 : i32
      %dma_start3A_877 = tpu.memref_slice %arg9[%dma_start3A_876] : memref<32768xf32, #tpu.memory_space<vmem>> -> memref<4096xf32, #tpu.memory_space<vmem>>
      tpu.enqueue_dma source(%dma_start3A_877 : memref<4096xf32, #tpu.memory_space<vmem>>) target(%dma_start3A_875 : memref<4096xf32, #tpu.memory_space<hbm>>) target_semaphore(%arg13 : memref<!tpu.dma_semaphore, #tpu.memory_space<semaphore_mem>>)
      %add3A_878 = arith.constant 65536 : i32
      %add3A_879 = arith.addi %add3A_861, %add3A_878 : i32
      %dma_start3A_880 = arith.constant 8192 : i32
      %dma_start3A_881 = tpu.memref_slice %arg9[%dma_start3A_880] : memref<32768xf32, #tpu.memory_space<vmem>> -> memref<4096xf32, #tpu.memory_space<vmem>>
      %dma_start3A_882 = tpu.memref_slice %arg4[%add3A_879] : memref<52428800xf32, #tpu.memory_space<hbm>> -> memref<4096xf32, #tpu.memory_space<hbm>>
      %dma_start3A_883 = tpu.memref_slice %arg4[%add3A_879] : memref<52428800xf32, #tpu.memory_space<hbm>> -> memref<4096xf32, #tpu.memory_space<hbm>>
      %dma_start3A_884 = arith.constant 8192 : i32
      %dma_start3A_885 = tpu.memref_slice %arg9[%dma_start3A_884] : memref<32768xf32, #tpu.memory_space<vmem>> -> memref<4096xf32, #tpu.memory_space<vmem>>
      tpu.enqueue_dma source(%dma_start3A_885 : memref<4096xf32, #tpu.memory_space<vmem>>) target(%dma_start3A_883 : memref<4096xf32, #tpu.memory_space<hbm>>) target_semaphore(%arg13 : memref<!tpu.dma_semaphore, #tpu.memory_space<semaphore_mem>>)
      %add3A_886 = arith.constant 98304 : i32
      %add3A_887 = arith.addi %add3A_861, %add3A_886 : i32
      %dma_start3A_888 = arith.constant 12288 : i32
      %dma_start3A_889 = tpu.memref_slice %arg9[%dma_start3A_888] : memref<32768xf32, #tpu.memory_space<vmem>> -> memref<4096xf32, #tpu.memory_space<vmem>>
      %dma_start3A_890 = tpu.memref_slice %arg4[%add3A_887] : memref<52428800xf32, #tpu.memory_space<hbm>> -> memref<4096xf32, #tpu.memory_space<hbm>>
      %dma_start3A_891 = tpu.memref_slice %arg4[%add3A_887] : memref<52428800xf32, #tpu.memory_space<hbm>> -> memref<4096xf32, #tpu.memory_space<hbm>>
      %dma_start3A_892 = arith.constant 12288 : i32
      %dma_start3A_893 = tpu.memref_slice %arg9[%dma_start3A_892] : memref<32768xf32, #tpu.memory_space<vmem>> -> memref<4096xf32, #tpu.memory_space<vmem>>
      tpu.enqueue_dma source(%dma_start3A_893 : memref<4096xf32, #tpu.memory_space<vmem>>) target(%dma_start3A_891 : memref<4096xf32, #tpu.memory_space<hbm>>) target_semaphore(%arg13 : memref<!tpu.dma_semaphore, #tpu.memory_space<semaphore_mem>>)
      %add3A_894 = arith.constant 131072 : i32
      %add3A_895 = arith.addi %add3A_861, %add3A_894 : i32
      %dma_start3A_896 = arith.constant 16384 : i32
      %dma_start3A_897 = tpu.memref_slice %arg9[%dma_start3A_896] : memref<32768xf32, #tpu.memory_space<vmem>> -> memref<4096xf32, #tpu.memory_space<vmem>>
      %dma_start3A_898 = tpu.memref_slice %arg4[%add3A_895] : memref<52428800xf32, #tpu.memory_space<hbm>> -> memref<4096xf32, #tpu.memory_space<hbm>>
      %dma_start3A_899 = tpu.memref_slice %arg4[%add3A_895] : memref<52428800xf32, #tpu.memory_space<hbm>> -> memref<4096xf32, #tpu.memory_space<hbm>>
      %dma_start3A_900 = arith.constant 16384 : i32
      %dma_start3A_901 = tpu.memref_slice %arg9[%dma_start3A_900] : memref<32768xf32, #tpu.memory_space<vmem>> -> memref<4096xf32, #tpu.memory_space<vmem>>
      tpu.enqueue_dma source(%dma_start3A_901 : memref<4096xf32, #tpu.memory_space<vmem>>) target(%dma_start3A_899 : memref<4096xf32, #tpu.memory_space<hbm>>) target_semaphore(%arg13 : memref<!tpu.dma_semaphore, #tpu.memory_space<semaphore_mem>>)
      %add3A_902 = arith.constant 163840 : i32
      %add3A_903 = arith.addi %add3A_861, %add3A_902 : i32
      %dma_start3A_904 = arith.constant 20480 : i32
      %dma_start3A_905 = tpu.memref_slice %arg9[%dma_start3A_904] : memref<32768xf32, #tpu.memory_space<vmem>> -> memref<4096xf32, #tpu.memory_space<vmem>>
      %dma_start3A_906 = tpu.memref_slice %arg4[%add3A_903] : memref<52428800xf32, #tpu.memory_space<hbm>> -> memref<4096xf32, #tpu.memory_space<hbm>>
      %dma_start3A_907 = tpu.memref_slice %arg4[%add3A_903] : memref<52428800xf32, #tpu.memory_space<hbm>> -> memref<4096xf32, #tpu.memory_space<hbm>>
      %dma_start3A_908 = arith.constant 20480 : i32
      %dma_start3A_909 = tpu.memref_slice %arg9[%dma_start3A_908] : memref<32768xf32, #tpu.memory_space<vmem>> -> memref<4096xf32, #tpu.memory_space<vmem>>
      tpu.enqueue_dma source(%dma_start3A_909 : memref<4096xf32, #tpu.memory_space<vmem>>) target(%dma_start3A_907 : memref<4096xf32, #tpu.memory_space<hbm>>) target_semaphore(%arg13 : memref<!tpu.dma_semaphore, #tpu.memory_space<semaphore_mem>>)
      %add3A_910 = arith.constant 196608 : i32
      %add3A_911 = arith.addi %add3A_861, %add3A_910 : i32
      %dma_start3A_912 = arith.constant 24576 : i32
      %dma_start3A_913 = tpu.memref_slice %arg9[%dma_start3A_912] : memref<32768xf32, #tpu.memory_space<vmem>> -> memref<4096xf32, #tpu.memory_space<vmem>>
      %dma_start3A_914 = tpu.memref_slice %arg4[%add3A_911] : memref<52428800xf32, #tpu.memory_space<hbm>> -> memref<4096xf32, #tpu.memory_space<hbm>>
      %dma_start3A_915 = tpu.memref_slice %arg4[%add3A_911] : memref<52428800xf32, #tpu.memory_space<hbm>> -> memref<4096xf32, #tpu.memory_space<hbm>>
      %dma_start3A_916 = arith.constant 24576 : i32
      %dma_start3A_917 = tpu.memref_slice %arg9[%dma_start3A_916] : memref<32768xf32, #tpu.memory_space<vmem>> -> memref<4096xf32, #tpu.memory_space<vmem>>
      tpu.enqueue_dma source(%dma_start3A_917 : memref<4096xf32, #tpu.memory_space<vmem>>) target(%dma_start3A_915 : memref<4096xf32, #tpu.memory_space<hbm>>) target_semaphore(%arg13 : memref<!tpu.dma_semaphore, #tpu.memory_space<semaphore_mem>>)
      %add3A_918 = arith.constant 229376 : i32
      %add3A_919 = arith.addi %add3A_861, %add3A_918 : i32
      %dma_start3A_920 = arith.constant 28672 : i32
      %dma_start3A_921 = tpu.memref_slice %arg9[%dma_start3A_920] : memref<32768xf32, #tpu.memory_space<vmem>> -> memref<4096xf32, #tpu.memory_space<vmem>>
      %dma_start3A_922 = tpu.memref_slice %arg4[%add3A_919] : memref<52428800xf32, #tpu.memory_space<hbm>> -> memref<4096xf32, #tpu.memory_space<hbm>>
      %dma_start3A_923 = tpu.memref_slice %arg4[%add3A_919] : memref<52428800xf32, #tpu.memory_space<hbm>> -> memref<4096xf32, #tpu.memory_space<hbm>>
      %dma_start3A_924 = arith.constant 28672 : i32
      %dma_start3A_925 = tpu.memref_slice %arg9[%dma_start3A_924] : memref<32768xf32, #tpu.memory_space<vmem>> -> memref<4096xf32, #tpu.memory_space<vmem>>
      tpu.enqueue_dma source(%dma_start3A_925 : memref<4096xf32, #tpu.memory_space<vmem>>) target(%dma_start3A_923 : memref<4096xf32, #tpu.memory_space<hbm>>) target_semaphore(%arg13 : memref<!tpu.dma_semaphore, #tpu.memory_space<semaphore_mem>>)
    }
    %scan3A_18 = arith.constant 25 : i32
    %dma_wait3A = arith.constant 0 : i32
    %dma_wait3A_19 = tpu.memref_slice %arg4[%dma_wait3A] : memref<52428800xf32, #tpu.memory_space<hbm>> -> memref<32768xf32, #tpu.memory_space<hbm>>
    %dma_wait3A_20 = arith.constant 0 : i32
    %dma_wait3A_21 = tpu.memref_slice %arg4[%dma_wait3A_20] : memref<52428800xf32, #tpu.memory_space<hbm>> -> memref<32768xf32, #tpu.memory_space<hbm>>
    tpu.wait_dma2 semaphore(%arg12 : memref<!tpu.dma_semaphore, #tpu.memory_space<semaphore_mem>>) src(%dma_wait3A_21 : memref<32768xf32, #tpu.memory_space<hbm>>) dst(%arg8 : memref<32768xf32, #tpu.memory_space<vmem>>)
    %dma_wait3A_22 = arith.constant 0 : i32
    %dma_wait3A_23 = tpu.memref_slice %arg4[%dma_wait3A_22] : memref<52428800xf32, #tpu.memory_space<hbm>> -> memref<32768xf32, #tpu.memory_space<hbm>>
    %dma_wait3A_24 = arith.constant 0 : i32
    %dma_wait3A_25 = tpu.memref_slice %arg4[%dma_wait3A_24] : memref<52428800xf32, #tpu.memory_space<hbm>> -> memref<32768xf32, #tpu.memory_space<hbm>>
    tpu.wait_dma2 semaphore(%arg13 : memref<!tpu.dma_semaphore, #tpu.memory_space<semaphore_mem>>) src(%dma_wait3A_25 : memref<32768xf32, #tpu.memory_space<hbm>>) dst(%arg9 : memref<32768xf32, #tpu.memory_space<vmem>>)
    return
  }
}

</mosaic_0001>

<sc_bundles>
// kernel: kernel.3.cloned.1.call-start
scs
__scs_entry_jumppad:
0x0: {  	(pc) =	sbr.rel $0x88, $3  }
0x1: {  	(tag) =	ssettag $0x0;
	lr =	simm.s32 $0x1  }
0x2: {  	[smem:$0x3F9F] =	sst lr;
	_ =	strace $0xD0000000  }
0x3: {  	_ = 	snop  }
0x4: {  	_ = 	snop  }
0x5: {  	_ = 	snop  }
0x6: {  	_ = 	snop  }
0x7: {  	_ = 	snop  }
__scs_overlays_trampoline_lowered:
0x8: {  	[smem:$0x3FAE] =	sst s0  }
0x9: {  	[smem:$0x3FAF] =	sst s1  }
0xa: {  	[smem:$0x3FB0] =	sst s2  }
0xb: {  	[smem:$0x3FB1] =	sst s3  }
0xc: {  	[smem:$0x3FB2] =	sst s4  }
0xd: {  	[smem:$0x3FB3] =	sst s5  }
0xe: {  	[smem:$0x3FB4] =	sst s6  }
0xf: {  	[smem:$0x3FB5] =	sst s7  }
0x10: {  	[smem:$0x3FB6] =	sst s8  }
0x11: {  	[smem:$0x3FB7] =	sst s9;
	s0 =	simm.s32 @!p0 $0x0  }
0x12: {  	s1 =	sld [smem:$0x3F9D];
	s0 =	simm.s32 @p0 $0x1  }
0x13: {  	[smem:$0x3FB8] =	sst s0;
	s0 =	simm.s32 @!p1 $0x0  }
0x14: {  	s2 =	sld [smem:$0x3F9C];
	s0 =	simm.s32 @p1 $0x1  }
0x15: {  	[smem:$0x3FB9] =	sst s0;
	s0 =	simm.s32 @!p2 $0x0  }
0x16: {  	s3 =	sld [smem:$0x3FDB];
	s0 =	simm.s32 @p2 $0x1  }
0x17: {  	s4 =	simm.s32 $0x1BF5;
	[smem:$0x3FBB] =	sst s0  }
0x18: {  	s0 =	sld [smem:$0x3F9E];
	_ =	swait.ge [sflag:s4], $0x0  }
0x19: {  	s7 =	sld [smem:$0x3F9F]  }
0x1a: {  	s8 =	sadd.s32 $0xFFFFE003, lr  }
0x1b: {  	s9 =	sadd.s32 $0xFFFFFEF7, lr;
	s5 =	simm.s32 $0xFFFFFFFF;
	p2 =	slt.u32 s8, $0xFFFFF086  }
0x1c: {  	p1 =	slt.u32 s9, $0xF7A;
	s5 =	simm.s32 @!p2 $0x0  }
0x1d: {  	s5 =	simm.s32 @p1 $0x1;
	p0 =	seq.s32 s7, s2  }
0x1e: {  	s7 =	smul.u32 @!p0 $0xF7A, s2;
	p2 =	seq.s32 @!p0 s5, $0x0  }
0x1f: {  	s9 =	smul.u32 $0xF7A, s1;
	s8 =	simm.s32 @!p0 $0x1BF5;
	p2 =	por !p2, p0  }
0x20: {  	[sflag:s8] =	ssyncset.s32 @!p0 $0xFFFFF086;
	s6 =	sadd.s32 @!p0 s3, s7;
	s7 =	simm.s32 @!p0 $0x108  }
0x21: {  	s3 =	sadd.s32 s3, s9;
	s6 =	sadd.s32 @!p0 $0x88, s6;
	s7 =	simm.s32 @p2 $0x1082  }
0x22: {  	[simem:s7], [sflag:s8] =	dma.local @!p0 [hbm:s6], $0xF7A  }
0x23: {  	s9 =	sor.u32 $0xD0000000, s2;
	s6 =	simm.s32 $0x108;
	_ =	swait.ge @!p0 [sflag:s8], $0x0  }
0x24: {  	s3 =	sadd.s32 $0x88, s3;
	s6 =	simm.s32 @!p1 $0x1082;
	[sflag:s4] =	ssyncset.s32 $0xFFFFF086  }
0x25: {  	[simem:s6], [sflag:s4] =	dma.local [hbm:s3], $0xF7A  }
0x26: {  	[smem:$0x3F9F] =	sst s1;
	(tag) =	ssettag s2;
	_ =	strace s9  }
0x27: {  	s1 =	sld [smem:$0x3FAF]  }
0x28: {  	s2 =	sld [smem:$0x3FB0]  }
0x29: {  	s4 =	sld [smem:$0x3FB2]  }
0x2a: {  	p0 =	seq.s32 s5, $0x0;
	s5 =	sld [smem:$0x3FB3]  }
0x2b: {  	s6 =	sld [smem:$0x3FB4]  }
0x2c: {  	s7 =	sld [smem:$0x3FB5]  }
0x2d: {  	s3 =	simm.s32 $0x108;
	s8 =	sld [smem:$0x3FB6]  }
0x2e: {  	s3 =	simm.s32 @!p0 $0x1082;
	s9 =	sld [smem:$0x3FB7]  }
0x2f: {  	lr =	sadd.s32 s0, s3;
	s0 =	sld [smem:$0x3FAE]  }
0x30: {  	s3 =	sld [smem:$0x3FB1]  }
0x31: {  	[smem:$0x3FBA] =	sst s10  }
0x32: {  	s10 =	sld [smem:$0x3FB8];
	_ =	sdelay $0x3  }
0x33: {  	p0 =	seq.s32 s10, $0x1;
	s10 =	sld [smem:$0x3FBA];
	_ =	sdelay $0x3  }
0x34: {  	[smem:$0x3FBA] =	sst s10  }
0x35: {  	s10 =	sld [smem:$0x3FB9];
	_ =	sdelay $0x3  }
0x36: {  	p1 =	seq.s32 s10, $0x1;
	s10 =	sld [smem:$0x3FBA];
	_ =	sdelay $0x3  }
0x37: {  	[smem:$0x3FBA] =	sst s10  }
0x38: {  	s10 =	sld [smem:$0x3FBB]  }
0x39: {  	_ = 	snop;
	(pc) =	sbr.ind lr, $3  }
0x3a: {  	_ = 	snop  }
0x3b: {  	_ = 	snop  }
0x3c: {  	p2 =	seq.s32 s10, $0x1;
	s10 =	sld [smem:$0x3FBA]  }
0x3d: {  	_ =	shalt  }
0x3e: {  	_ =	shalt  }
0x3f: {  	_ =	shalt  }
0x40: {  	_ =	shalt  }
0x41: {  	_ =	shalt  }
0x42: {  	_ =	shalt  }
0x43: {  	_ =	shalt  }
0x44: {  	_ =	shalt  }
0x45: {  	_ =	shalt  }
0x46: {  	_ =	shalt  }
0x47: {  	_ =	shalt  }
0x48: {  	_ =	shalt  }
0x49: {  	_ =	shalt  }
0x4a: {  	_ =	shalt  }
0x4b: {  	_ =	shalt  }
0x4c: {  	_ =	shalt  }
0x4d: {  	_ =	shalt  }
0x4e: {  	_ =	shalt  }
0x4f: {  	_ =	shalt  }
0x50: {  	_ =	shalt  }
0x51: {  	_ =	shalt  }
0x52: {  	_ =	shalt  }
0x53: {  	_ =	shalt  }
0x54: {  	_ =	shalt  }
0x55: {  	_ =	shalt  }
0x56: {  	_ =	shalt  }
0x57: {  	_ =	shalt  }
0x58: {  	_ =	shalt  }
0x59: {  	_ =	shalt  }
0x5a: {  	_ =	shalt  }
0x5b: {  	_ =	shalt  }
0x5c: {  	_ =	shalt  }
0x5d: {  	_ =	shalt  }
0x5e: {  	_ =	shalt  }
0x5f: {  	_ =	shalt  }
0x60: {  	_ =	shalt  }
0x61: {  	_ =	shalt  }
0x62: {  	_ =	shalt  }
0x63: {  	_ =	shalt  }
0x64: {  	_ =	shalt  }
0x65: {  	_ =	shalt  }
0x66: {  	_ =	shalt  }
0x67: {  	_ =	shalt  }
0x68: {  	_ =	shalt  }
0x69: {  	_ =	shalt  }
0x6a: {  	_ =	shalt  }
0x6b: {  	_ =	shalt  }
0x6c: {  	_ =	shalt  }
0x6d: {  	_ =	shalt  }
0x6e: {  	_ =	shalt  }
0x6f: {  	_ =	shalt  }
0x70: {  	_ =	shalt  }
0x71: {  	_ =	shalt  }
0x72: {  	_ =	shalt  }
0x73: {  	_ =	shalt  }
0x74: {  	_ =	shalt  }
0x75: {  	_ =	shalt  }
0x76: {  	_ =	shalt  }
0x77: {  	_ =	shalt  }
0x78: {  	_ =	shalt  }
0x79: {  	_ =	shalt  }
0x7a: {  	_ =	shalt  }
0x7b: {  	_ =	shalt  }
0x7c: {  	_ =	shalt  }
0x7d: {  	_ =	shalt  }
0x7e: {  	_ =	shalt  }
0x7f: {  	_ =	shalt  }
0x80: {  	_ =	shalt  }
0x81: {  	_ =	shalt  }
0x82: {  	_ =	shalt  }
0x83: {  	_ =	shalt  }
0x84: {  	_ =	shalt  }
0x85: {  	_ =	shalt  }
0x86: {  	_ =	shalt  }
0x87: {  	_ =	shalt  }
.Lfunc_end0:
.L_simem_size_0:
called_computation_lowered:
.L_overlay_start_0:
0x88: {  	s2 =	sld [smem:$0x3FD9]  }
0x89: {  	s3 =	sld [smem:$0x3FFE];
	_ =	sdelay $0x1  }
0x8a: {  	s1 =	srdreg.scid  }
0x8b: {  	s0 =	sand.u32 $0x1, s1  }
0x8c: {  	s17 =	sshll.u32 s0, $0xA;
	s2 =	sadd.s32 s3, s2  }
0x8d: {  	s2 =	sadd.s32 s2, s17  }
0x8e: {  	[smem:$0x3FC6] =	sst s2  }
0x8f: {  	_ = 	snop  }
0x90: {  	s2 =	sld [smem:$0x3FD0];
	(tm) =	ssettm $0x1  }
0x91: {  	s18 =	sld [smem:$0x3FFB];
	_ =	sdelay $0x3  }
0x92: {  	_ =	strace s18  }
0x93: {  	s3 =	sld [smem:$0x3FFC];
	_ =	sdelay $0x3  }
0x94: {  	_ =	strace s3  }
0x95: {  	s3 =	sld [smem:$0x3FFD];
	_ =	sdelay $0x3  }
0x96: {  	_ =	strace s3  }
0x97: {  	_ =	strace $0x8FFFFFFF  }
0x98: {  	s19 =	sld [smem:$0x3FDB];
	_ =	sdelay $0x1  }
0x99: {  	s4 =	simm.s32 $_scs_section_size  }
0x9a: {  	s5 =	simm.s32 $_size__tile_overlayer_lowered;
	s6 =	simm.s32 $_tile_overlayer_lowered  }
0x9b: {  	s22 =	simm.s32 $0x1BFF;
	s21 =	sshll.u32 s6, $0x1;
	s3 =	sadd.s32 s4, s19  }
0x9c: {  	s7 =	simm.s32 $0x0;
	s20 =	sshll.u32 s5, $0x1;
	s5 =	sadd.s32 s21, s3  }
0x9d: {  	[timem:s7], [sflag:s22] =	dma.local [hbm:s5], s20  }
0x9e: {  	_ =	swait.ge [sflag:s22], s20  }
0x9f: {  	s4 =	ssub.s32 $0x0, s20;
	[sflag:s22] =	ssyncset.done $0x0  }
0xa0: {  	[sflag:s22] =	ssyncadd.s32 s4;
	_ =	sdelay $0x1  }
0xa1: {  	s23 =	simm.s32 $0x1B8B  }
0xa2: {  	_ =	swait.ge [sflag:s23], $0x1  }
0xa3: {  	[sflag:s23] =	ssyncset.done $0x0  }
0xa4: {  	s25 =	simm.s32 $0x1B8E;
	s24 =	sld [smem:$0x3FFE];
	[sflag:s23] =	ssyncadd.s32 $0xFFFFFFFF  }
0xa5: {  	s26 =	simm.s32 $execute0_lowered;
	[smem:$0x3FD2] =	sst s25  }
0xa6: {  	s5 =	sshll.u32 s26, $0x1;
	_ =	strace $0x80000046;
	[dreg:$0x1] =	wrdreg $0xFFFFFFFF  }
0xa7: {  	s28 =	simm.s32 $_size_execute0_lowered;
	s3 =	sadd.s32 s3, s5;
	[dreg:$0x0] =	wrdreg $0x0  }
0xa8: {  	s5 =	sshll.u32 s28, $0x1;
	[dreg:$0x2] =	wrdreg s3  }
0xa9: {  	[dreg:$0x3] =	wrdreg s5  }
0xaa: {  	[dreg:$0x4] =	wrdreg $0xC0  }
0xab: {  	_ =	task [dreg:s7], $0x5FFFF  }
0xac: {  	[dreg:$0x1] =	wrdreg $0xFFFFFFFF  }
0xad: {  	[dreg:$0x0] =	wrdreg $0x60  }
0xae: {  	[dreg:$0x2] =	wrdreg s24  }
0xaf: {  	[dreg:$0x3] =	wrdreg s2  }
0xb0: {  	[dreg:$0x4] =	wrdreg $0x9  }
0xb1: {  	_ =	task.clear_ibuf [dreg:s7], $0x5FFFF;
	_ =	strace $0x90000046  }
0xb2: {  	s29 =	simm.s32 $0x9;
	_ =	strace $0x80000048  }
0xb3: {  	_ =	swait.ge [sflag:s29], $0x1  }
0xb4: {  	[sflag:s29] =	ssyncadd.s32 $0xFFFFFFFF  }
0xb5: {  	_ =	strace $0x90000048  }
0xb6: {  	_ =	sfence  }
0xb7: {  	s30 =	sld [smem:$0x0];
	_ =	sdelay $0x2  }
0xb8: {  	s31 =	sshll.u32 s1, $0xD;
	s1 =	sshrl.u32 s1, $0x2  }
0xb9: {  	s3 =	sand.u32 $0x4000, s31;
	s1 =	sadd.s32 s1, s30  }
0xba: {  	s0 =	sor.u32 s3, s0;
	s1 =	sshll.u32 s1, $0x11  }
0xbb: {  	s0 =	sor.u32 s1, s0  }
0xbc: {  	s0 =	sadd.s32 $0x8F2B, s0  }
0xbd: {  	[sflag:s0] =	ssyncadd.remote.s32 $0x1  }
0xbe: {  	_ =	sfence.sel $0xFFFF  }
0xbf: {  	[dreg:$0x0] =	wrdreg $0xFFFFFFFF;
	(pc) =	sbr.abs _section_cstart, $3  }
0xc0: {  	[dreg:$0x1] =	wrdreg $0xFFFFFFFF  }
0xc1: {  	_ =	task.clear_ibuf [dreg:s7], $0x2FFFF;
	_ =	strace $0x9FFFFFFF  }
0xc2: {  	(tm) =	ssettm $0x7FFFFFFF  }
0xc3: {  	_ =	shalt  }
tec
execute0_lowered:
.L_overlay_start_1:
0x0: {  	(tag) =	ssettag $0x1  }
0x1: {  	v0 =	vimm.s32 $0x1380  }
0x2: {  	vm14 =	vcmask $0x300;
	vm13 =	vcmask $0x704;
	vm12 =	vcmask $0xB08  }
0x3: {  	vm11 =	vcmask $0xF0C;
	vm10 =	vcmask $0x1310;
	vm9 =	vcmask $0x1714  }
0x4: {  	vm8 =	vcmask $0x1B18;
	vm7 =	vcmask $0x1F1C;
	vm6 =	vcmask $0x2320  }
0x5: {  	vm5 =	vcmask $0x2724;
	vm4 =	vcmask $0x2B28;
	vm3 =	vcmask $0x2F2C  }
0x6: {  	vm2 =	vcmask $0x3330;
	vm1 =	vcmask $0x3734;
	vm0 =	vcmask $0x3B38  }
0x7: {  	v1 =	vimm.s32 $0x3380;
	v2 =	vimm.s32 $0x5380;
	v3 =	vimm.s32 $0x7380  }
0x8: {  	v4 =	vimm.s32 $0x1780;
	v5 =	vimm.s32 $0x3780;
	v6 =	vimm.s32 $0x5780  }
0x9: {  	v7 =	vimm.s32 $0x7780;
	v8 =	vimm.s32 $0x1B80;
	v9 =	vimm.s32 $0x3B80  }
0xa: {  	v10 =	vimm.s32 $0x5B80;
	v11 =	vimm.s32 $0x7B80;
	v12 =	vimm.s32 $0x1F80  }
0xb: {  	v13 =	vimm.s32 $0x3F80;
	v14 =	vimm.s32 $0x5F80;
	v15 =	vimm.s32 $0x7F80  }
0xc: {  	v0 =	vsel vm14, $0x0, v0;
	v1 =	vsel vm14, $0x2000, v1;
	v2 =	vsel vm14, $0x4000, v2  }
0xd: {  	v3 =	vsel vm14, $0x6000, v3;
	v4 =	vsel vm14, $0x400, v4;
	v5 =	vsel vm14, $0x2400, v5  }
0xe: {  	v6 =	vsel vm14, $0x4400, v6;
	v7 =	vsel vm14, $0x6400, v7;
	v8 =	vsel vm14, $0x800, v8  }
0xf: {  	v9 =	vsel vm14, $0x2800, v9;
	v10 =	vsel vm14, $0x4800, v10;
	v11 =	vsel vm14, $0x6800, v11  }
0x10: {  	v12 =	vsel vm14, $0xC00, v12;
	v13 =	vsel vm14, $0x2C00, v13;
	v14 =	vsel vm14, $0x4C00, v14  }
0x11: {  	v15 =	vsel vm14, $0x6C00, v15;
	v0 =	vsel vm13, $0x80, v0;
	v1 =	vsel vm13, $0x2080, v1  }
0x12: {  	v2 =	vsel vm13, $0x4080, v2;
	v3 =	vsel vm13, $0x6080, v3;
	v4 =	vsel vm13, $0x480, v4  }
0x13: {  	v5 =	vsel vm13, $0x2480, v5;
	v6 =	vsel vm13, $0x4480, v6;
	v7 =	vsel vm13, $0x6480, v7  }
0x14: {  	v8 =	vsel vm13, $0x880, v8;
	v9 =	vsel vm13, $0x2880, v9;
	v10 =	vsel vm13, $0x4880, v10  }
0x15: {  	v11 =	vsel vm13, $0x6880, v11;
	v12 =	vsel vm13, $0xC80, v12;
	v13 =	vsel vm13, $0x2C80, v13  }
0x16: {  	v14 =	vsel vm13, $0x4C80, v14;
	v15 =	vsel vm13, $0x6C80, v15;
	v0 =	vsel vm12, $0x100, v0  }
0x17: {  	v1 =	vsel vm12, $0x2100, v1;
	v2 =	vsel vm12, $0x4100, v2;
	v3 =	vsel vm12, $0x6100, v3  }
0x18: {  	v4 =	vsel vm12, $0x500, v4;
	v5 =	vsel vm12, $0x2500, v5;
	v6 =	vsel vm12, $0x4500, v6  }
0x19: {  	v7 =	vsel vm12, $0x6500, v7;
	v8 =	vsel vm12, $0x900, v8;
	v9 =	vsel vm12, $0x2900, v9  }
0x1a: {  	v10 =	vsel vm12, $0x4900, v10;
	v11 =	vsel vm12, $0x6900, v11;
	v12 =	vsel vm12, $0xD00, v12  }
0x1b: {  	v13 =	vsel vm12, $0x2D00, v13;
	v14 =	vsel vm12, $0x4D00, v14;
	v15 =	vsel vm12, $0x6D00, v15  }
0x1c: {  	v0 =	vsel vm11, $0x180, v0;
	v1 =	vsel vm11, $0x2180, v1;
	v2 =	vsel vm11, $0x4180, v2  }
0x1d: {  	v3 =	vsel vm11, $0x6180, v3;
	v4 =	vsel vm11, $0x580, v4;
	v5 =	vsel vm11, $0x2580, v5  }
0x1e: {  	v6 =	vsel vm11, $0x4580, v6;
	v7 =	vsel vm11, $0x6580, v7;
	v8 =	vsel vm11, $0x980, v8  }
0x1f: {  	v9 =	vsel vm11, $0x2980, v9;
	v10 =	vsel vm11, $0x4980, v10;
	v11 =	vsel vm11, $0x6980, v11  }
0x20: {  	v12 =	vsel vm11, $0xD80, v12;
	v13 =	vsel vm11, $0x2D80, v13;
	v14 =	vsel vm11, $0x4D80, v14  }
0x21: {  	v15 =	vsel vm11, $0x6D80, v15;
	v0 =	vsel vm10, $0x200, v0;
	v1 =	vsel vm10, $0x2200, v1  }
0x22: {  	v2 =	vsel vm10, $0x4200, v2;
	v3 =	vsel vm10, $0x6200, v3;
	v4 =	vsel vm10, $0x600, v4  }
0x23: {  	v5 =	vsel vm10, $0x2600, v5;
	v6 =	vsel vm10, $0x4600, v6;
	v7 =	vsel vm10, $0x6600, v7  }
0x24: {  	v8 =	vsel vm10, $0xA00, v8;
	v9 =	vsel vm10, $0x2A00, v9;
	v10 =	vsel vm10, $0x4A00, v10  }
0x25: {  	v11 =	vsel vm10, $0x6A00, v11;
	v12 =	vsel vm10, $0xE00, v12;
	v13 =	vsel vm10, $0x2E00, v13  }
0x26: {  	v14 =	vsel vm10, $0x4E00, v14;
	v15 =	vsel vm10, $0x6E00, v15;
	v0 =	vsel vm9, $0x280, v0  }
0x27: {  	v1 =	vsel vm9, $0x2280, v1;
	v2 =	vsel vm9, $0x4280, v2;
	v3 =	vsel vm9, $0x6280, v3  }
0x28: {  	v4 =	vsel vm9, $0x680, v4;
	v5 =	vsel vm9, $0x2680, v5;
	v6 =	vsel vm9, $0x4680, v6  }
0x29: {  	v7 =	vsel vm9, $0x6680, v7;
	v8 =	vsel vm9, $0xA80, v8;
	v9 =	vsel vm9, $0x2A80, v9  }
0x2a: {  	v10 =	vsel vm9, $0x4A80, v10;
	v11 =	vsel vm9, $0x6A80, v11;
	v12 =	vsel vm9, $0xE80, v12  }
0x2b: {  	v13 =	vsel vm9, $0x2E80, v13;
	v14 =	vsel vm9, $0x4E80, v14;
	v15 =	vsel vm9, $0x6E80, v15  }
0x2c: {  	v0 =	vsel vm8, $0x300, v0;
	v1 =	vsel vm8, $0x2300, v1;
	v2 =	vsel vm8, $0x4300, v2  }
0x2d: {  	v3 =	vsel vm8, $0x6300, v3;
	v4 =	vsel vm8, $0x700, v4;
	v5 =	vsel vm8, $0x2700, v5  }
0x2e: {  	v6 =	vsel vm8, $0x4700, v6;
	v7 =	vsel vm8, $0x6700, v7;
	v8 =	vsel vm8, $0xB00, v8  }
0x2f: {  	v9 =	vsel vm8, $0x2B00, v9;
	v10 =	vsel vm8, $0x4B00, v10;
	v11 =	vsel vm8, $0x6B00, v11  }
0x30: {  	v12 =	vsel vm8, $0xF00, v12;
	v13 =	vsel vm8, $0x2F00, v13;
	v14 =	vsel vm8, $0x4F00, v14  }
0x31: {  	v15 =	vsel vm8, $0x6F00, v15;
	v0 =	vsel vm7, $0x380, v0;
	v1 =	vsel vm7, $0x2380, v1  }
0x32: {  	v2 =	vsel vm7, $0x4380, v2;
	v3 =	vsel vm7, $0x6380, v3;
	v4 =	vsel vm7, $0x780, v4  }
0x33: {  	v5 =	vsel vm7, $0x2780, v5;
	v6 =	vsel vm7, $0x4780, v6;
	v7 =	vsel vm7, $0x6780, v7  }
0x34: {  	v8 =	vsel vm7, $0xB80, v8;
	v9 =	vsel vm7, $0x2B80, v9;
	v10 =	vsel vm7, $0x4B80, v10  }
0x35: {  	v11 =	vsel vm7, $0x6B80, v11;
	v12 =	vsel vm7, $0xF80, v12;
	v13 =	vsel vm7, $0x2F80, v13  }
0x36: {  	v14 =	vsel vm7, $0x4F80, v14;
	v15 =	vsel vm7, $0x6F80, v15;
	v0 =	vsel vm6, $0x1000, v0  }
0x37: {  	v1 =	vsel vm6, $0x3000, v1;
	v2 =	vsel vm6, $0x5000, v2;
	v3 =	vsel vm6, $0x7000, v3  }
0x38: {  	v4 =	vsel vm6, $0x1400, v4;
	v5 =	vsel vm6, $0x3400, v5;
	v6 =	vsel vm6, $0x5400, v6  }
0x39: {  	v7 =	vsel vm6, $0x7400, v7;
	v8 =	vsel vm6, $0x1800, v8;
	v9 =	vsel vm6, $0x3800, v9  }
0x3a: {  	v10 =	vsel vm6, $0x5800, v10;
	v11 =	vsel vm6, $0x7800, v11;
	v12 =	vsel vm6, $0x1C00, v12  }
0x3b: {  	v13 =	vsel vm6, $0x3C00, v13;
	v14 =	vsel vm6, $0x5C00, v14;
	v15 =	vsel vm6, $0x7C00, v15  }
0x3c: {  	v0 =	vsel vm5, $0x1080, v0;
	v1 =	vsel vm5, $0x3080, v1;
	v2 =	vsel vm5, $0x5080, v2  }
0x3d: {  	v3 =	vsel vm5, $0x7080, v3;
	v4 =	vsel vm5, $0x1480, v4;
	v5 =	vsel vm5, $0x3480, v5  }
0x3e: {  	v6 =	vsel vm5, $0x5480, v6;
	v7 =	vsel vm5, $0x7480, v7;
	v8 =	vsel vm5, $0x1880, v8  }
0x3f: {  	v9 =	vsel vm5, $0x3880, v9;
	v10 =	vsel vm5, $0x5880, v10;
	v11 =	vsel vm5, $0x7880, v11  }
0x40: {  	v12 =	vsel vm5, $0x1C80, v12;
	v13 =	vsel vm5, $0x3C80, v13;
	v14 =	vsel vm5, $0x5C80, v14  }
0x41: {  	v15 =	vsel vm5, $0x7C80, v15;
	v0 =	vsel vm4, $0x1100, v0;
	v1 =	vsel vm4, $0x3100, v1  }
0x42: {  	v2 =	vsel vm4, $0x5100, v2;
	v3 =	vsel vm4, $0x7100, v3;
	v4 =	vsel vm4, $0x1500, v4  }
0x43: {  	v5 =	vsel vm4, $0x3500, v5;
	v6 =	vsel vm4, $0x5500, v6;
	v7 =	vsel vm4, $0x7500, v7  }
0x44: {  	v8 =	vsel vm4, $0x1900, v8;
	v9 =	vsel vm4, $0x3900, v9;
	v10 =	vsel vm4, $0x5900, v10  }
0x45: {  	v11 =	vsel vm4, $0x7900, v11;
	v12 =	vsel vm4, $0x1D00, v12;
	v13 =	vsel vm4, $0x3D00, v13  }
0x46: {  	v14 =	vsel vm4, $0x5D00, v14;
	v15 =	vsel vm4, $0x7D00, v15;
	v0 =	vsel vm3, $0x1180, v0  }
0x47: {  	v1 =	vsel vm3, $0x3180, v1;
	v2 =	vsel vm3, $0x5180, v2;
	v3 =	vsel vm3, $0x7180, v3  }
0x48: {  	v4 =	vsel vm3, $0x1580, v4;
	v5 =	vsel vm3, $0x3580, v5;
	v6 =	vsel vm3, $0x5580, v6  }
0x49: {  	v7 =	vsel vm3, $0x7580, v7;
	v8 =	vsel vm3, $0x1980, v8;
	v9 =	vsel vm3, $0x3980, v9  }
0x4a: {  	v10 =	vsel vm3, $0x5980, v10;
	v11 =	vsel vm3, $0x7980, v11;
	v12 =	vsel vm3, $0x1D80, v12  }
0x4b: {  	v13 =	vsel vm3, $0x3D80, v13;
	v14 =	vsel vm3, $0x5D80, v14;
	v15 =	vsel vm3, $0x7D80, v15  }
0x4c: {  	v0 =	vsel vm2, $0x1200, v0;
	v1 =	vsel vm2, $0x3200, v1;
	v2 =	vsel vm2, $0x5200, v2  }
0x4d: {  	v3 =	vsel vm2, $0x7200, v3;
	v4 =	vsel vm2, $0x1600, v4;
	v5 =	vsel vm2, $0x3600, v5  }
0x4e: {  	v6 =	vsel vm2, $0x5600, v6;
	v7 =	vsel vm2, $0x7600, v7;
	v8 =	vsel vm2, $0x1A00, v8  }
0x4f: {  	v9 =	vsel vm2, $0x3A00, v9;
	v10 =	vsel vm2, $0x5A00, v10;
	v11 =	vsel vm2, $0x7A00, v11  }
0x50: {  	s0 =	rddreg [dreg:$0x0];
	s1 =	srdreg.scid;
	v12 =	vsel vm2, $0x1E00, v12;
	v13 =	vsel vm2, $0x3E00, v13;
	v14 =	vsel vm2, $0x5E00, v14  }
0x51: {  	s2 =	stileid.u32;
	s13 =	rddreg [dreg:$0x1];
	s3 =	simm.s32 $0x0;
	v15 =	vsel vm2, $0x7E00, v15;
	v0 =	vsel vm1, $0x1280, v0;
	v1 =	vsel vm1, $0x3280, v1  }
0x52: {  	s16 =	simm.s32 $0x80;
	s18 =	simm.s32 $0x8400;
	s19 =	simm.s32 $0x1;
	v2 =	vsel vm1, $0x5280, v2;
	v3 =	vsel vm1, $0x7280, v3;
	v4 =	vsel vm1, $0x1680, v4  }
0x53: {  	s20 =	simm.s32 $0xA400;
	s21 =	simm.s32 $0x2;
	s30 =	simm.s32 $0x12400;
	v5 =	vsel vm1, $0x3680, v5;
	v6 =	vsel vm1, $0x5680, v6;
	v7 =	vsel vm1, $0x7680, v7  }
0x54: {  	s1 =	sand.u32 $0x1, s1;
	s4 =	sshll.u32 s2, $0x1;
	[smem:$0x7FF] =	sst s3;
	v8 =	vsel vm1, $0x1A80, v8;
	v9 =	vsel vm1, $0x3A80, v9;
	v10 =	vsel vm1, $0x5A80, v10  }
0x55: {  	s7 =	sadd.s32 $0x1000, s13;
	s8 =	sadd.s32 $0x2000, s13;
	s5 =	sor.u32 s1, s4;
	v11 =	vsel vm1, $0x7A80, v11;
	v12 =	vsel vm1, $0x1E80, v12;
	v13 =	vsel vm1, $0x3E80, v13  }
0x56: {  	s9 =	sadd.s32 $0x3000, s13;
	s10 =	sadd.s32 $0x4000, s13;
	s4 =	smul.u32 $0xC80, s5;
	v14 =	vsel vm1, $0x5E80, v14;
	v15 =	vsel vm1, $0x7E80, v15;
	v0 =	vsel vm0, $0x1300, v0  }
0x57: {  	s11 =	sadd.s32 $0x5000, s13;
	s12 =	sadd.s32 $0x6000, s13;
	s1 =	ssub.s32 $0x2, s1;
	v1 =	vsel vm0, $0x3300, v1;
	v2 =	vsel vm0, $0x5300, v2;
	v3 =	vsel vm0, $0x7300, v3  }
0x58: {  	s13 =	sadd.s32 $0x7000, s13;
	s29 =	sshrl.u32 s1, $0x1;
	s6 =	sadd.s32 s4, s0;
	v4 =	vsel vm0, $0x1700, v4;
	v5 =	vsel vm0, $0x3700, v5;
	v6 =	vsel vm0, $0x5700, v6  }
0x59: {  	s4 =	sadd.s32 $0xF42A00, s0;
	s0 =	ssub.s32 s1, s29;
	s31 =	sadd.s32 $0x600, s6;
	v7 =	vsel vm0, $0x7700, v7;
	v8 =	vsel vm0, $0x1B00, v8;
	v9 =	vsel vm0, $0x3B00, v9  }
0x5a: {  	_ =	strace $0x80000047;
	s0 =	smax.u32 s0, $0x1;
	[dreg:$0x3] =	wrdreg s31;
	v10 =	vsel vm0, $0x5B00, v10;
	v11 =	vsel vm0, $0x7B00, v11;
	v12 =	vsel vm0, $0x1F00, v12  }
0x5b: {  	s2 =	simm.s32 $0x0;
	s5 =	smul.u32 $0x32, s5;
	[dreg:$0x4] =	wrdreg s0;
	v13 =	vsel vm0, $0x3F00, v13;
	v14 =	vsel vm0, $0x5F00, v14;
	v15 =	vsel vm0, $0x7F00, v15  }
.LBB2_1:
0x5c: {  	[dreg:$0x5] =	wrdreg s2  }
0x5d: {  	s0 =	rddreg [dreg:$0x3];
	s29 =	simm.s32 $0x5  }
0x5e: {  	[tilespmem:s3], [sflag:$0x5] =	stream.linear.gather [hbm4b:s0+s3], $0x6400, $0x38;
	[tilespmem:$0x1A400] =	vst v63  }
0x5f: {  	_ =	swait.ge [sflag:s29], $0x6400  }
0x60: {  	[sflag:s29] =	ssyncset.done $0x0  }
0x61: {  	s31 =	simm.s32 $0x6400;
	[sflag:s29] =	ssyncadd.s32 $0xFFFF9C00  }
0x62: {  	[tilespmem:s31], [sflag:$0x1] =	stream.indirect.gather [hbm4b:s4+s16], $0x40, s3, s16, $0xb8;
	[tilespmem:$0x1A400] =	vst v63  }
0x63: {  	s23 =	simm.s32 $0x0  }
0x64: {  	[tilespmem:s18], [sflag:$0x2] =	stream.indirect.gather [hbm4b:s4+s16], $0x40, s16, s16, $0xb8;
	[tilespmem:$0x1A400] =	vst v63  }
.LBB2_2:
0x65: {  	p0 =	seq.s32 s23, $0x0  }
0x66: {  	s0 =	simm.s32 @!p0 $0x3  }
0x67: {  	_ =	swait.ge @!p0 [sflag:s0], $0x8000  }
0x68: {  	[sflag:s0] =	ssyncset.done @!p0 $0x0  }
0x69: {  	[sflag:s0] =	ssyncadd.s32 @!p0 $0xFFFF8000  }
0x6a: {  	_ =	swait.ge [sflag:s19], $0x2000  }
0x6b: {  	[sflag:s19] =	ssyncset.done $0x0  }
0x6c: {  	s6 =	simm.s32 $0x6480;
	s22 =	simm.s32 $0x1;
	[sflag:s19] =	ssyncadd.s32 $0xFFFFE000  }
0x6d: {  	s15 =	simm.s32 $0x3;
	v19 =	vor.u32 s22, v0;
	v18 =	vld [tilespmem:s6+$0xFFFFFFC0]  }
0x6e: {  	v17 =	vor.u32 s15, v0;
	v16 =	vld [tilespmem:s6+$0x40]  }
0x6f: {  	s1 =	simm.s32 $0x2  }
0x70: {  	v21 =	vor.u32 s1, v0;
	v20 =	vld [tilespmem:s6+$0x0]  }
0x71: {  	s14 =	simm.s32 $0x0  }
0x72: {  	v23 =	vor.u32 s14, v0;
	v22 =	vld [tilespmem:s6+$0xFFFFFF80];
	[tilespmem:v19+s20+$0x0] =	vst.idx.msk $0xffff, v18  }
0x73: {  	[tilespmem:v17+s20+$0x0] =	vst.idx.msk $0xffff, v16;
	v19 =	vor.u32 s22, v1;
	v18 =	vld [tilespmem:s6+$0xFFFFFFD0]  }
0x74: {  	v17 =	vor.u32 s15, v1;
	v16 =	vld [tilespmem:s6+$0x50]  }
0x75: {  	[tilespmem:v21+s20+$0x0] =	vst.idx.msk $0xffff, v20  }
0x76: {  	s25 =	simm.s32 $0x6580;
	s0 =	simm.s32 $0x7;
	v21 =	vor.u32 s1, v1;
	v20 =	vld [tilespmem:s6+$0x10]  }
0x77: {  	v25 =	vor.u32 s0, v0;
	v24 =	vld [tilespmem:s25+$0x40];
	[tilespmem:v23+s20+$0x0] =	vst.idx.msk $0xffff, v22  }
0x78: {  	v23 =	vor.u32 s14, v1;
	v22 =	vld [tilespmem:s6+$0xFFFFFF90];
	[tilespmem:v19+s20+$0x0] =	vst.idx.msk $0xffff, v18  }
0x79: {  	[tilespmem:v17+s20+$0x0] =	vst.idx.msk $0xffff, v16;
	v19 =	vor.u32 s22, v2;
	v18 =	vld [tilespmem:s6+$0xFFFFFFE0]  }
0x7a: {  	s29 =	simm.s32 $0x5;
	v17 =	vor.u32 s15, v2;
	v16 =	vld [tilespmem:s6+$0x60]  }
0x7b: {  	v27 =	vor.u32 s29, v0;
	v26 =	vld [tilespmem:s25+$0xFFFFFFC0];
	[tilespmem:v21+s20+$0x0] =	vst.idx.msk $0xffff, v20  }
0x7c: {  	s26 =	simm.s32 $0x4;
	[tilespmem:v25+s20+$0x0] =	vst.idx.msk $0xffff, v24;
	v21 =	vor.u32 s1, v2;
	v20 =	vld [tilespmem:s6+$0x20]  }
0x7d: {  	s28 =	simm.s32 $0x6;
	[tilespmem:v23+s20+$0x0] =	vst.idx.msk $0xffff, v22;
	v22 =	vld [tilespmem:s25+$0xFFFFFF80];
	v23 =	vor.u32 s26, v0  }
0x7e: {  	[tilespmem:v19+s20+$0x0] =	vst.idx.msk $0xffff, v18;
	v18 =	vld [tilespmem:s25+$0x0];
	v19 =	vor.u32 s28, v0  }
0x7f: {  	v25 =	vor.u32 s0, v1;
	v24 =	vld [tilespmem:s25+$0x50];
	[tilespmem:v17+s20+$0x0] =	vst.idx.msk $0xffff, v16  }
0x80: {  	[tilespmem:v27+s20+$0x0] =	vst.idx.msk $0xffff, v26;
	v17 =	vor.u32 s15, v3;
	v16 =	vld [tilespmem:s6+$0x70]  }
0x81: {  	[tilespmem:v21+s20+$0x0] =	vst.idx.msk $0xffff, v20;
	v20 =	vld [tilespmem:s6+$0xFFFFFFA0];
	v21 =	vor.u32 s14, v2  }
0x82: {  	v27 =	vor.u32 s29, v1;
	v26 =	vld [tilespmem:s25+$0xFFFFFFD0];
	[tilespmem:v23+s20+$0x0] =	vst.idx.msk $0xffff, v22  }
0x83: {  	v30 =	vor.u32 s26, v1;
	v29 =	vld [tilespmem:s25+$0xFFFFFF90];
	[tilespmem:v19+s20+$0x0] =	vst.idx.msk $0xffff, v18  }
0x84: {  	v28 =	vor.u32 s28, v1;
	[tilespmem:v25+s20+$0x0] =	vst.idx.msk $0xffff, v24;
	v22 =	vld [tilespmem:s25+$0x10]  }
0x85: {  	v19 =	vor.u32 s22, v3;
	[tilespmem:v17+s20+$0x0] =	vst.idx.msk $0xffff, v16;
	v16 =	vld [tilespmem:s6+$0xFFFFFFF0]  }
0x86: {  	v23 =	vor.u32 s1, v3;
	[tilespmem:v21+s20+$0x0] =	vst.idx.msk $0xffff, v20;
	v20 =	vld [tilespmem:s6+$0x30]  }
0x87: {  	[tilespmem:v27+s20+$0x0] =	vst.idx.msk $0xffff, v26;
	v25 =	vor.u32 s0, v2;
	v18 =	vld [tilespmem:s25+$0x60]  }
0x88: {  	v24 =	vor.u32 s29, v2;
	[tilespmem:v30+s20+$0x0] =	vst.idx.msk $0xffff, v29;
	v17 =	vld [tilespmem:s25+$0xFFFFFFE0]  }
0x89: {  	s24 =	sshll.u32 s23, $0x1;
	s1 =	simm.s32 $0x8;
	v21 =	vld [tilespmem:s6+$0xFFFFFFB0];
	[tilespmem:v28+s20+$0x0] =	vst.idx.msk $0xffff, v22;
	v22 =	vor.u32 s14, v3  }
0x8a: {  	s15 =	simm.s32 $0xC;
	s6 =	simm.s32 $0x6680;
	[tilespmem:v19+s20+$0x0] =	vst.idx.msk $0xffff, v16;
	s14 =	simm.s32 $0xB;
	v19 =	vor.u32 s28, v2;
	v16 =	vld [tilespmem:s25+$0x20]  }
.LBB2_3:
0x8b: {  	p1 =	slt.u32 s15, $0x7C;
	s22 =	sadd.s32 $0x1, s1;
	v26 =	vld [tilespmem:s6+$0x40];
	v27 =	vor.u32 s14, v0;
	[tilespmem:v23+s20+$0x0] =	vst.idx.msk $0xffff, v20  }
0x8c: {  	v20 =	vld [tilespmem:s6+$0xFFFFFFC0];
	v23 =	vor.u32 s22, v0;
	[tilespmem:v25+s20+$0x0] =	vst.idx.msk $0xffff, v18  }
0x8d: {  	s31 =	sadd.s32 $0x2, s1;
	v18 =	vor.u32 s0, v3;
	s0 =	smov.u32 s14;
	[tilespmem:v24+s20+$0x0] =	vst.idx.msk $0xffff, v17;
	v17 =	vld [tilespmem:s25+$0x70]  }
0x8e: {  	v25 =	vor.u32 s31, v0;
	v24 =	vld [tilespmem:s6+$0x0];
	[tilespmem:v22+s20+$0x0] =	vst.idx.msk $0xffff, v21  }
0x8f: {  	v22 =	vor.u32 s1, v0;
	v21 =	vld [tilespmem:s6+$0xFFFFFF80];
	[tilespmem:v19+s20+$0x0] =	vst.idx.msk $0xffff, v16  }
0x90: {  	v19 =	vor.u32 s26, v2;
	[tilespmem:v27+s20+$0x0] =	vst.idx.msk $0xffff, v26;
	v16 =	vld [tilespmem:s25+$0xFFFFFFA0]  }
0x91: {  	[tilespmem:v23+s20+$0x0] =	vst.idx.msk $0xffff, v20;
	v20 =	vld [tilespmem:s6+$0x50];
	v23 =	vor.u32 s0, v1  }
0x92: {  	v27 =	vor.u32 s22, v1;
	v26 =	vld [tilespmem:s6+$0xFFFFFFD0];
	[tilespmem:v18+s20+$0x0] =	vst.idx.msk $0xffff, v17  }
0x93: {  	v29 =	vor.u32 s29, v3;
	s29 =	smov.u32 s22;
	[tilespmem:v25+s20+$0x0] =	vst.idx.msk $0xffff, v24;
	v28 =	vld [tilespmem:s25+$0xFFFFFFF0]  }
0x94: {  	[tilespmem:v22+s20+$0x0] =	vst.idx.msk $0xffff, v21;
	v21 =	vld [tilespmem:s6+$0x10];
	v22 =	vor.u32 s31, v1  }
0x95: {  	v31 =	vor.u32 s1, v1;
	v30 =	vld [tilespmem:s6+$0xFFFFFF90];
	[tilespmem:v19+s20+$0x0] =	vst.idx.msk $0xffff, v16  }
.Ltmp0:
0x96: {  	[tilespmem:v23+s20+$0x0] =	vst.idx.msk $0xffff, v20;
	v20 =	vld [tilespmem:s25+$0x30];
	v23 =	vor.u32 s28, v3;
	s28 =	smov.u32 s31;
	(pc) =	sbr.rel @p1 .LBB2_3-.Ltmp0, $4  }
0x97: {  	v25 =	vor.u32 s0, v2;
	[tilespmem:v27+s20+$0x0] =	vst.idx.msk $0xffff, v26;
	v18 =	vld [tilespmem:s6+$0x60]  }
0x98: {  	v24 =	vor.u32 s29, v2;
	v17 =	vld [tilespmem:s6+$0xFFFFFFE0];
	[tilespmem:v29+s20+$0x0] =	vst.idx.msk $0xffff, v28  }
0x99: {  	[tilespmem:v22+s20+$0x0] =	vst.idx.msk $0xffff, v21;
	v21 =	vld [tilespmem:s25+$0xFFFFFFB0];
	v22 =	vor.u32 s26, v3;
	s26 =	smov.u32 s1;
	s1 =	smov.u32 s15;
	s25 =	smov.u32 s6  }
0x9a: {  	v19 =	vor.u32 s28, v2;
	s15 =	sadd.s32 $0x4, s15;
	s6 =	sadd.s32 $0x100, s6;
	s14 =	sadd.s32 $0x3, s1;
	[tilespmem:v31+s20+$0x0] =	vst.idx.msk $0xffff, v30;
	v16 =	vld [tilespmem:s25+$0x20]  }
0x9b: {  	_ =	sdelay $0x2  }
0x9c: {  	s15 =	sadd.s32 $0x1, s1;
	v26 =	vld [tilespmem:s6+$0x40];
	v27 =	vor.u32 s14, v0  }
0x9d: {  	[tilespmem:v23+s20+$0x0] =	vst.idx.msk $0xffff, v20;
	v20 =	vld [tilespmem:s6+$0xFFFFFFC0];
	s22 =	sadd.s32 $0x2, s1;
	v23 =	vor.u32 s15, v0  }
0x9e: {  	[tilespmem:v25+s20+$0x0] =	vst.idx.msk $0xffff, v18;
	v18 =	vld [tilespmem:s6+$0x0];
	v25 =	vor.u32 s22, v0  }
0x9f: {  	[tilespmem:v24+s20+$0x0] =	vst.idx.msk $0xffff, v17;
	v17 =	vld [tilespmem:s6+$0xFFFFFF80];
	v24 =	vor.u32 s1, v0  }
0xa0: {  	[tilespmem:v22+s20+$0x0] =	vst.idx.msk $0xffff, v21  }
0xa1: {  	v21 =	vld [tilespmem:s25+$0x70];
	v22 =	vor.u32 s0, v3;
	[tilespmem:v27+s20+$0x0] =	vst.idx.msk $0xffff, v26  }
0xa2: {  	[tilespmem:v23+s20+$0x0] =	vst.idx.msk $0xffff, v20;
	v20 =	vld [tilespmem:s6+$0x50];
	v23 =	vor.u32 s14, v1  }
0xa3: {  	v27 =	vor.u32 s15, v1;
	[tilespmem:v25+s20+$0x0] =	vst.idx.msk $0xffff, v18;
	v26 =	vld [tilespmem:s6+$0xFFFFFFD0]  }
0xa4: {  	v18 =	vor.u32 s22, v1;
	[tilespmem:v24+s20+$0x0] =	vst.idx.msk $0xffff, v17;
	v17 =	vld [tilespmem:s6+$0x10]  }
0xa5: {  	[tilespmem:v19+s20+$0x0] =	vst.idx.msk $0xffff, v16;
	v19 =	vor.u32 s1, v1;
	v16 =	vld [tilespmem:s6+$0xFFFFFF90]  }
0xa6: {  	v25 =	vor.u32 s26, v2;
	v24 =	vld [tilespmem:s25+$0xFFFFFFA0];
	[tilespmem:v22+s20+$0x0] =	vst.idx.msk $0xffff, v21  }
0xa7: {  	v21 =	vld [tilespmem:s25+$0xFFFFFFF0];
	v22 =	vor.u32 s29, v3;
	[tilespmem:v23+s20+$0x0] =	vst.idx.msk $0xffff, v20  }
0xa8: {  	v23 =	vor.u32 s14, v2;
	[tilespmem:v27+s20+$0x0] =	vst.idx.msk $0xffff, v26;
	v20 =	vld [tilespmem:s6+$0x60]  }
0xa9: {  	v27 =	vor.u32 s15, v2;
	[tilespmem:v18+s20+$0x0] =	vst.idx.msk $0xffff, v17;
	v26 =	vld [tilespmem:s6+$0xFFFFFFE0]  }
0xaa: {  	v17 =	vor.u32 s22, v2;
	[tilespmem:v19+s20+$0x0] =	vst.idx.msk $0xffff, v16;
	v16 =	vld [tilespmem:s6+$0x20]  }
0xab: {  	[tilespmem:v25+s20+$0x0] =	vst.idx.msk $0xffff, v24;
	v19 =	vor.u32 s1, v2;
	v18 =	vld [tilespmem:s6+$0xFFFFFFA0]  }
0xac: {  	v24 =	vld [tilespmem:s25+$0x30];
	v25 =	vor.u32 s28, v3;
	[tilespmem:v22+s20+$0x0] =	vst.idx.msk $0xffff, v21  }
0xad: {  	v21 =	vld [tilespmem:s25+$0xFFFFFFB0];
	v22 =	vor.u32 s26, v3;
	[tilespmem:v23+s20+$0x0] =	vst.idx.msk $0xffff, v20  }
0xae: {  	v23 =	vor.u32 s14, v3;
	[tilespmem:v27+s20+$0x0] =	vst.idx.msk $0xffff, v26;
	v20 =	vld [tilespmem:s6+$0x70]  }
0xaf: {  	[tilespmem:v17+s20+$0x0] =	vst.idx.msk $0xffff, v16;
	v17 =	vor.u32 s15, v3;
	v16 =	vld [tilespmem:s6+$0xFFFFFFF0]  }
0xb0: {  	[tilespmem:v19+s20+$0x0] =	vst.idx.msk $0xffff, v18;
	v18 =	vld [tilespmem:s6+$0x30];
	v19 =	vor.u32 s22, v3  }
0xb1: {  	[tilespmem:v25+s20+$0x0] =	vst.idx.msk $0xffff, v24;
	v25 =	vor.u32 s1, v3;
	v24 =	vld [tilespmem:s6+$0xFFFFFFB0]  }
0xb2: {  	[tilespmem:v22+s20+$0x0] =	vst.idx.msk $0xffff, v21  }
0xb3: {  	[tilespmem:v23+s20+$0x0] =	vst.idx.msk $0xffff, v20  }
0xb4: {  	s25 =	sshll.u32 s23, $0xA;
	[tilespmem:v17+s20+$0x0] =	vst.idx.msk $0xffff, v16  }
0xb5: {  	s25 =	sand.u32 $0x3FFFFC00, s25;
	[tilespmem:v19+s20+$0x0] =	vst.idx.msk $0xffff, v18  }
0xb6: {  	s26 =	simm.s32 $0x6400;
	s0 =	sor.u32 $0x100, s25;
	[tilespmem:v25+s20+$0x0] =	vst.idx.msk $0xffff, v24  }
0xb7: {  	[tilespmem:s26], [sflag:$0x1] =	stream.indirect.gather [hbm4b:s4+s16], $0x40, s0, s16, $0xb8;
	[tilespmem:$0x1A400] =	vst v63  }
0xb8: {  	_ =	swait.ge [sflag:s21], $0x2000  }
0xb9: {  	[sflag:s21] =	ssyncset.done $0x0  }
0xba: {  	s2 =	simm.s32 $0x1;
	s6 =	simm.s32 $0x8480;
	[sflag:s21] =	ssyncadd.s32 $0xFFFFE000  }
0xbb: {  	s1 =	simm.s32 $0x3;
	v19 =	vor.u32 s2, v4;
	v18 =	vld [tilespmem:s6+$0xFFFFFFC0]  }
0xbc: {  	v17 =	vor.u32 s1, v4;
	v16 =	vld [tilespmem:s6+$0x40]  }
0xbd: {  	s14 =	simm.s32 $0x2  }
0xbe: {  	v21 =	vor.u32 s14, v4;
	v20 =	vld [tilespmem:s6+$0x0]  }
0xbf: {  	s17 =	simm.s32 $0x0  }
0xc0: {  	v23 =	vor.u32 s17, v4;
	v22 =	vld [tilespmem:s6+$0xFFFFFF80];
	[tilespmem:v19+s20+$0x0] =	vst.idx.msk $0xffff, v18  }
0xc1: {  	[tilespmem:v17+s20+$0x0] =	vst.idx.msk $0xffff, v16;
	v19 =	vor.u32 s2, v5;
	v18 =	vld [tilespmem:s6+$0xFFFFFFD0]  }
0xc2: {  	v17 =	vor.u32 s1, v5;
	v16 =	vld [tilespmem:s6+$0x50]  }
0xc3: {  	[tilespmem:v21+s20+$0x0] =	vst.idx.msk $0xffff, v20  }
0xc4: {  	s0 =	simm.s32 $0x7;
	s26 =	simm.s32 $0x8580;
	v21 =	vor.u32 s14, v5;
	v20 =	vld [tilespmem:s6+$0x10]  }
0xc5: {  	v25 =	vor.u32 s0, v4;
	v24 =	vld [tilespmem:s26+$0x40];
	[tilespmem:v23+s20+$0x0] =	vst.idx.msk $0xffff, v22  }
0xc6: {  	v23 =	vor.u32 s17, v5;
	v22 =	vld [tilespmem:s6+$0xFFFFFF90];
	[tilespmem:v19+s20+$0x0] =	vst.idx.msk $0xffff, v18  }
0xc7: {  	[tilespmem:v17+s20+$0x0] =	vst.idx.msk $0xffff, v16;
	v19 =	vor.u32 s2, v6;
	v18 =	vld [tilespmem:s6+$0xFFFFFFE0]  }
0xc8: {  	s31 =	simm.s32 $0x5;
	v17 =	vor.u32 s1, v6;
	v16 =	vld [tilespmem:s6+$0x60]  }
0xc9: {  	v27 =	vor.u32 s31, v4;
	v26 =	vld [tilespmem:s26+$0xFFFFFFC0];
	[tilespmem:v21+s20+$0x0] =	vst.idx.msk $0xffff, v20  }
0xca: {  	s28 =	simm.s32 $0x4;
	[tilespmem:v25+s20+$0x0] =	vst.idx.msk $0xffff, v24;
	v21 =	vor.u32 s14, v6;
	v20 =	vld [tilespmem:s6+$0x20]  }
0xcb: {  	s29 =	simm.s32 $0x6;
	[tilespmem:v23+s20+$0x0] =	vst.idx.msk $0xffff, v22;
	v22 =	vld [tilespmem:s26+$0xFFFFFF80];
	v23 =	vor.u32 s28, v4  }
0xcc: {  	[tilespmem:v19+s20+$0x0] =	vst.idx.msk $0xffff, v18;
	v18 =	vld [tilespmem:s26+$0x0];
	v19 =	vor.u32 s29, v4  }
0xcd: {  	v25 =	vor.u32 s0, v5;
	v24 =	vld [tilespmem:s26+$0x50];
	[tilespmem:v17+s20+$0x0] =	vst.idx.msk $0xffff, v16  }
0xce: {  	[tilespmem:v27+s20+$0x0] =	vst.idx.msk $0xffff, v26;
	v17 =	vor.u32 s1, v7;
	v16 =	vld [tilespmem:s6+$0x70]  }
0xcf: {  	[tilespmem:v21+s20+$0x0] =	vst.idx.msk $0xffff, v20;
	v20 =	vld [tilespmem:s6+$0xFFFFFFA0];
	v21 =	vor.u32 s17, v6  }
0xd0: {  	v27 =	vor.u32 s31, v5;
	v26 =	vld [tilespmem:s26+$0xFFFFFFD0];
	[tilespmem:v23+s20+$0x0] =	vst.idx.msk $0xffff, v22  }
0xd1: {  	v30 =	vor.u32 s28, v5;
	v29 =	vld [tilespmem:s26+$0xFFFFFF90];
	[tilespmem:v19+s20+$0x0] =	vst.idx.msk $0xffff, v18  }
0xd2: {  	v28 =	vor.u32 s29, v5;
	[tilespmem:v25+s20+$0x0] =	vst.idx.msk $0xffff, v24;
	v22 =	vld [tilespmem:s26+$0x10]  }
0xd3: {  	v18 =	vor.u32 s2, v7;
	[tilespmem:v17+s20+$0x0] =	vst.idx.msk $0xffff, v16;
	v16 =	vld [tilespmem:s6+$0xFFFFFFF0]  }
0xd4: {  	v24 =	vor.u32 s14, v7;
	[tilespmem:v21+s20+$0x0] =	vst.idx.msk $0xffff, v20;
	v21 =	vld [tilespmem:s6+$0x30]  }
0xd5: {  	[tilespmem:v27+s20+$0x0] =	vst.idx.msk $0xffff, v26;
	v25 =	vor.u32 s0, v6;
	v19 =	vld [tilespmem:s26+$0x60]  }
0xd6: {  	v23 =	vor.u32 s31, v6;
	[tilespmem:v30+s20+$0x0] =	vst.idx.msk $0xffff, v29;
	v17 =	vld [tilespmem:s26+$0xFFFFFFE0]  }
0xd7: {  	s15 =	simm.s32 $0xC;
	v20 =	vld [tilespmem:s6+$0xFFFFFFB0];
	[tilespmem:v28+s20+$0x0] =	vst.idx.msk $0xffff, v22;
	v22 =	vor.u32 s17, v7  }
0xd8: {  	s14 =	simm.s32 $0xB;
	s1 =	simm.s32 $0x8;
	s6 =	simm.s32 $0x8680;
	[tilespmem:v18+s20+$0x0] =	vst.idx.msk $0xffff, v16;
	v18 =	vor.u32 s29, v6;
	v16 =	vld [tilespmem:s26+$0x20]  }
.LBB2_5:
0xd9: {  	p1 =	slt.u32 s15, $0x7C;
	s22 =	sadd.s32 $0x1, s1;
	v26 =	vld [tilespmem:s6+$0x40];
	v27 =	vor.u32 s14, v4;
	[tilespmem:v24+s20+$0x0] =	vst.idx.msk $0xffff, v21  }
0xda: {  	v21 =	vld [tilespmem:s6+$0xFFFFFFC0];
	v24 =	vor.u32 s22, v4;
	[tilespmem:v25+s20+$0x0] =	vst.idx.msk $0xffff, v19  }
0xdb: {  	s2 =	sadd.s32 $0x2, s1;
	v19 =	vor.u32 s0, v7;
	s0 =	smov.u32 s14;
	[tilespmem:v23+s20+$0x0] =	vst.idx.msk $0xffff, v17;
	v17 =	vld [tilespmem:s26+$0x70]  }
0xdc: {  	v25 =	vor.u32 s2, v4;
	v23 =	vld [tilespmem:s6+$0x0];
	[tilespmem:v22+s20+$0x0] =	vst.idx.msk $0xffff, v20  }
0xdd: {  	v22 =	vor.u32 s1, v4;
	v20 =	vld [tilespmem:s6+$0xFFFFFF80];
	[tilespmem:v18+s20+$0x0] =	vst.idx.msk $0xffff, v16  }
0xde: {  	v18 =	vor.u32 s28, v6;
	[tilespmem:v27+s20+$0x0] =	vst.idx.msk $0xffff, v26;
	v16 =	vld [tilespmem:s26+$0xFFFFFFA0]  }
0xdf: {  	[tilespmem:v24+s20+$0x0] =	vst.idx.msk $0xffff, v21;
	v21 =	vld [tilespmem:s6+$0x50];
	v24 =	vor.u32 s0, v5  }
0xe0: {  	v27 =	vor.u32 s22, v5;
	v26 =	vld [tilespmem:s6+$0xFFFFFFD0];
	[tilespmem:v19+s20+$0x0] =	vst.idx.msk $0xffff, v17  }
0xe1: {  	v29 =	vor.u32 s31, v7;
	s31 =	smov.u32 s22;
	[tilespmem:v25+s20+$0x0] =	vst.idx.msk $0xffff, v23;
	v28 =	vld [tilespmem:s26+$0xFFFFFFF0]  }
0xe2: {  	[tilespmem:v22+s20+$0x0] =	vst.idx.msk $0xffff, v20;
	v20 =	vld [tilespmem:s6+$0x10];
	v22 =	vor.u32 s2, v5  }
0xe3: {  	v31 =	vor.u32 s1, v5;
	v30 =	vld [tilespmem:s6+$0xFFFFFF90];
	[tilespmem:v18+s20+$0x0] =	vst.idx.msk $0xffff, v16  }
.Ltmp1:
0xe4: {  	[tilespmem:v24+s20+$0x0] =	vst.idx.msk $0xffff, v21;
	v21 =	vld [tilespmem:s26+$0x30];
	v24 =	vor.u32 s29, v7;
	s29 =	smov.u32 s2;
	(pc) =	sbr.rel @p1 .LBB2_5-.Ltmp1, $4  }
0xe5: {  	v25 =	vor.u32 s0, v6;
	[tilespmem:v27+s20+$0x0] =	vst.idx.msk $0xffff, v26;
	v19 =	vld [tilespmem:s6+$0x60]  }
0xe6: {  	v23 =	vor.u32 s31, v6;
	v17 =	vld [tilespmem:s6+$0xFFFFFFE0];
	[tilespmem:v29+s20+$0x0] =	vst.idx.msk $0xffff, v28  }
0xe7: {  	[tilespmem:v22+s20+$0x0] =	vst.idx.msk $0xffff, v20;
	v20 =	vld [tilespmem:s26+$0xFFFFFFB0];
	v22 =	vor.u32 s28, v7;
	s28 =	smov.u32 s1;
	s1 =	smov.u32 s15;
	s26 =	smov.u32 s6  }
0xe8: {  	v18 =	vor.u32 s29, v6;
	s15 =	sadd.s32 $0x4, s15;
	s6 =	sadd.s32 $0x100, s6;
	s14 =	sadd.s32 $0x3, s1;
	[tilespmem:v31+s20+$0x0] =	vst.idx.msk $0xffff, v30;
	v16 =	vld [tilespmem:s26+$0x20]  }
0xe9: {  	_ =	sdelay $0x2  }
0xea: {  	s2 =	sadd.s32 $0x1, s1;
	v26 =	vld [tilespmem:s6+$0x40];
	v27 =	vor.u32 s14, v4  }
0xeb: {  	[tilespmem:v24+s20+$0x0] =	vst.idx.msk $0xffff, v21;
	v21 =	vld [tilespmem:s6+$0xFFFFFFC0];
	s15 =	sadd.s32 $0x2, s1;
	v24 =	vor.u32 s2, v4  }
0xec: {  	[tilespmem:v25+s20+$0x0] =	vst.idx.msk $0xffff, v19;
	v19 =	vld [tilespmem:s6+$0x0];
	v25 =	vor.u32 s15, v4  }
0xed: {  	[tilespmem:v23+s20+$0x0] =	vst.idx.msk $0xffff, v17;
	v17 =	vld [tilespmem:s6+$0xFFFFFF80];
	v23 =	vor.u32 s1, v4  }
0xee: {  	[tilespmem:v22+s20+$0x0] =	vst.idx.msk $0xffff, v20  }
0xef: {  	v20 =	vld [tilespmem:s26+$0x70];
	v22 =	vor.u32 s0, v7;
	[tilespmem:v27+s20+$0x0] =	vst.idx.msk $0xffff, v26  }
0xf0: {  	[tilespmem:v24+s20+$0x0] =	vst.idx.msk $0xffff, v21;
	v21 =	vld [tilespmem:s6+$0x50];
	v24 =	vor.u32 s14, v5  }
0xf1: {  	v27 =	vor.u32 s2, v5;
	[tilespmem:v25+s20+$0x0] =	vst.idx.msk $0xffff, v19;
	v26 =	vld [tilespmem:s6+$0xFFFFFFD0]  }
0xf2: {  	v19 =	vor.u32 s15, v5;
	[tilespmem:v23+s20+$0x0] =	vst.idx.msk $0xffff, v17;
	v17 =	vld [tilespmem:s6+$0x10]  }
0xf3: {  	[tilespmem:v18+s20+$0x0] =	vst.idx.msk $0xffff, v16;
	v18 =	vor.u32 s1, v5;
	v16 =	vld [tilespmem:s6+$0xFFFFFF90]  }
0xf4: {  	v25 =	vor.u32 s28, v6;
	v23 =	vld [tilespmem:s26+$0xFFFFFFA0];
	[tilespmem:v22+s20+$0x0] =	vst.idx.msk $0xffff, v20  }
0xf5: {  	v20 =	vld [tilespmem:s26+$0xFFFFFFF0];
	v22 =	vor.u32 s31, v7;
	[tilespmem:v24+s20+$0x0] =	vst.idx.msk $0xffff, v21  }
0xf6: {  	v24 =	vor.u32 s14, v6;
	[tilespmem:v27+s20+$0x0] =	vst.idx.msk $0xffff, v26;
	v21 =	vld [tilespmem:s6+$0x60]  }
0xf7: {  	v27 =	vor.u32 s2, v6;
	[tilespmem:v19+s20+$0x0] =	vst.idx.msk $0xffff, v17;
	v26 =	vld [tilespmem:s6+$0xFFFFFFE0]  }
0xf8: {  	v17 =	vor.u32 s15, v6;
	[tilespmem:v18+s20+$0x0] =	vst.idx.msk $0xffff, v16;
	v16 =	vld [tilespmem:s6+$0x20]  }
0xf9: {  	[tilespmem:v25+s20+$0x0] =	vst.idx.msk $0xffff, v23;
	v19 =	vor.u32 s1, v6;
	v18 =	vld [tilespmem:s6+$0xFFFFFFA0]  }
0xfa: {  	v23 =	vld [tilespmem:s26+$0x30];
	v25 =	vor.u32 s29, v7;
	[tilespmem:v22+s20+$0x0] =	vst.idx.msk $0xffff, v20  }
0xfb: {  	v20 =	vld [tilespmem:s26+$0xFFFFFFB0];
	v22 =	vor.u32 s28, v7;
	[tilespmem:v24+s20+$0x0] =	vst.idx.msk $0xffff, v21  }
0xfc: {  	v24 =	vor.u32 s14, v7;
	[tilespmem:v27+s20+$0x0] =	vst.idx.msk $0xffff, v26;
	v21 =	vld [tilespmem:s6+$0x70]  }
0xfd: {  	[tilespmem:v17+s20+$0x0] =	vst.idx.msk $0xffff, v16;
	v17 =	vor.u32 s2, v7;
	v16 =	vld [tilespmem:s6+$0xFFFFFFF0]  }
0xfe: {  	[tilespmem:v19+s20+$0x0] =	vst.idx.msk $0xffff, v18;
	v18 =	vld [tilespmem:s6+$0x30];
	v19 =	vor.u32 s15, v7  }
0xff: {  	[tilespmem:v25+s20+$0x0] =	vst.idx.msk $0xffff, v23;
	v25 =	vor.u32 s1, v7;
	v23 =	vld [tilespmem:s6+$0xFFFFFFB0]  }
0x100: {  	[tilespmem:v22+s20+$0x0] =	vst.idx.msk $0xffff, v20  }
0x101: {  	[tilespmem:v24+s20+$0x0] =	vst.idx.msk $0xffff, v21  }
0x102: {  	[tilespmem:v17+s20+$0x0] =	vst.idx.msk $0xffff, v16  }
0x103: {  	[tilespmem:v19+s20+$0x0] =	vst.idx.msk $0xffff, v18  }
0x104: {  	s6 =	sadd.s32 $0x180, s25;
	[tilespmem:v25+s20+$0x0] =	vst.idx.msk $0xffff, v23  }
0x105: {  	[tilespmem:s18], [sflag:$0x2] =	stream.indirect.gather [hbm4b:s4+s16], $0x40, s6, s16, $0xb8;
	[tilespmem:$0x1A400] =	vst v63  }
0x106: {  	_ =	swait.ge [sflag:s19], $0x2000  }
0x107: {  	[sflag:s19] =	ssyncset.done $0x0  }
0x108: {  	s17 =	simm.s32 $0x1;
	s14 =	simm.s32 $0x6480;
	[sflag:s19] =	ssyncadd.s32 $0xFFFFE000  }
0x109: {  	s15 =	simm.s32 $0x3;
	v19 =	vor.u32 s17, v8;
	v18 =	vld [tilespmem:s14+$0xFFFFFFC0]  }
0x10a: {  	v17 =	vor.u32 s15, v8;
	v16 =	vld [tilespmem:s14+$0x40]  }
0x10b: {  	s22 =	simm.s32 $0x2  }
0x10c: {  	v21 =	vor.u32 s22, v8;
	v20 =	vld [tilespmem:s14+$0x0]  }
0x10d: {  	s31 =	simm.s32 $0x0  }
0x10e: {  	v23 =	vor.u32 s31, v8;
	v22 =	vld [tilespmem:s14+$0xFFFFFF80];
	[tilespmem:v19+s20+$0x0] =	vst.idx.msk $0xffff, v18  }
0x10f: {  	[tilespmem:v17+s20+$0x0] =	vst.idx.msk $0xffff, v16;
	v19 =	vor.u32 s17, v9;
	v18 =	vld [tilespmem:s14+$0xFFFFFFD0]  }
0x110: {  	v17 =	vor.u32 s15, v9;
	v16 =	vld [tilespmem:s14+$0x50]  }
0x111: {  	[tilespmem:v21+s20+$0x0] =	vst.idx.msk $0xffff, v20  }
0x112: {  	s0 =	simm.s32 $0x7;
	s25 =	simm.s32 $0x6580;
	v21 =	vor.u32 s22, v9;
	v20 =	vld [tilespmem:s14+$0x10]  }
0x113: {  	v25 =	vor.u32 s0, v8;
	v24 =	vld [tilespmem:s25+$0x40];
	[tilespmem:v23+s20+$0x0] =	vst.idx.msk $0xffff, v22  }
0x114: {  	v23 =	vor.u32 s31, v9;
	v22 =	vld [tilespmem:s14+$0xFFFFFF90];
	[tilespmem:v19+s20+$0x0] =	vst.idx.msk $0xffff, v18  }
0x115: {  	[tilespmem:v17+s20+$0x0] =	vst.idx.msk $0xffff, v16;
	v19 =	vor.u32 s17, v10;
	v18 =	vld [tilespmem:s14+$0xFFFFFFE0]  }
0x116: {  	s29 =	simm.s32 $0x5;
	v17 =	vor.u32 s15, v10;
	v16 =	vld [tilespmem:s14+$0x60]  }
0x117: {  	v27 =	vor.u32 s29, v8;
	v26 =	vld [tilespmem:s25+$0xFFFFFFC0];
	[tilespmem:v21+s20+$0x0] =	vst.idx.msk $0xffff, v20  }
0x118: {  	s26 =	simm.s32 $0x4;
	[tilespmem:v25+s20+$0x0] =	vst.idx.msk $0xffff, v24;
	v21 =	vor.u32 s22, v10;
	v20 =	vld [tilespmem:s14+$0x20]  }
0x119: {  	s28 =	simm.s32 $0x6;
	[tilespmem:v23+s20+$0x0] =	vst.idx.msk $0xffff, v22;
	v22 =	vld [tilespmem:s25+$0xFFFFFF80];
	v23 =	vor.u32 s26, v8  }
0x11a: {  	[tilespmem:v19+s20+$0x0] =	vst.idx.msk $0xffff, v18;
	v18 =	vld [tilespmem:s25+$0x0];
	v19 =	vor.u32 s28, v8  }
0x11b: {  	v25 =	vor.u32 s0, v9;
	v24 =	vld [tilespmem:s25+$0x50];
	[tilespmem:v17+s20+$0x0] =	vst.idx.msk $0xffff, v16  }
0x11c: {  	[tilespmem:v27+s20+$0x0] =	vst.idx.msk $0xffff, v26;
	v17 =	vor.u32 s15, v11;
	v16 =	vld [tilespmem:s14+$0x70]  }
0x11d: {  	[tilespmem:v21+s20+$0x0] =	vst.idx.msk $0xffff, v20;
	v20 =	vld [tilespmem:s14+$0xFFFFFFA0];
	v21 =	vor.u32 s31, v10  }
0x11e: {  	v27 =	vor.u32 s29, v9;
	v26 =	vld [tilespmem:s25+$0xFFFFFFD0];
	[tilespmem:v23+s20+$0x0] =	vst.idx.msk $0xffff, v22  }
0x11f: {  	v30 =	vor.u32 s26, v9;
	v29 =	vld [tilespmem:s25+$0xFFFFFF90];
	[tilespmem:v19+s20+$0x0] =	vst.idx.msk $0xffff, v18  }
0x120: {  	v28 =	vor.u32 s28, v9;
	[tilespmem:v25+s20+$0x0] =	vst.idx.msk $0xffff, v24;
	v22 =	vld [tilespmem:s25+$0x10]  }
0x121: {  	v18 =	vor.u32 s17, v11;
	[tilespmem:v17+s20+$0x0] =	vst.idx.msk $0xffff, v16;
	v16 =	vld [tilespmem:s14+$0xFFFFFFF0]  }
0x122: {  	v24 =	vor.u32 s22, v11;
	[tilespmem:v21+s20+$0x0] =	vst.idx.msk $0xffff, v20;
	v21 =	vld [tilespmem:s14+$0x30]  }
0x123: {  	[tilespmem:v27+s20+$0x0] =	vst.idx.msk $0xffff, v26;
	v25 =	vor.u32 s0, v10;
	v19 =	vld [tilespmem:s25+$0x60]  }
0x124: {  	v23 =	vor.u32 s29, v10;
	[tilespmem:v30+s20+$0x0] =	vst.idx.msk $0xffff, v29;
	v17 =	vld [tilespmem:s25+$0xFFFFFFE0]  }
0x125: {  	s1 =	simm.s32 $0x8;
	v20 =	vld [tilespmem:s14+$0xFFFFFFB0];
	[tilespmem:v28+s20+$0x0] =	vst.idx.msk $0xffff, v22;
	v22 =	vor.u32 s31, v11  }
0x126: {  	s6 =	simm.s32 $0x6680;
	s15 =	simm.s32 $0xC;
	s14 =	simm.s32 $0xB;
	[tilespmem:v18+s20+$0x0] =	vst.idx.msk $0xffff, v16;
	v18 =	vor.u32 s28, v10;
	v16 =	vld [tilespmem:s25+$0x20]  }
.LBB2_7:
0x127: {  	p1 =	slt.u32 s15, $0x7C;
	s2 =	sadd.s32 $0x1, s1;
	v26 =	vld [tilespmem:s6+$0x40];
	v27 =	vor.u32 s14, v8;
	[tilespmem:v24+s20+$0x0] =	vst.idx.msk $0xffff, v21  }
0x128: {  	v21 =	vld [tilespmem:s6+$0xFFFFFFC0];
	v24 =	vor.u32 s2, v8;
	[tilespmem:v25+s20+$0x0] =	vst.idx.msk $0xffff, v19  }
0x129: {  	s22 =	sadd.s32 $0x2, s1;
	v19 =	vor.u32 s0, v11;
	s0 =	smov.u32 s14;
	[tilespmem:v23+s20+$0x0] =	vst.idx.msk $0xffff, v17;
	v17 =	vld [tilespmem:s25+$0x70]  }
0x12a: {  	v25 =	vor.u32 s22, v8;
	v23 =	vld [tilespmem:s6+$0x0];
	[tilespmem:v22+s20+$0x0] =	vst.idx.msk $0xffff, v20  }
0x12b: {  	v22 =	vor.u32 s1, v8;
	v20 =	vld [tilespmem:s6+$0xFFFFFF80];
	[tilespmem:v18+s20+$0x0] =	vst.idx.msk $0xffff, v16  }
0x12c: {  	v18 =	vor.u32 s26, v10;
	[tilespmem:v27+s20+$0x0] =	vst.idx.msk $0xffff, v26;
	v16 =	vld [tilespmem:s25+$0xFFFFFFA0]  }
0x12d: {  	[tilespmem:v24+s20+$0x0] =	vst.idx.msk $0xffff, v21;
	v21 =	vld [tilespmem:s6+$0x50];
	v24 =	vor.u32 s0, v9  }
0x12e: {  	v27 =	vor.u32 s2, v9;
	v26 =	vld [tilespmem:s6+$0xFFFFFFD0];
	[tilespmem:v19+s20+$0x0] =	vst.idx.msk $0xffff, v17  }
0x12f: {  	v29 =	vor.u32 s29, v11;
	s29 =	smov.u32 s2;
	[tilespmem:v25+s20+$0x0] =	vst.idx.msk $0xffff, v23;
	v28 =	vld [tilespmem:s25+$0xFFFFFFF0]  }
0x130: {  	[tilespmem:v22+s20+$0x0] =	vst.idx.msk $0xffff, v20;
	v20 =	vld [tilespmem:s6+$0x10];
	v22 =	vor.u32 s22, v9  }
0x131: {  	v31 =	vor.u32 s1, v9;
	v30 =	vld [tilespmem:s6+$0xFFFFFF90];
	[tilespmem:v18+s20+$0x0] =	vst.idx.msk $0xffff, v16  }
.Ltmp2:
0x132: {  	[tilespmem:v24+s20+$0x0] =	vst.idx.msk $0xffff, v21;
	v21 =	vld [tilespmem:s25+$0x30];
	v24 =	vor.u32 s28, v11;
	s28 =	smov.u32 s22;
	(pc) =	sbr.rel @p1 .LBB2_7-.Ltmp2, $4  }
0x133: {  	v25 =	vor.u32 s0, v10;
	[tilespmem:v27+s20+$0x0] =	vst.idx.msk $0xffff, v26;
	v19 =	vld [tilespmem:s6+$0x60]  }
0x134: {  	v23 =	vor.u32 s29, v10;
	v17 =	vld [tilespmem:s6+$0xFFFFFFE0];
	[tilespmem:v29+s20+$0x0] =	vst.idx.msk $0xffff, v28  }
0x135: {  	[tilespmem:v22+s20+$0x0] =	vst.idx.msk $0xffff, v20;
	v20 =	vld [tilespmem:s25+$0xFFFFFFB0];
	v22 =	vor.u32 s26, v11;
	s26 =	smov.u32 s1;
	s1 =	smov.u32 s15;
	s25 =	smov.u32 s6  }
0x136: {  	v18 =	vor.u32 s28, v10;
	s15 =	sadd.s32 $0x4, s15;
	s6 =	sadd.s32 $0x100, s6;
	s14 =	sadd.s32 $0x3, s1;
	[tilespmem:v31+s20+$0x0] =	vst.idx.msk $0xffff, v30;
	v16 =	vld [tilespmem:s25+$0x20]  }
0x137: {  	_ =	sdelay $0x2  }
0x138: {  	s2 =	sadd.s32 $0x1, s1;
	v26 =	vld [tilespmem:s6+$0x40];
	v27 =	vor.u32 s14, v8  }
0x139: {  	[tilespmem:v24+s20+$0x0] =	vst.idx.msk $0xffff, v21;
	v21 =	vld [tilespmem:s6+$0xFFFFFFC0];
	s15 =	sadd.s32 $0x2, s1;
	v24 =	vor.u32 s2, v8  }
0x13a: {  	[tilespmem:v25+s20+$0x0] =	vst.idx.msk $0xffff, v19;
	v19 =	vld [tilespmem:s6+$0x0];
	v25 =	vor.u32 s15, v8  }
0x13b: {  	[tilespmem:v23+s20+$0x0] =	vst.idx.msk $0xffff, v17;
	v17 =	vld [tilespmem:s6+$0xFFFFFF80];
	v23 =	vor.u32 s1, v8  }
0x13c: {  	[tilespmem:v22+s20+$0x0] =	vst.idx.msk $0xffff, v20  }
0x13d: {  	v20 =	vld [tilespmem:s25+$0x70];
	v22 =	vor.u32 s0, v11;
	[tilespmem:v27+s20+$0x0] =	vst.idx.msk $0xffff, v26  }
0x13e: {  	[tilespmem:v24+s20+$0x0] =	vst.idx.msk $0xffff, v21;
	v21 =	vld [tilespmem:s6+$0x50];
	v24 =	vor.u32 s14, v9  }
0x13f: {  	v27 =	vor.u32 s2, v9;
	[tilespmem:v25+s20+$0x0] =	vst.idx.msk $0xffff, v19;
	v26 =	vld [tilespmem:s6+$0xFFFFFFD0]  }
0x140: {  	v19 =	vor.u32 s15, v9;
	[tilespmem:v23+s20+$0x0] =	vst.idx.msk $0xffff, v17;
	v17 =	vld [tilespmem:s6+$0x10]  }
0x141: {  	[tilespmem:v18+s20+$0x0] =	vst.idx.msk $0xffff, v16;
	v18 =	vor.u32 s1, v9;
	v16 =	vld [tilespmem:s6+$0xFFFFFF90]  }
0x142: {  	v25 =	vor.u32 s26, v10;
	v23 =	vld [tilespmem:s25+$0xFFFFFFA0];
	[tilespmem:v22+s20+$0x0] =	vst.idx.msk $0xffff, v20  }
0x143: {  	v20 =	vld [tilespmem:s25+$0xFFFFFFF0];
	v22 =	vor.u32 s29, v11;
	[tilespmem:v24+s20+$0x0] =	vst.idx.msk $0xffff, v21  }
0x144: {  	v24 =	vor.u32 s14, v10;
	[tilespmem:v27+s20+$0x0] =	vst.idx.msk $0xffff, v26;
	v21 =	vld [tilespmem:s6+$0x60]  }
0x145: {  	v27 =	vor.u32 s2, v10;
	[tilespmem:v19+s20+$0x0] =	vst.idx.msk $0xffff, v17;
	v26 =	vld [tilespmem:s6+$0xFFFFFFE0]  }
0x146: {  	v17 =	vor.u32 s15, v10;
	[tilespmem:v18+s20+$0x0] =	vst.idx.msk $0xffff, v16;
	v16 =	vld [tilespmem:s6+$0x20]  }
0x147: {  	[tilespmem:v25+s20+$0x0] =	vst.idx.msk $0xffff, v23;
	v19 =	vor.u32 s1, v10;
	v18 =	vld [tilespmem:s6+$0xFFFFFFA0]  }
0x148: {  	v23 =	vld [tilespmem:s25+$0x30];
	v25 =	vor.u32 s28, v11;
	[tilespmem:v22+s20+$0x0] =	vst.idx.msk $0xffff, v20  }
0x149: {  	v20 =	vld [tilespmem:s25+$0xFFFFFFB0];
	v22 =	vor.u32 s26, v11;
	[tilespmem:v24+s20+$0x0] =	vst.idx.msk $0xffff, v21  }
0x14a: {  	v24 =	vor.u32 s14, v11;
	[tilespmem:v27+s20+$0x0] =	vst.idx.msk $0xffff, v26;
	v21 =	vld [tilespmem:s6+$0x70]  }
0x14b: {  	[tilespmem:v17+s20+$0x0] =	vst.idx.msk $0xffff, v16;
	v17 =	vor.u32 s2, v11;
	v16 =	vld [tilespmem:s6+$0xFFFFFFF0]  }
0x14c: {  	[tilespmem:v19+s20+$0x0] =	vst.idx.msk $0xffff, v18;
	v18 =	vld [tilespmem:s6+$0x30];
	v19 =	vor.u32 s15, v11  }
0x14d: {  	[tilespmem:v25+s20+$0x0] =	vst.idx.msk $0xffff, v23;
	v25 =	vor.u32 s1, v11;
	v23 =	vld [tilespmem:s6+$0xFFFFFFB0]  }
0x14e: {  	[tilespmem:v22+s20+$0x0] =	vst.idx.msk $0xffff, v20  }
0x14f: {  	[tilespmem:v24+s20+$0x0] =	vst.idx.msk $0xffff, v21  }
0x150: {  	s25 =	sor.u32 $0x1, s24;
	[tilespmem:v17+s20+$0x0] =	vst.idx.msk $0xffff, v16  }
0x151: {  	s17 =	sshll.u32 s25, $0x9;
	[tilespmem:v19+s20+$0x0] =	vst.idx.msk $0xffff, v18  }
0x152: {  	s22 =	simm.s32 $0x6400;
	s26 =	sand.u32 $0x3FFFFE00, s17;
	[tilespmem:v25+s20+$0x0] =	vst.idx.msk $0xffff, v23  }
0x153: {  	[tilespmem:s22], [sflag:$0x1] =	stream.indirect.gather [hbm4b:s4+s16], $0x40, s26, s16, $0xb8;
	[tilespmem:$0x1A400] =	vst v63  }
0x154: {  	_ =	swait.ge [sflag:s21], $0x2000  }
0x155: {  	[sflag:s21] =	ssyncset.done $0x0  }
0x156: {  	s14 =	simm.s32 $0x8480;
	s22 =	simm.s32 $0x1;
	[sflag:s21] =	ssyncadd.s32 $0xFFFFE000  }
0x157: {  	s0 =	simm.s32 $0x3;
	v19 =	vor.u32 s22, v12;
	v18 =	vld [tilespmem:s14+$0xFFFFFFC0]  }
0x158: {  	v17 =	vor.u32 s0, v12;
	v16 =	vld [tilespmem:s14+$0x40]  }
0x159: {  	s15 =	simm.s32 $0x2  }
0x15a: {  	v21 =	vor.u32 s15, v12;
	v20 =	vld [tilespmem:s14+$0x0]  }
0x15b: {  	s17 =	simm.s32 $0x0  }
0x15c: {  	v23 =	vor.u32 s17, v12;
	v22 =	vld [tilespmem:s14+$0xFFFFFF80];
	[tilespmem:v19+s20+$0x0] =	vst.idx.msk $0xffff, v18  }
0x15d: {  	[tilespmem:v17+s20+$0x0] =	vst.idx.msk $0xffff, v16;
	v19 =	vor.u32 s22, v13;
	v18 =	vld [tilespmem:s14+$0xFFFFFFD0]  }
0x15e: {  	v17 =	vor.u32 s0, v13;
	v16 =	vld [tilespmem:s14+$0x50]  }
0x15f: {  	[tilespmem:v21+s20+$0x0] =	vst.idx.msk $0xffff, v20  }
0x160: {  	s28 =	simm.s32 $0x8580;
	s6 =	simm.s32 $0x7;
	v21 =	vor.u32 s15, v13;
	v20 =	vld [tilespmem:s14+$0x10]  }
0x161: {  	v25 =	vor.u32 s6, v12;
	v24 =	vld [tilespmem:s28+$0x40];
	[tilespmem:v23+s20+$0x0] =	vst.idx.msk $0xffff, v22  }
0x162: {  	v23 =	vor.u32 s17, v13;
	v22 =	vld [tilespmem:s14+$0xFFFFFF90];
	[tilespmem:v19+s20+$0x0] =	vst.idx.msk $0xffff, v18  }
0x163: {  	[tilespmem:v17+s20+$0x0] =	vst.idx.msk $0xffff, v16;
	v19 =	vor.u32 s22, v14;
	v18 =	vld [tilespmem:s14+$0xFFFFFFE0]  }
0x164: {  	s1 =	simm.s32 $0x5;
	v17 =	vor.u32 s0, v14;
	v16 =	vld [tilespmem:s14+$0x60]  }
0x165: {  	v27 =	vor.u32 s1, v12;
	v26 =	vld [tilespmem:s28+$0xFFFFFFC0];
	[tilespmem:v21+s20+$0x0] =	vst.idx.msk $0xffff, v20  }
0x166: {  	s29 =	simm.s32 $0x4;
	[tilespmem:v25+s20+$0x0] =	vst.idx.msk $0xffff, v24;
	v21 =	vor.u32 s15, v14;
	v20 =	vld [tilespmem:s14+$0x20]  }
0x167: {  	s31 =	simm.s32 $0x6;
	[tilespmem:v23+s20+$0x0] =	vst.idx.msk $0xffff, v22;
	v22 =	vld [tilespmem:s28+$0xFFFFFF80];
	v23 =	vor.u32 s29, v12  }
0x168: {  	[tilespmem:v19+s20+$0x0] =	vst.idx.msk $0xffff, v18;
	v18 =	vld [tilespmem:s28+$0x0];
	v19 =	vor.u32 s31, v12  }
0x169: {  	v25 =	vor.u32 s6, v13;
	v24 =	vld [tilespmem:s28+$0x50];
	[tilespmem:v17+s20+$0x0] =	vst.idx.msk $0xffff, v16  }
0x16a: {  	[tilespmem:v27+s20+$0x0] =	vst.idx.msk $0xffff, v26;
	v17 =	vor.u32 s0, v15;
	v16 =	vld [tilespmem:s14+$0x70]  }
0x16b: {  	[tilespmem:v21+s20+$0x0] =	vst.idx.msk $0xffff, v20;
	v20 =	vld [tilespmem:s14+$0xFFFFFFA0];
	v21 =	vor.u32 s17, v14  }
0x16c: {  	v27 =	vor.u32 s1, v13;
	v26 =	vld [tilespmem:s28+$0xFFFFFFD0];
	[tilespmem:v23+s20+$0x0] =	vst.idx.msk $0xffff, v22  }
0x16d: {  	v30 =	vor.u32 s29, v13;
	v29 =	vld [tilespmem:s28+$0xFFFFFF90];
	[tilespmem:v19+s20+$0x0] =	vst.idx.msk $0xffff, v18  }
0x16e: {  	v28 =	vor.u32 s31, v13;
	[tilespmem:v25+s20+$0x0] =	vst.idx.msk $0xffff, v24;
	v22 =	vld [tilespmem:s28+$0x10]  }
0x16f: {  	v18 =	vor.u32 s22, v15;
	[tilespmem:v17+s20+$0x0] =	vst.idx.msk $0xffff, v16;
	v16 =	vld [tilespmem:s14+$0xFFFFFFF0]  }
0x170: {  	v24 =	vor.u32 s15, v15;
	[tilespmem:v21+s20+$0x0] =	vst.idx.msk $0xffff, v20;
	v21 =	vld [tilespmem:s14+$0x30]  }
0x171: {  	[tilespmem:v27+s20+$0x0] =	vst.idx.msk $0xffff, v26;
	v25 =	vor.u32 s6, v14;
	v19 =	vld [tilespmem:s28+$0x60]  }
0x172: {  	v23 =	vor.u32 s1, v14;
	[tilespmem:v30+s20+$0x0] =	vst.idx.msk $0xffff, v29;
	v17 =	vld [tilespmem:s28+$0xFFFFFFE0]  }
0x173: {  	s15 =	simm.s32 $0xB;
	v20 =	vld [tilespmem:s14+$0xFFFFFFB0];
	[tilespmem:v28+s20+$0x0] =	vst.idx.msk $0xffff, v22;
	v22 =	vor.u32 s17, v15  }
0x174: {  	s0 =	simm.s32 $0x8;
	s22 =	simm.s32 $0xC;
	s14 =	simm.s32 $0x8680;
	[tilespmem:v18+s20+$0x0] =	vst.idx.msk $0xffff, v16;
	v18 =	vor.u32 s31, v14;
	v16 =	vld [tilespmem:s28+$0x20]  }
.LBB2_9:
0x175: {  	p1 =	slt.u32 s22, $0x7C;
	s2 =	sadd.s32 $0x1, s0;
	v26 =	vld [tilespmem:s14+$0x40];
	v27 =	vor.u32 s15, v12;
	[tilespmem:v24+s20+$0x0] =	vst.idx.msk $0xffff, v21  }
0x176: {  	v21 =	vld [tilespmem:s14+$0xFFFFFFC0];
	v24 =	vor.u32 s2, v12;
	[tilespmem:v25+s20+$0x0] =	vst.idx.msk $0xffff, v19  }
0x177: {  	s17 =	sadd.s32 $0x2, s0;
	v19 =	vor.u32 s6, v15;
	s6 =	smov.u32 s15;
	[tilespmem:v23+s20+$0x0] =	vst.idx.msk $0xffff, v17;
	v17 =	vld [tilespmem:s28+$0x70]  }
0x178: {  	v25 =	vor.u32 s17, v12;
	v23 =	vld [tilespmem:s14+$0x0];
	[tilespmem:v22+s20+$0x0] =	vst.idx.msk $0xffff, v20  }
0x179: {  	v22 =	vor.u32 s0, v12;
	v20 =	vld [tilespmem:s14+$0xFFFFFF80];
	[tilespmem:v18+s20+$0x0] =	vst.idx.msk $0xffff, v16  }
0x17a: {  	v18 =	vor.u32 s29, v14;
	[tilespmem:v27+s20+$0x0] =	vst.idx.msk $0xffff, v26;
	v16 =	vld [tilespmem:s28+$0xFFFFFFA0]  }
0x17b: {  	[tilespmem:v24+s20+$0x0] =	vst.idx.msk $0xffff, v21;
	v21 =	vld [tilespmem:s14+$0x50];
	v24 =	vor.u32 s6, v13  }
0x17c: {  	v27 =	vor.u32 s2, v13;
	v26 =	vld [tilespmem:s14+$0xFFFFFFD0];
	[tilespmem:v19+s20+$0x0] =	vst.idx.msk $0xffff, v17  }
0x17d: {  	v29 =	vor.u32 s1, v15;
	s1 =	smov.u32 s2;
	[tilespmem:v25+s20+$0x0] =	vst.idx.msk $0xffff, v23;
	v28 =	vld [tilespmem:s28+$0xFFFFFFF0]  }
0x17e: {  	[tilespmem:v22+s20+$0x0] =	vst.idx.msk $0xffff, v20;
	v20 =	vld [tilespmem:s14+$0x10];
	v22 =	vor.u32 s17, v13  }
0x17f: {  	v31 =	vor.u32 s0, v13;
	v30 =	vld [tilespmem:s14+$0xFFFFFF90];
	[tilespmem:v18+s20+$0x0] =	vst.idx.msk $0xffff, v16  }
.Ltmp3:
0x180: {  	[tilespmem:v24+s20+$0x0] =	vst.idx.msk $0xffff, v21;
	v21 =	vld [tilespmem:s28+$0x30];
	v24 =	vor.u32 s31, v15;
	s31 =	smov.u32 s17;
	(pc) =	sbr.rel @p1 .LBB2_9-.Ltmp3, $4  }
0x181: {  	v25 =	vor.u32 s6, v14;
	[tilespmem:v27+s20+$0x0] =	vst.idx.msk $0xffff, v26;
	v19 =	vld [tilespmem:s14+$0x60]  }
0x182: {  	v23 =	vor.u32 s1, v14;
	v17 =	vld [tilespmem:s14+$0xFFFFFFE0];
	[tilespmem:v29+s20+$0x0] =	vst.idx.msk $0xffff, v28  }
0x183: {  	[tilespmem:v22+s20+$0x0] =	vst.idx.msk $0xffff, v20;
	v20 =	vld [tilespmem:s28+$0xFFFFFFB0];
	v22 =	vor.u32 s29, v15;
	s29 =	smov.u32 s0;
	s0 =	smov.u32 s22;
	s28 =	smov.u32 s14  }
0x184: {  	v18 =	vor.u32 s31, v14;
	s22 =	sadd.s32 $0x4, s22;
	s14 =	sadd.s32 $0x100, s14;
	s15 =	sadd.s32 $0x3, s0;
	[tilespmem:v31+s20+$0x0] =	vst.idx.msk $0xffff, v30;
	v16 =	vld [tilespmem:s28+$0x20]  }
0x185: {  	_ =	sdelay $0x2  }
0x186: {  	s2 =	sadd.s32 $0x1, s0;
	v26 =	vld [tilespmem:s14+$0x40];
	v27 =	vor.u32 s15, v12  }
0x187: {  	[tilespmem:v24+s20+$0x0] =	vst.idx.msk $0xffff, v21;
	v21 =	vld [tilespmem:s14+$0xFFFFFFC0];
	s17 =	sadd.s32 $0x2, s0;
	v24 =	vor.u32 s2, v12  }
0x188: {  	[tilespmem:v25+s20+$0x0] =	vst.idx.msk $0xffff, v19;
	v19 =	vld [tilespmem:s14+$0x0];
	v25 =	vor.u32 s17, v12  }
0x189: {  	[tilespmem:v23+s20+$0x0] =	vst.idx.msk $0xffff, v17;
	v17 =	vld [tilespmem:s14+$0xFFFFFF80];
	v23 =	vor.u32 s0, v12  }
0x18a: {  	[tilespmem:v22+s20+$0x0] =	vst.idx.msk $0xffff, v20  }
0x18b: {  	v20 =	vor.u32 s6, v15;
	v22 =	vld [tilespmem:s28+$0x70];
	[tilespmem:v27+s20+$0x0] =	vst.idx.msk $0xffff, v26  }
0x18c: {  	[tilespmem:v24+s20+$0x0] =	vst.idx.msk $0xffff, v21;
	v21 =	vld [tilespmem:s14+$0x50];
	v24 =	vor.u32 s15, v13  }
0x18d: {  	v27 =	vor.u32 s2, v13;
	[tilespmem:v25+s20+$0x0] =	vst.idx.msk $0xffff, v19;
	v26 =	vld [tilespmem:s14+$0xFFFFFFD0]  }
0x18e: {  	v19 =	vor.u32 s17, v13;
	[tilespmem:v23+s20+$0x0] =	vst.idx.msk $0xffff, v17;
	v17 =	vld [tilespmem:s14+$0x10]  }
0x18f: {  	[tilespmem:v18+s20+$0x0] =	vst.idx.msk $0xffff, v16;
	v18 =	vor.u32 s0, v13;
	v16 =	vld [tilespmem:s14+$0xFFFFFF90]  }
0x190: {  	v25 =	vor.u32 s29, v14;
	v23 =	vld [tilespmem:s28+$0xFFFFFFA0];
	[tilespmem:v20+s20+$0x0] =	vst.idx.msk $0xffff, v22  }
0x191: {  	v20 =	vld [tilespmem:s28+$0xFFFFFFF0];
	v22 =	vor.u32 s1, v15;
	[tilespmem:v24+s20+$0x0] =	vst.idx.msk $0xffff, v21  }
0x192: {  	v24 =	vor.u32 s15, v14;
	[tilespmem:v27+s20+$0x0] =	vst.idx.msk $0xffff, v26;
	v21 =	vld [tilespmem:s14+$0x60]  }
0x193: {  	v27 =	vor.u32 s2, v14;
	[tilespmem:v19+s20+$0x0] =	vst.idx.msk $0xffff, v17;
	v26 =	vld [tilespmem:s14+$0xFFFFFFE0]  }
0x194: {  	v17 =	vor.u32 s17, v14;
	[tilespmem:v18+s20+$0x0] =	vst.idx.msk $0xffff, v16;
	v16 =	vld [tilespmem:s14+$0x20]  }
0x195: {  	[tilespmem:v25+s20+$0x0] =	vst.idx.msk $0xffff, v23;
	v19 =	vor.u32 s0, v14;
	v18 =	vld [tilespmem:s14+$0xFFFFFFA0]  }
0x196: {  	v23 =	vld [tilespmem:s28+$0x30];
	v25 =	vor.u32 s31, v15;
	[tilespmem:v22+s20+$0x0] =	vst.idx.msk $0xffff, v20  }
0x197: {  	v20 =	vld [tilespmem:s28+$0xFFFFFFB0];
	v22 =	vor.u32 s29, v15;
	[tilespmem:v24+s20+$0x0] =	vst.idx.msk $0xffff, v21  }
0x198: {  	v24 =	vor.u32 s15, v15;
	[tilespmem:v27+s20+$0x0] =	vst.idx.msk $0xffff, v26;
	v21 =	vld [tilespmem:s14+$0x70]  }
0x199: {  	[tilespmem:v17+s20+$0x0] =	vst.idx.msk $0xffff, v16;
	v17 =	vor.u32 s2, v15;
	v16 =	vld [tilespmem:s14+$0xFFFFFFF0]  }
0x19a: {  	[tilespmem:v19+s20+$0x0] =	vst.idx.msk $0xffff, v18;
	v18 =	vld [tilespmem:s14+$0x30];
	v19 =	vor.u32 s17, v15  }
0x19b: {  	[tilespmem:v25+s20+$0x0] =	vst.idx.msk $0xffff, v23;
	v25 =	vor.u32 s0, v15;
	v23 =	vld [tilespmem:s14+$0xFFFFFFB0]  }
0x19c: {  	[tilespmem:v22+s20+$0x0] =	vst.idx.msk $0xffff, v20  }
0x19d: {  	s17 =	sadd.s32 s5, s24;
	[tilespmem:v24+s20+$0x0] =	vst.idx.msk $0xffff, v21  }
0x19e: {  	s2 =	sshll.u32 s17, $0xC;
	s0 =	sshll.u32 s17, $0x9;
	[tilespmem:v17+s20+$0x0] =	vst.idx.msk $0xffff, v16  }
0x19f: {  	s1 =	sand.u32 $0xFFF8000, s2;
	s0 =	sand.u32 $0xC00, s0;
	[tilespmem:v19+s20+$0x0] =	vst.idx.msk $0xffff, v18  }
0x1a0: {  	s22 =	sadd.s32 $0x80, s26;
	s6 =	rddreg [dreg:$0x1];
	s0 =	sor.u32 s0, s1;
	[tilespmem:v25+s20+$0x0] =	vst.idx.msk $0xffff, v23  }
0x1a1: {  	[tilespmem:s18], [sflag:$0x2] =	stream.indirect.gather [hbm4b:s4+s16], $0x40, s22, s16, $0xb8;
	[tilespmem:$0x1A400] =	vst v63  }
0x1a2: {  	s1 =	sadd.s32 s6, s0  }
0x1a3: {  	[hbm4b:s1+s3] =	stream.linear.scatter [tilespmem:s20], [sflag:$0x3], $0x1000, $0x38;
	[tilespmem:$0x1A400] =	vst v63  }
0x1a4: {  	s15 =	simm.s32 $0xB400;
	s14 =	sadd.s32 s0, s7  }
0x1a5: {  	[hbm4b:s14+s3] =	stream.linear.scatter [tilespmem:s15], [sflag:$0x3], $0x1000, $0x38;
	[tilespmem:$0x1A400] =	vst v63  }
0x1a6: {  	s17 =	sadd.s32 s0, s8;
	s22 =	simm.s32 $0xC400  }
0x1a7: {  	[hbm4b:s17+s3] =	stream.linear.scatter [tilespmem:s22], [sflag:$0x3], $0x1000, $0x38;
	[tilespmem:$0x1A400] =	vst v63  }
0x1a8: {  	s2 =	sadd.s32 s0, s9;
	s6 =	simm.s32 $0xD400  }
0x1a9: {  	[hbm4b:s2+s3] =	stream.linear.scatter [tilespmem:s6], [sflag:$0x3], $0x1000, $0x38;
	[tilespmem:$0x1A400] =	vst v63  }
0x1aa: {  	s14 =	sadd.s32 s0, s10;
	s15 =	simm.s32 $0xE400  }
0x1ab: {  	[hbm4b:s14+s3] =	stream.linear.scatter [tilespmem:s15], [sflag:$0x3], $0x1000, $0x38;
	[tilespmem:$0x1A400] =	vst v63  }
0x1ac: {  	s17 =	sadd.s32 s0, s11;
	s22 =	simm.s32 $0xF400  }
0x1ad: {  	[hbm4b:s17+s3] =	stream.linear.scatter [tilespmem:s22], [sflag:$0x3], $0x1000, $0x38;
	[tilespmem:$0x1A400] =	vst v63  }
0x1ae: {  	s6 =	sadd.s32 s0, s12;
	s14 =	simm.s32 $0x10400  }
0x1af: {  	[hbm4b:s6+s3] =	stream.linear.scatter [tilespmem:s14], [sflag:$0x3], $0x1000, $0x38;
	[tilespmem:$0x1A400] =	vst v63  }
0x1b0: {  	s0 =	sadd.s32 s0, s13;
	s15 =	simm.s32 $0x11400  }
0x1b1: {  	[hbm4b:s0+s3] =	stream.linear.scatter [tilespmem:s15], [sflag:$0x3], $0x1000, $0x38;
	[tilespmem:$0x1A400] =	vst v63  }
0x1b2: {  	s0 =	simm.s32 @!p0 $0x4  }
0x1b3: {  	_ =	swait.ge @!p0 [sflag:s0], $0x8000  }
0x1b4: {  	[sflag:s0] =	ssyncset.done @!p0 $0x0  }
0x1b5: {  	[sflag:s0] =	ssyncadd.s32 @!p0 $0xFFFF8000  }
0x1b6: {  	_ =	swait.ge [sflag:s19], $0x2000  }
0x1b7: {  	[sflag:s19] =	ssyncset.done $0x0  }
0x1b8: {  	s14 =	simm.s32 $0x6480;
	s0 =	simm.s32 $0x1;
	[sflag:s19] =	ssyncadd.s32 $0xFFFFE000  }
0x1b9: {  	s17 =	simm.s32 $0x3;
	v19 =	vor.u32 s0, v0;
	v18 =	vld [tilespmem:s14+$0xFFFFFFC0]  }
0x1ba: {  	v17 =	vor.u32 s17, v0;
	v16 =	vld [tilespmem:s14+$0x40]  }
0x1bb: {  	s15 =	simm.s32 $0x2  }
0x1bc: {  	v21 =	vor.u32 s15, v0;
	v20 =	vld [tilespmem:s14+$0x0]  }
0x1bd: {  	s22 =	simm.s32 $0x0  }
0x1be: {  	v23 =	vor.u32 s22, v0;
	v22 =	vld [tilespmem:s14+$0xFFFFFF80];
	[tilespmem:v19+s30+$0x0] =	vst.idx.msk $0xffff, v18  }
0x1bf: {  	[tilespmem:v17+s30+$0x0] =	vst.idx.msk $0xffff, v16;
	v19 =	vor.u32 s0, v1;
	v18 =	vld [tilespmem:s14+$0xFFFFFFD0]  }
0x1c0: {  	v17 =	vor.u32 s17, v1;
	v16 =	vld [tilespmem:s14+$0x50]  }
0x1c1: {  	[tilespmem:v21+s30+$0x0] =	vst.idx.msk $0xffff, v20  }
0x1c2: {  	s28 =	simm.s32 $0x6580;
	s6 =	simm.s32 $0x7;
	v21 =	vor.u32 s15, v1;
	v20 =	vld [tilespmem:s14+$0x10]  }
0x1c3: {  	v25 =	vor.u32 s6, v0;
	v24 =	vld [tilespmem:s28+$0x40];
	[tilespmem:v23+s30+$0x0] =	vst.idx.msk $0xffff, v22  }
0x1c4: {  	v23 =	vor.u32 s22, v1;
	v22 =	vld [tilespmem:s14+$0xFFFFFF90];
	[tilespmem:v19+s30+$0x0] =	vst.idx.msk $0xffff, v18  }
0x1c5: {  	[tilespmem:v17+s30+$0x0] =	vst.idx.msk $0xffff, v16;
	v19 =	vor.u32 s0, v2;
	v18 =	vld [tilespmem:s14+$0xFFFFFFE0]  }
0x1c6: {  	s1 =	simm.s32 $0x5;
	v17 =	vor.u32 s17, v2;
	v16 =	vld [tilespmem:s14+$0x60]  }
0x1c7: {  	v27 =	vor.u32 s1, v0;
	v26 =	vld [tilespmem:s28+$0xFFFFFFC0];
	[tilespmem:v21+s30+$0x0] =	vst.idx.msk $0xffff, v20  }
0x1c8: {  	s29 =	simm.s32 $0x4;
	[tilespmem:v25+s30+$0x0] =	vst.idx.msk $0xffff, v24;
	v21 =	vor.u32 s15, v2;
	v20 =	vld [tilespmem:s14+$0x20]  }
0x1c9: {  	s31 =	simm.s32 $0x6;
	[tilespmem:v23+s30+$0x0] =	vst.idx.msk $0xffff, v22;
	v22 =	vld [tilespmem:s28+$0xFFFFFF80];
	v23 =	vor.u32 s29, v0  }
0x1ca: {  	[tilespmem:v19+s30+$0x0] =	vst.idx.msk $0xffff, v18;
	v18 =	vld [tilespmem:s28+$0x0];
	v19 =	vor.u32 s31, v0  }
0x1cb: {  	v25 =	vor.u32 s6, v1;
	v24 =	vld [tilespmem:s28+$0x50];
	[tilespmem:v17+s30+$0x0] =	vst.idx.msk $0xffff, v16  }
0x1cc: {  	[tilespmem:v27+s30+$0x0] =	vst.idx.msk $0xffff, v26;
	v17 =	vor.u32 s17, v3;
	v16 =	vld [tilespmem:s14+$0x70]  }
0x1cd: {  	[tilespmem:v21+s30+$0x0] =	vst.idx.msk $0xffff, v20;
	v20 =	vld [tilespmem:s14+$0xFFFFFFA0];
	v21 =	vor.u32 s22, v2  }
0x1ce: {  	v27 =	vor.u32 s1, v1;
	v26 =	vld [tilespmem:s28+$0xFFFFFFD0];
	[tilespmem:v23+s30+$0x0] =	vst.idx.msk $0xffff, v22  }
0x1cf: {  	v30 =	vor.u32 s29, v1;
	v29 =	vld [tilespmem:s28+$0xFFFFFF90];
	[tilespmem:v19+s30+$0x0] =	vst.idx.msk $0xffff, v18  }
0x1d0: {  	v28 =	vor.u32 s31, v1;
	[tilespmem:v25+s30+$0x0] =	vst.idx.msk $0xffff, v24;
	v22 =	vld [tilespmem:s28+$0x10]  }
0x1d1: {  	v18 =	vor.u32 s0, v3;
	[tilespmem:v17+s30+$0x0] =	vst.idx.msk $0xffff, v16;
	v16 =	vld [tilespmem:s14+$0xFFFFFFF0]  }
0x1d2: {  	v24 =	vor.u32 s15, v3;
	[tilespmem:v21+s30+$0x0] =	vst.idx.msk $0xffff, v20;
	v21 =	vld [tilespmem:s14+$0x30]  }
0x1d3: {  	[tilespmem:v27+s30+$0x0] =	vst.idx.msk $0xffff, v26;
	v25 =	vor.u32 s6, v2;
	v19 =	vld [tilespmem:s28+$0x60]  }
0x1d4: {  	v23 =	vor.u32 s1, v2;
	[tilespmem:v30+s30+$0x0] =	vst.idx.msk $0xffff, v29;
	v17 =	vld [tilespmem:s28+$0xFFFFFFE0]  }
0x1d5: {  	s15 =	simm.s32 $0xB;
	v20 =	vld [tilespmem:s14+$0xFFFFFFB0];
	[tilespmem:v28+s30+$0x0] =	vst.idx.msk $0xffff, v22;
	v22 =	vor.u32 s22, v3  }
0x1d6: {  	s0 =	simm.s32 $0x8;
	s14 =	simm.s32 $0x6680;
	[tilespmem:v18+s30+$0x0] =	vst.idx.msk $0xffff, v16;
	s22 =	simm.s32 $0xC;
	v18 =	vor.u32 s31, v2;
	v16 =	vld [tilespmem:s28+$0x20]  }
.LBB2_11:
0x1d7: {  	p0 =	slt.u32 s22, $0x7C;
	s2 =	sadd.s32 $0x1, s0;
	v26 =	vld [tilespmem:s14+$0x40];
	v27 =	vor.u32 s15, v0;
	[tilespmem:v24+s30+$0x0] =	vst.idx.msk $0xffff, v21  }
0x1d8: {  	v21 =	vld [tilespmem:s14+$0xFFFFFFC0];
	v24 =	vor.u32 s2, v0;
	[tilespmem:v25+s30+$0x0] =	vst.idx.msk $0xffff, v19  }
0x1d9: {  	s17 =	sadd.s32 $0x2, s0;
	v19 =	vor.u32 s6, v3;
	s6 =	smov.u32 s15;
	[tilespmem:v23+s30+$0x0] =	vst.idx.msk $0xffff, v17;
	v17 =	vld [tilespmem:s28+$0x70]  }
0x1da: {  	v25 =	vor.u32 s17, v0;
	v23 =	vld [tilespmem:s14+$0x0];
	[tilespmem:v22+s30+$0x0] =	vst.idx.msk $0xffff, v20  }
0x1db: {  	v22 =	vor.u32 s0, v0;
	v20 =	vld [tilespmem:s14+$0xFFFFFF80];
	[tilespmem:v18+s30+$0x0] =	vst.idx.msk $0xffff, v16  }
0x1dc: {  	v18 =	vor.u32 s29, v2;
	[tilespmem:v27+s30+$0x0] =	vst.idx.msk $0xffff, v26;
	v16 =	vld [tilespmem:s28+$0xFFFFFFA0]  }
0x1dd: {  	[tilespmem:v24+s30+$0x0] =	vst.idx.msk $0xffff, v21;
	v21 =	vld [tilespmem:s14+$0x50];
	v24 =	vor.u32 s6, v1  }
0x1de: {  	v27 =	vor.u32 s2, v1;
	v26 =	vld [tilespmem:s14+$0xFFFFFFD0];
	[tilespmem:v19+s30+$0x0] =	vst.idx.msk $0xffff, v17  }
0x1df: {  	v29 =	vor.u32 s1, v3;
	s1 =	smov.u32 s2;
	[tilespmem:v25+s30+$0x0] =	vst.idx.msk $0xffff, v23;
	v28 =	vld [tilespmem:s28+$0xFFFFFFF0]  }
0x1e0: {  	[tilespmem:v22+s30+$0x0] =	vst.idx.msk $0xffff, v20;
	v20 =	vld [tilespmem:s14+$0x10];
	v22 =	vor.u32 s17, v1  }
0x1e1: {  	v31 =	vor.u32 s0, v1;
	v30 =	vld [tilespmem:s14+$0xFFFFFF90];
	[tilespmem:v18+s30+$0x0] =	vst.idx.msk $0xffff, v16  }
.Ltmp4:
0x1e2: {  	[tilespmem:v24+s30+$0x0] =	vst.idx.msk $0xffff, v21;
	v21 =	vld [tilespmem:s28+$0x30];
	v24 =	vor.u32 s31, v3;
	s31 =	smov.u32 s17;
	(pc) =	sbr.rel @p0 .LBB2_11-.Ltmp4, $4  }
0x1e3: {  	v25 =	vor.u32 s6, v2;
	[tilespmem:v27+s30+$0x0] =	vst.idx.msk $0xffff, v26;
	v19 =	vld [tilespmem:s14+$0x60]  }
0x1e4: {  	v23 =	vor.u32 s1, v2;
	v17 =	vld [tilespmem:s14+$0xFFFFFFE0];
	[tilespmem:v29+s30+$0x0] =	vst.idx.msk $0xffff, v28  }
0x1e5: {  	[tilespmem:v22+s30+$0x0] =	vst.idx.msk $0xffff, v20;
	v20 =	vld [tilespmem:s28+$0xFFFFFFB0];
	v22 =	vor.u32 s29, v3;
	s29 =	smov.u32 s0;
	s0 =	smov.u32 s22;
	s28 =	smov.u32 s14  }
0x1e6: {  	v18 =	vor.u32 s31, v2;
	s22 =	sadd.s32 $0x4, s22;
	s14 =	sadd.s32 $0x100, s14;
	s15 =	sadd.s32 $0x3, s0;
	[tilespmem:v31+s30+$0x0] =	vst.idx.msk $0xffff, v30;
	v16 =	vld [tilespmem:s28+$0x20]  }
0x1e7: {  	_ =	sdelay $0x2  }
0x1e8: {  	s2 =	sadd.s32 $0x1, s0;
	v26 =	vld [tilespmem:s14+$0x40];
	v27 =	vor.u32 s15, v0  }
0x1e9: {  	[tilespmem:v24+s30+$0x0] =	vst.idx.msk $0xffff, v21;
	v21 =	vld [tilespmem:s14+$0xFFFFFFC0];
	s17 =	sadd.s32 $0x2, s0;
	v24 =	vor.u32 s2, v0  }
0x1ea: {  	[tilespmem:v25+s30+$0x0] =	vst.idx.msk $0xffff, v19;
	v19 =	vld [tilespmem:s14+$0x0];
	v25 =	vor.u32 s17, v0  }
0x1eb: {  	[tilespmem:v23+s30+$0x0] =	vst.idx.msk $0xffff, v17;
	v17 =	vld [tilespmem:s14+$0xFFFFFF80];
	v23 =	vor.u32 s0, v0  }
0x1ec: {  	[tilespmem:v22+s30+$0x0] =	vst.idx.msk $0xffff, v20  }
0x1ed: {  	v20 =	vld [tilespmem:s28+$0x70];
	v22 =	vor.u32 s6, v3;
	[tilespmem:v27+s30+$0x0] =	vst.idx.msk $0xffff, v26  }
0x1ee: {  	[tilespmem:v24+s30+$0x0] =	vst.idx.msk $0xffff, v21;
	v21 =	vld [tilespmem:s14+$0x50];
	v24 =	vor.u32 s15, v1  }
0x1ef: {  	v27 =	vor.u32 s2, v1;
	[tilespmem:v25+s30+$0x0] =	vst.idx.msk $0xffff, v19;
	v26 =	vld [tilespmem:s14+$0xFFFFFFD0]  }
0x1f0: {  	v19 =	vor.u32 s17, v1;
	[tilespmem:v23+s30+$0x0] =	vst.idx.msk $0xffff, v17;
	v17 =	vld [tilespmem:s14+$0x10]  }
0x1f1: {  	[tilespmem:v18+s30+$0x0] =	vst.idx.msk $0xffff, v16;
	v18 =	vor.u32 s0, v1;
	v16 =	vld [tilespmem:s14+$0xFFFFFF90]  }
0x1f2: {  	v25 =	vor.u32 s29, v2;
	v23 =	vld [tilespmem:s28+$0xFFFFFFA0];
	[tilespmem:v22+s30+$0x0] =	vst.idx.msk $0xffff, v20  }
0x1f3: {  	v20 =	vld [tilespmem:s28+$0xFFFFFFF0];
	v22 =	vor.u32 s1, v3;
	[tilespmem:v24+s30+$0x0] =	vst.idx.msk $0xffff, v21  }
0x1f4: {  	v24 =	vor.u32 s15, v2;
	[tilespmem:v27+s30+$0x0] =	vst.idx.msk $0xffff, v26;
	v21 =	vld [tilespmem:s14+$0x60]  }
0x1f5: {  	v27 =	vor.u32 s2, v2;
	[tilespmem:v19+s30+$0x0] =	vst.idx.msk $0xffff, v17;
	v26 =	vld [tilespmem:s14+$0xFFFFFFE0]  }
0x1f6: {  	v17 =	vor.u32 s17, v2;
	[tilespmem:v18+s30+$0x0] =	vst.idx.msk $0xffff, v16;
	v16 =	vld [tilespmem:s14+$0x20]  }
0x1f7: {  	[tilespmem:v25+s30+$0x0] =	vst.idx.msk $0xffff, v23;
	v19 =	vor.u32 s0, v2;
	v18 =	vld [tilespmem:s14+$0xFFFFFFA0]  }
0x1f8: {  	v23 =	vld [tilespmem:s28+$0x30];
	v25 =	vor.u32 s31, v3;
	[tilespmem:v22+s30+$0x0] =	vst.idx.msk $0xffff, v20  }
0x1f9: {  	v20 =	vld [tilespmem:s28+$0xFFFFFFB0];
	v22 =	vor.u32 s29, v3;
	[tilespmem:v24+s30+$0x0] =	vst.idx.msk $0xffff, v21  }
0x1fa: {  	v24 =	vor.u32 s15, v3;
	[tilespmem:v27+s30+$0x0] =	vst.idx.msk $0xffff, v26;
	v21 =	vld [tilespmem:s14+$0x70]  }
0x1fb: {  	[tilespmem:v17+s30+$0x0] =	vst.idx.msk $0xffff, v16;
	v17 =	vor.u32 s2, v3;
	v16 =	vld [tilespmem:s14+$0xFFFFFFF0]  }
0x1fc: {  	[tilespmem:v19+s30+$0x0] =	vst.idx.msk $0xffff, v18;
	v18 =	vld [tilespmem:s14+$0x30];
	v19 =	vor.u32 s17, v3  }
0x1fd: {  	[tilespmem:v25+s30+$0x0] =	vst.idx.msk $0xffff, v23;
	v25 =	vor.u32 s0, v3;
	v23 =	vld [tilespmem:s14+$0xFFFFFFB0]  }
0x1fe: {  	[tilespmem:v22+s30+$0x0] =	vst.idx.msk $0xffff, v20  }
0x1ff: {  	[tilespmem:v24+s30+$0x0] =	vst.idx.msk $0xffff, v21  }
0x200: {  	[tilespmem:v17+s30+$0x0] =	vst.idx.msk $0xffff, v16  }
0x201: {  	[tilespmem:v19+s30+$0x0] =	vst.idx.msk $0xffff, v18  }
0x202: {  	s15 =	simm.s32 $0x6400;
	s14 =	sadd.s32 $0x100, s26;
	[tilespmem:v25+s30+$0x0] =	vst.idx.msk $0xffff, v23  }
0x203: {  	[tilespmem:s15], [sflag:$0x1] =	stream.indirect.gather [hbm4b:s4+s16], $0x40, s14, s16, $0xb8;
	[tilespmem:$0x1A400] =	vst v63  }
0x204: {  	_ =	swait.ge [sflag:s21], $0x2000  }
0x205: {  	[sflag:s21] =	ssyncset.done $0x0  }
0x206: {  	s0 =	simm.s32 $0x1;
	s14 =	simm.s32 $0x8480;
	[sflag:s21] =	ssyncadd.s32 $0xFFFFE000  }
0x207: {  	s17 =	simm.s32 $0x3;
	v19 =	vor.u32 s0, v4;
	v18 =	vld [tilespmem:s14+$0xFFFFFFC0]  }
0x208: {  	v17 =	vor.u32 s17, v4;
	v16 =	vld [tilespmem:s14+$0x40]  }
0x209: {  	s15 =	simm.s32 $0x2  }
0x20a: {  	v21 =	vor.u32 s15, v4;
	v20 =	vld [tilespmem:s14+$0x0]  }
0x20b: {  	s22 =	simm.s32 $0x0  }
0x20c: {  	v23 =	vor.u32 s22, v4;
	v22 =	vld [tilespmem:s14+$0xFFFFFF80];
	[tilespmem:v19+s30+$0x0] =	vst.idx.msk $0xffff, v18  }
0x20d: {  	[tilespmem:v17+s30+$0x0] =	vst.idx.msk $0xffff, v16;
	v19 =	vor.u32 s0, v5;
	v18 =	vld [tilespmem:s14+$0xFFFFFFD0]  }
0x20e: {  	v17 =	vor.u32 s17, v5;
	v16 =	vld [tilespmem:s14+$0x50]  }
0x20f: {  	[tilespmem:v21+s30+$0x0] =	vst.idx.msk $0xffff, v20  }
0x210: {  	s6 =	simm.s32 $0x7;
	s28 =	simm.s32 $0x8580;
	v21 =	vor.u32 s15, v5;
	v20 =	vld [tilespmem:s14+$0x10]  }
0x211: {  	v25 =	vor.u32 s6, v4;
	v24 =	vld [tilespmem:s28+$0x40];
	[tilespmem:v23+s30+$0x0] =	vst.idx.msk $0xffff, v22  }
0x212: {  	v23 =	vor.u32 s22, v5;
	v22 =	vld [tilespmem:s14+$0xFFFFFF90];
	[tilespmem:v19+s30+$0x0] =	vst.idx.msk $0xffff, v18  }
0x213: {  	[tilespmem:v17+s30+$0x0] =	vst.idx.msk $0xffff, v16;
	v19 =	vor.u32 s0, v6;
	v18 =	vld [tilespmem:s14+$0xFFFFFFE0]  }
0x214: {  	s1 =	simm.s32 $0x5;
	v17 =	vor.u32 s17, v6;
	v16 =	vld [tilespmem:s14+$0x60]  }
0x215: {  	v27 =	vor.u32 s1, v4;
	v26 =	vld [tilespmem:s28+$0xFFFFFFC0];
	[tilespmem:v21+s30+$0x0] =	vst.idx.msk $0xffff, v20  }
0x216: {  	s29 =	simm.s32 $0x4;
	[tilespmem:v25+s30+$0x0] =	vst.idx.msk $0xffff, v24;
	v21 =	vor.u32 s15, v6;
	v20 =	vld [tilespmem:s14+$0x20]  }
0x217: {  	s31 =	simm.s32 $0x6;
	[tilespmem:v23+s30+$0x0] =	vst.idx.msk $0xffff, v22;
	v22 =	vld [tilespmem:s28+$0xFFFFFF80];
	v23 =	vor.u32 s29, v4  }
0x218: {  	[tilespmem:v19+s30+$0x0] =	vst.idx.msk $0xffff, v18;
	v18 =	vld [tilespmem:s28+$0x0];
	v19 =	vor.u32 s31, v4  }
0x219: {  	v25 =	vor.u32 s6, v5;
	v24 =	vld [tilespmem:s28+$0x50];
	[tilespmem:v17+s30+$0x0] =	vst.idx.msk $0xffff, v16  }
0x21a: {  	[tilespmem:v27+s30+$0x0] =	vst.idx.msk $0xffff, v26;
	v17 =	vor.u32 s17, v7;
	v16 =	vld [tilespmem:s14+$0x70]  }
0x21b: {  	[tilespmem:v21+s30+$0x0] =	vst.idx.msk $0xffff, v20;
	v20 =	vld [tilespmem:s14+$0xFFFFFFA0];
	v21 =	vor.u32 s22, v6  }
0x21c: {  	v27 =	vor.u32 s1, v5;
	v26 =	vld [tilespmem:s28+$0xFFFFFFD0];
	[tilespmem:v23+s30+$0x0] =	vst.idx.msk $0xffff, v22  }
0x21d: {  	v30 =	vor.u32 s29, v5;
	v29 =	vld [tilespmem:s28+$0xFFFFFF90];
	[tilespmem:v19+s30+$0x0] =	vst.idx.msk $0xffff, v18  }
0x21e: {  	v28 =	vor.u32 s31, v5;
	[tilespmem:v25+s30+$0x0] =	vst.idx.msk $0xffff, v24;
	v22 =	vld [tilespmem:s28+$0x10]  }
0x21f: {  	v18 =	vor.u32 s0, v7;
	[tilespmem:v17+s30+$0x0] =	vst.idx.msk $0xffff, v16;
	v16 =	vld [tilespmem:s14+$0xFFFFFFF0]  }
0x220: {  	v24 =	vor.u32 s15, v7;
	[tilespmem:v21+s30+$0x0] =	vst.idx.msk $0xffff, v20;
	v21 =	vld [tilespmem:s14+$0x30]  }
0x221: {  	[tilespmem:v27+s30+$0x0] =	vst.idx.msk $0xffff, v26;
	v25 =	vor.u32 s6, v6;
	v19 =	vld [tilespmem:s28+$0x60]  }
0x222: {  	v23 =	vor.u32 s1, v6;
	[tilespmem:v30+s30+$0x0] =	vst.idx.msk $0xffff, v29;
	v17 =	vld [tilespmem:s28+$0xFFFFFFE0]  }
0x223: {  	s15 =	simm.s32 $0xB;
	v20 =	vld [tilespmem:s14+$0xFFFFFFB0];
	[tilespmem:v28+s30+$0x0] =	vst.idx.msk $0xffff, v22;
	v22 =	vor.u32 s22, v7  }
0x224: {  	s0 =	simm.s32 $0x8;
	s14 =	simm.s32 $0x8680;
	[tilespmem:v18+s30+$0x0] =	vst.idx.msk $0xffff, v16;
	s22 =	simm.s32 $0xC;
	v18 =	vor.u32 s31, v6;
	v16 =	vld [tilespmem:s28+$0x20]  }
.LBB2_13:
0x225: {  	p0 =	slt.u32 s22, $0x7C;
	s2 =	sadd.s32 $0x1, s0;
	v26 =	vld [tilespmem:s14+$0x40];
	v27 =	vor.u32 s15, v4;
	[tilespmem:v24+s30+$0x0] =	vst.idx.msk $0xffff, v21  }
0x226: {  	v21 =	vld [tilespmem:s14+$0xFFFFFFC0];
	v24 =	vor.u32 s2, v4;
	[tilespmem:v25+s30+$0x0] =	vst.idx.msk $0xffff, v19  }
0x227: {  	s17 =	sadd.s32 $0x2, s0;
	v19 =	vor.u32 s6, v7;
	s6 =	smov.u32 s15;
	[tilespmem:v23+s30+$0x0] =	vst.idx.msk $0xffff, v17;
	v17 =	vld [tilespmem:s28+$0x70]  }
0x228: {  	v25 =	vor.u32 s17, v4;
	v23 =	vld [tilespmem:s14+$0x0];
	[tilespmem:v22+s30+$0x0] =	vst.idx.msk $0xffff, v20  }
0x229: {  	v22 =	vor.u32 s0, v4;
	v20 =	vld [tilespmem:s14+$0xFFFFFF80];
	[tilespmem:v18+s30+$0x0] =	vst.idx.msk $0xffff, v16  }
0x22a: {  	v18 =	vor.u32 s29, v6;
	[tilespmem:v27+s30+$0x0] =	vst.idx.msk $0xffff, v26;
	v16 =	vld [tilespmem:s28+$0xFFFFFFA0]  }
0x22b: {  	[tilespmem:v24+s30+$0x0] =	vst.idx.msk $0xffff, v21;
	v21 =	vld [tilespmem:s14+$0x50];
	v24 =	vor.u32 s6, v5  }
0x22c: {  	v27 =	vor.u32 s2, v5;
	v26 =	vld [tilespmem:s14+$0xFFFFFFD0];
	[tilespmem:v19+s30+$0x0] =	vst.idx.msk $0xffff, v17  }
0x22d: {  	v29 =	vor.u32 s1, v7;
	s1 =	smov.u32 s2;
	[tilespmem:v25+s30+$0x0] =	vst.idx.msk $0xffff, v23;
	v28 =	vld [tilespmem:s28+$0xFFFFFFF0]  }
0x22e: {  	[tilespmem:v22+s30+$0x0] =	vst.idx.msk $0xffff, v20;
	v20 =	vld [tilespmem:s14+$0x10];
	v22 =	vor.u32 s17, v5  }
0x22f: {  	v31 =	vor.u32 s0, v5;
	v30 =	vld [tilespmem:s14+$0xFFFFFF90];
	[tilespmem:v18+s30+$0x0] =	vst.idx.msk $0xffff, v16  }
.Ltmp5:
0x230: {  	[tilespmem:v24+s30+$0x0] =	vst.idx.msk $0xffff, v21;
	v21 =	vld [tilespmem:s28+$0x30];
	v24 =	vor.u32 s31, v7;
	s31 =	smov.u32 s17;
	(pc) =	sbr.rel @p0 .LBB2_13-.Ltmp5, $4  }
0x231: {  	v25 =	vor.u32 s6, v6;
	[tilespmem:v27+s30+$0x0] =	vst.idx.msk $0xffff, v26;
	v19 =	vld [tilespmem:s14+$0x60]  }
0x232: {  	v23 =	vor.u32 s1, v6;
	v17 =	vld [tilespmem:s14+$0xFFFFFFE0];
	[tilespmem:v29+s30+$0x0] =	vst.idx.msk $0xffff, v28  }
0x233: {  	[tilespmem:v22+s30+$0x0] =	vst.idx.msk $0xffff, v20;
	v20 =	vld [tilespmem:s28+$0xFFFFFFB0];
	v22 =	vor.u32 s29, v7;
	s29 =	smov.u32 s0;
	s0 =	smov.u32 s22;
	s28 =	smov.u32 s14  }
0x234: {  	v18 =	vor.u32 s31, v6;
	s22 =	sadd.s32 $0x4, s22;
	s14 =	sadd.s32 $0x100, s14;
	s15 =	sadd.s32 $0x3, s0;
	[tilespmem:v31+s30+$0x0] =	vst.idx.msk $0xffff, v30;
	v16 =	vld [tilespmem:s28+$0x20]  }
0x235: {  	_ =	sdelay $0x2  }
0x236: {  	s2 =	sadd.s32 $0x1, s0;
	v26 =	vld [tilespmem:s14+$0x40];
	v27 =	vor.u32 s15, v4  }
0x237: {  	[tilespmem:v24+s30+$0x0] =	vst.idx.msk $0xffff, v21;
	v21 =	vld [tilespmem:s14+$0xFFFFFFC0];
	s17 =	sadd.s32 $0x2, s0;
	v24 =	vor.u32 s2, v4  }
0x238: {  	[tilespmem:v25+s30+$0x0] =	vst.idx.msk $0xffff, v19;
	v19 =	vld [tilespmem:s14+$0x0];
	v25 =	vor.u32 s17, v4  }
0x239: {  	[tilespmem:v23+s30+$0x0] =	vst.idx.msk $0xffff, v17;
	v17 =	vld [tilespmem:s14+$0xFFFFFF80];
	v23 =	vor.u32 s0, v4  }
0x23a: {  	[tilespmem:v22+s30+$0x0] =	vst.idx.msk $0xffff, v20  }
0x23b: {  	v20 =	vld [tilespmem:s28+$0x70];
	v22 =	vor.u32 s6, v7;
	[tilespmem:v27+s30+$0x0] =	vst.idx.msk $0xffff, v26  }
0x23c: {  	[tilespmem:v24+s30+$0x0] =	vst.idx.msk $0xffff, v21;
	v21 =	vld [tilespmem:s14+$0x50];
	v24 =	vor.u32 s15, v5  }
0x23d: {  	v27 =	vor.u32 s2, v5;
	[tilespmem:v25+s30+$0x0] =	vst.idx.msk $0xffff, v19;
	v26 =	vld [tilespmem:s14+$0xFFFFFFD0]  }
0x23e: {  	v19 =	vor.u32 s17, v5;
	[tilespmem:v23+s30+$0x0] =	vst.idx.msk $0xffff, v17;
	v17 =	vld [tilespmem:s14+$0x10]  }
0x23f: {  	[tilespmem:v18+s30+$0x0] =	vst.idx.msk $0xffff, v16;
	v18 =	vor.u32 s0, v5;
	v16 =	vld [tilespmem:s14+$0xFFFFFF90]  }
0x240: {  	v25 =	vor.u32 s29, v6;
	v23 =	vld [tilespmem:s28+$0xFFFFFFA0];
	[tilespmem:v22+s30+$0x0] =	vst.idx.msk $0xffff, v20  }
0x241: {  	v20 =	vld [tilespmem:s28+$0xFFFFFFF0];
	v22 =	vor.u32 s1, v7;
	[tilespmem:v24+s30+$0x0] =	vst.idx.msk $0xffff, v21  }
0x242: {  	v24 =	vor.u32 s15, v6;
	[tilespmem:v27+s30+$0x0] =	vst.idx.msk $0xffff, v26;
	v21 =	vld [tilespmem:s14+$0x60]  }
0x243: {  	v27 =	vor.u32 s2, v6;
	[tilespmem:v19+s30+$0x0] =	vst.idx.msk $0xffff, v17;
	v26 =	vld [tilespmem:s14+$0xFFFFFFE0]  }
0x244: {  	v17 =	vor.u32 s17, v6;
	[tilespmem:v18+s30+$0x0] =	vst.idx.msk $0xffff, v16;
	v16 =	vld [tilespmem:s14+$0x20]  }
0x245: {  	[tilespmem:v25+s30+$0x0] =	vst.idx.msk $0xffff, v23;
	v19 =	vor.u32 s0, v6;
	v18 =	vld [tilespmem:s14+$0xFFFFFFA0]  }
0x246: {  	v23 =	vld [tilespmem:s28+$0x30];
	v25 =	vor.u32 s31, v7;
	[tilespmem:v22+s30+$0x0] =	vst.idx.msk $0xffff, v20  }
0x247: {  	v20 =	vld [tilespmem:s28+$0xFFFFFFB0];
	v22 =	vor.u32 s29, v7;
	[tilespmem:v24+s30+$0x0] =	vst.idx.msk $0xffff, v21  }
0x248: {  	v24 =	vor.u32 s15, v7;
	[tilespmem:v27+s30+$0x0] =	vst.idx.msk $0xffff, v26;
	v21 =	vld [tilespmem:s14+$0x70]  }
0x249: {  	[tilespmem:v17+s30+$0x0] =	vst.idx.msk $0xffff, v16;
	v17 =	vor.u32 s2, v7;
	v16 =	vld [tilespmem:s14+$0xFFFFFFF0]  }
0x24a: {  	[tilespmem:v19+s30+$0x0] =	vst.idx.msk $0xffff, v18;
	v18 =	vld [tilespmem:s14+$0x30];
	v19 =	vor.u32 s17, v7  }
0x24b: {  	[tilespmem:v25+s30+$0x0] =	vst.idx.msk $0xffff, v23;
	v25 =	vor.u32 s0, v7;
	v23 =	vld [tilespmem:s14+$0xFFFFFFB0]  }
0x24c: {  	[tilespmem:v22+s30+$0x0] =	vst.idx.msk $0xffff, v20  }
0x24d: {  	[tilespmem:v24+s30+$0x0] =	vst.idx.msk $0xffff, v21  }
0x24e: {  	[tilespmem:v17+s30+$0x0] =	vst.idx.msk $0xffff, v16  }
0x24f: {  	[tilespmem:v19+s30+$0x0] =	vst.idx.msk $0xffff, v18  }
0x250: {  	s31 =	sadd.s32 $0x180, s26;
	[tilespmem:v25+s30+$0x0] =	vst.idx.msk $0xffff, v23  }
0x251: {  	[tilespmem:s18], [sflag:$0x2] =	stream.indirect.gather [hbm4b:s4+s16], $0x40, s31, s16, $0xb8;
	[tilespmem:$0x1A400] =	vst v63  }
0x252: {  	_ =	swait.ge [sflag:s19], $0x2000  }
0x253: {  	[sflag:s19] =	ssyncset.done $0x0  }
0x254: {  	s15 =	simm.s32 $0x1;
	s14 =	simm.s32 $0x6480;
	[sflag:s19] =	ssyncadd.s32 $0xFFFFE000  }
0x255: {  	s0 =	simm.s32 $0x3;
	v19 =	vor.u32 s15, v8;
	v18 =	vld [tilespmem:s14+$0xFFFFFFC0]  }
0x256: {  	v17 =	vor.u32 s0, v8;
	v16 =	vld [tilespmem:s14+$0x40]  }
0x257: {  	s22 =	simm.s32 $0x2  }
0x258: {  	v21 =	vor.u32 s22, v8;
	v20 =	vld [tilespmem:s14+$0x0]  }
0x259: {  	s31 =	simm.s32 $0x0  }
0x25a: {  	v23 =	vor.u32 s31, v8;
	v22 =	vld [tilespmem:s14+$0xFFFFFF80];
	[tilespmem:v19+s30+$0x0] =	vst.idx.msk $0xffff, v18  }
0x25b: {  	[tilespmem:v17+s30+$0x0] =	vst.idx.msk $0xffff, v16;
	v19 =	vor.u32 s15, v9;
	v18 =	vld [tilespmem:s14+$0xFFFFFFD0]  }
0x25c: {  	v17 =	vor.u32 s0, v9;
	v16 =	vld [tilespmem:s14+$0x50]  }
0x25d: {  	[tilespmem:v21+s30+$0x0] =	vst.idx.msk $0xffff, v20  }
0x25e: {  	s6 =	simm.s32 $0x7;
	s26 =	simm.s32 $0x6580;
	v21 =	vor.u32 s22, v9;
	v20 =	vld [tilespmem:s14+$0x10]  }
0x25f: {  	v25 =	vor.u32 s6, v8;
	v24 =	vld [tilespmem:s26+$0x40];
	[tilespmem:v23+s30+$0x0] =	vst.idx.msk $0xffff, v22  }
0x260: {  	v23 =	vor.u32 s31, v9;
	v22 =	vld [tilespmem:s14+$0xFFFFFF90];
	[tilespmem:v19+s30+$0x0] =	vst.idx.msk $0xffff, v18  }
0x261: {  	[tilespmem:v17+s30+$0x0] =	vst.idx.msk $0xffff, v16;
	v19 =	vor.u32 s15, v10;
	v18 =	vld [tilespmem:s14+$0xFFFFFFE0]  }
0x262: {  	s1 =	simm.s32 $0x5;
	v17 =	vor.u32 s0, v10;
	v16 =	vld [tilespmem:s14+$0x60]  }
0x263: {  	v27 =	vor.u32 s1, v8;
	v26 =	vld [tilespmem:s26+$0xFFFFFFC0];
	[tilespmem:v21+s30+$0x0] =	vst.idx.msk $0xffff, v20  }
0x264: {  	s28 =	simm.s32 $0x4;
	[tilespmem:v25+s30+$0x0] =	vst.idx.msk $0xffff, v24;
	v21 =	vor.u32 s22, v10;
	v20 =	vld [tilespmem:s14+$0x20]  }
0x265: {  	s29 =	simm.s32 $0x6;
	[tilespmem:v23+s30+$0x0] =	vst.idx.msk $0xffff, v22;
	v22 =	vld [tilespmem:s26+$0xFFFFFF80];
	v23 =	vor.u32 s28, v8  }
0x266: {  	[tilespmem:v19+s30+$0x0] =	vst.idx.msk $0xffff, v18;
	v18 =	vld [tilespmem:s26+$0x0];
	v19 =	vor.u32 s29, v8  }
0x267: {  	v25 =	vor.u32 s6, v9;
	v24 =	vld [tilespmem:s26+$0x50];
	[tilespmem:v17+s30+$0x0] =	vst.idx.msk $0xffff, v16  }
0x268: {  	[tilespmem:v27+s30+$0x0] =	vst.idx.msk $0xffff, v26;
	v17 =	vor.u32 s0, v11;
	v16 =	vld [tilespmem:s14+$0x70]  }
0x269: {  	[tilespmem:v21+s30+$0x0] =	vst.idx.msk $0xffff, v20;
	v20 =	vld [tilespmem:s14+$0xFFFFFFA0];
	v21 =	vor.u32 s31, v10  }
0x26a: {  	v27 =	vor.u32 s1, v9;
	v26 =	vld [tilespmem:s26+$0xFFFFFFD0];
	[tilespmem:v23+s30+$0x0] =	vst.idx.msk $0xffff, v22  }
0x26b: {  	v30 =	vor.u32 s28, v9;
	v29 =	vld [tilespmem:s26+$0xFFFFFF90];
	[tilespmem:v19+s30+$0x0] =	vst.idx.msk $0xffff, v18  }
0x26c: {  	v28 =	vor.u32 s29, v9;
	[tilespmem:v25+s30+$0x0] =	vst.idx.msk $0xffff, v24;
	v22 =	vld [tilespmem:s26+$0x10]  }
0x26d: {  	v18 =	vor.u32 s15, v11;
	[tilespmem:v17+s30+$0x0] =	vst.idx.msk $0xffff, v16;
	v16 =	vld [tilespmem:s14+$0xFFFFFFF0]  }
0x26e: {  	v24 =	vor.u32 s22, v11;
	[tilespmem:v21+s30+$0x0] =	vst.idx.msk $0xffff, v20;
	v21 =	vld [tilespmem:s14+$0x30]  }
0x26f: {  	[tilespmem:v27+s30+$0x0] =	vst.idx.msk $0xffff, v26;
	v25 =	vor.u32 s6, v10;
	v19 =	vld [tilespmem:s26+$0x60]  }
0x270: {  	v23 =	vor.u32 s1, v10;
	[tilespmem:v30+s30+$0x0] =	vst.idx.msk $0xffff, v29;
	v17 =	vld [tilespmem:s26+$0xFFFFFFE0]  }
0x271: {  	s22 =	simm.s32 $0xC;
	v20 =	vld [tilespmem:s14+$0xFFFFFFB0];
	[tilespmem:v28+s30+$0x0] =	vst.idx.msk $0xffff, v22;
	v22 =	vor.u32 s31, v11  }
0x272: {  	s0 =	simm.s32 $0x8;
	s15 =	simm.s32 $0xB;
	s14 =	simm.s32 $0x6680;
	[tilespmem:v18+s30+$0x0] =	vst.idx.msk $0xffff, v16;
	v18 =	vor.u32 s29, v10;
	v16 =	vld [tilespmem:s26+$0x20]  }
.LBB2_15:
0x273: {  	p0 =	slt.u32 s22, $0x7C;
	s2 =	sadd.s32 $0x1, s0;
	v26 =	vld [tilespmem:s14+$0x40];
	v27 =	vor.u32 s15, v8;
	[tilespmem:v24+s30+$0x0] =	vst.idx.msk $0xffff, v21  }
0x274: {  	v21 =	vld [tilespmem:s14+$0xFFFFFFC0];
	v24 =	vor.u32 s2, v8;
	[tilespmem:v25+s30+$0x0] =	vst.idx.msk $0xffff, v19  }
0x275: {  	s17 =	sadd.s32 $0x2, s0;
	v19 =	vor.u32 s6, v11;
	s6 =	smov.u32 s15;
	[tilespmem:v23+s30+$0x0] =	vst.idx.msk $0xffff, v17;
	v17 =	vld [tilespmem:s26+$0x70]  }
0x276: {  	v25 =	vor.u32 s17, v8;
	v23 =	vld [tilespmem:s14+$0x0];
	[tilespmem:v22+s30+$0x0] =	vst.idx.msk $0xffff, v20  }
0x277: {  	v22 =	vor.u32 s0, v8;
	v20 =	vld [tilespmem:s14+$0xFFFFFF80];
	[tilespmem:v18+s30+$0x0] =	vst.idx.msk $0xffff, v16  }
0x278: {  	v18 =	vor.u32 s28, v10;
	[tilespmem:v27+s30+$0x0] =	vst.idx.msk $0xffff, v26;
	v16 =	vld [tilespmem:s26+$0xFFFFFFA0]  }
0x279: {  	[tilespmem:v24+s30+$0x0] =	vst.idx.msk $0xffff, v21;
	v21 =	vld [tilespmem:s14+$0x50];
	v24 =	vor.u32 s6, v9  }
0x27a: {  	v27 =	vor.u32 s2, v9;
	v26 =	vld [tilespmem:s14+$0xFFFFFFD0];
	[tilespmem:v19+s30+$0x0] =	vst.idx.msk $0xffff, v17  }
0x27b: {  	v29 =	vor.u32 s1, v11;
	s1 =	smov.u32 s2;
	[tilespmem:v25+s30+$0x0] =	vst.idx.msk $0xffff, v23;
	v28 =	vld [tilespmem:s26+$0xFFFFFFF0]  }
0x27c: {  	[tilespmem:v22+s30+$0x0] =	vst.idx.msk $0xffff, v20;
	v20 =	vld [tilespmem:s14+$0x10];
	v22 =	vor.u32 s17, v9  }
0x27d: {  	v31 =	vor.u32 s0, v9;
	v30 =	vld [tilespmem:s14+$0xFFFFFF90];
	[tilespmem:v18+s30+$0x0] =	vst.idx.msk $0xffff, v16  }
.Ltmp6:
0x27e: {  	[tilespmem:v24+s30+$0x0] =	vst.idx.msk $0xffff, v21;
	v21 =	vld [tilespmem:s26+$0x30];
	v24 =	vor.u32 s29, v11;
	s29 =	smov.u32 s17;
	(pc) =	sbr.rel @p0 .LBB2_15-.Ltmp6, $4  }
0x27f: {  	v25 =	vor.u32 s6, v10;
	[tilespmem:v27+s30+$0x0] =	vst.idx.msk $0xffff, v26;
	v19 =	vld [tilespmem:s14+$0x60]  }
0x280: {  	v23 =	vor.u32 s1, v10;
	v17 =	vld [tilespmem:s14+$0xFFFFFFE0];
	[tilespmem:v29+s30+$0x0] =	vst.idx.msk $0xffff, v28  }
0x281: {  	[tilespmem:v22+s30+$0x0] =	vst.idx.msk $0xffff, v20;
	v20 =	vld [tilespmem:s26+$0xFFFFFFB0];
	v22 =	vor.u32 s28, v11;
	s28 =	smov.u32 s0;
	s0 =	smov.u32 s22;
	s26 =	smov.u32 s14  }
0x282: {  	v18 =	vor.u32 s29, v10;
	s22 =	sadd.s32 $0x4, s22;
	s14 =	sadd.s32 $0x100, s14;
	s15 =	sadd.s32 $0x3, s0;
	[tilespmem:v31+s30+$0x0] =	vst.idx.msk $0xffff, v30;
	v16 =	vld [tilespmem:s26+$0x20]  }
0x283: {  	_ =	sdelay $0x2  }
0x284: {  	s2 =	sadd.s32 $0x1, s0;
	v26 =	vld [tilespmem:s14+$0x40];
	v27 =	vor.u32 s15, v8  }
0x285: {  	[tilespmem:v24+s30+$0x0] =	vst.idx.msk $0xffff, v21;
	v21 =	vld [tilespmem:s14+$0xFFFFFFC0];
	s17 =	sadd.s32 $0x2, s0;
	v24 =	vor.u32 s2, v8  }
0x286: {  	[tilespmem:v25+s30+$0x0] =	vst.idx.msk $0xffff, v19;
	v19 =	vld [tilespmem:s14+$0x0];
	v25 =	vor.u32 s17, v8  }
0x287: {  	[tilespmem:v23+s30+$0x0] =	vst.idx.msk $0xffff, v17;
	v17 =	vld [tilespmem:s14+$0xFFFFFF80];
	v23 =	vor.u32 s0, v8  }
0x288: {  	[tilespmem:v22+s30+$0x0] =	vst.idx.msk $0xffff, v20  }
0x289: {  	v20 =	vld [tilespmem:s26+$0x70];
	v22 =	vor.u32 s6, v11;
	[tilespmem:v27+s30+$0x0] =	vst.idx.msk $0xffff, v26  }
0x28a: {  	[tilespmem:v24+s30+$0x0] =	vst.idx.msk $0xffff, v21;
	v21 =	vld [tilespmem:s14+$0x50];
	v24 =	vor.u32 s15, v9  }
0x28b: {  	v27 =	vor.u32 s2, v9;
	[tilespmem:v25+s30+$0x0] =	vst.idx.msk $0xffff, v19;
	v26 =	vld [tilespmem:s14+$0xFFFFFFD0]  }
0x28c: {  	v19 =	vor.u32 s17, v9;
	[tilespmem:v23+s30+$0x0] =	vst.idx.msk $0xffff, v17;
	v17 =	vld [tilespmem:s14+$0x10]  }
0x28d: {  	[tilespmem:v18+s30+$0x0] =	vst.idx.msk $0xffff, v16;
	v18 =	vor.u32 s0, v9;
	v16 =	vld [tilespmem:s14+$0xFFFFFF90]  }
0x28e: {  	v25 =	vor.u32 s28, v10;
	v23 =	vld [tilespmem:s26+$0xFFFFFFA0];
	[tilespmem:v22+s30+$0x0] =	vst.idx.msk $0xffff, v20  }
0x28f: {  	v20 =	vld [tilespmem:s26+$0xFFFFFFF0];
	v22 =	vor.u32 s1, v11;
	[tilespmem:v24+s30+$0x0] =	vst.idx.msk $0xffff, v21  }
0x290: {  	v24 =	vor.u32 s15, v10;
	[tilespmem:v27+s30+$0x0] =	vst.idx.msk $0xffff, v26;
	v21 =	vld [tilespmem:s14+$0x60]  }
0x291: {  	v27 =	vor.u32 s2, v10;
	[tilespmem:v19+s30+$0x0] =	vst.idx.msk $0xffff, v17;
	v26 =	vld [tilespmem:s14+$0xFFFFFFE0]  }
0x292: {  	v17 =	vor.u32 s17, v10;
	[tilespmem:v18+s30+$0x0] =	vst.idx.msk $0xffff, v16;
	v16 =	vld [tilespmem:s14+$0x20]  }
0x293: {  	[tilespmem:v25+s30+$0x0] =	vst.idx.msk $0xffff, v23;
	v19 =	vor.u32 s0, v10;
	v18 =	vld [tilespmem:s14+$0xFFFFFFA0]  }
0x294: {  	v23 =	vld [tilespmem:s26+$0x30];
	v25 =	vor.u32 s29, v11;
	[tilespmem:v22+s30+$0x0] =	vst.idx.msk $0xffff, v20  }
0x295: {  	v20 =	vld [tilespmem:s26+$0xFFFFFFB0];
	v22 =	vor.u32 s28, v11;
	[tilespmem:v24+s30+$0x0] =	vst.idx.msk $0xffff, v21  }
0x296: {  	v24 =	vor.u32 s15, v11;
	[tilespmem:v27+s30+$0x0] =	vst.idx.msk $0xffff, v26;
	v21 =	vld [tilespmem:s14+$0x70]  }
0x297: {  	[tilespmem:v17+s30+$0x0] =	vst.idx.msk $0xffff, v16;
	v17 =	vor.u32 s2, v11;
	v16 =	vld [tilespmem:s14+$0xFFFFFFF0]  }
0x298: {  	[tilespmem:v19+s30+$0x0] =	vst.idx.msk $0xffff, v18;
	v18 =	vld [tilespmem:s14+$0x30];
	v19 =	vor.u32 s17, v11  }
0x299: {  	[tilespmem:v25+s30+$0x0] =	vst.idx.msk $0xffff, v23;
	v25 =	vor.u32 s0, v11;
	v23 =	vld [tilespmem:s14+$0xFFFFFFB0]  }
0x29a: {  	[tilespmem:v22+s30+$0x0] =	vst.idx.msk $0xffff, v20  }
0x29b: {  	[tilespmem:v24+s30+$0x0] =	vst.idx.msk $0xffff, v21  }
0x29c: {  	p0 =	seq.s32 s23, $0x18;
	s0 =	sadd.s32 $0x2, s24;
	[tilespmem:v17+s30+$0x0] =	vst.idx.msk $0xffff, v16  }
0x29d: {  	s0 =	sshll.u32 @!p0 s0, $0x9;
	[tilespmem:v19+s30+$0x0] =	vst.idx.msk $0xffff, v18  }
0x29e: {  	s1 =	simm.s32 @!p0 $0x6400;
	s24 =	sand.u32 @!p0 $0x3FFFFE00, s0;
	s0 =	simm.s32 @!p0 $0x80;
	[tilespmem:v25+s30+$0x0] =	vst.idx.msk $0xffff, v23  }
0x29f: {  	[tilespmem:s1], [sflag:$0x1] =	stream.indirect.gather @!p0 [hbm4b:s4+s0], $0x40, s24, s0, $0xb8;
	[tilespmem:$0x1A400] =	vst v63  }
0x2a0: {  	_ =	swait.ge [sflag:s21], $0x2000  }
0x2a1: {  	[sflag:s21] =	ssyncset.done $0x0  }
0x2a2: {  	s15 =	simm.s32 $0x1;
	s14 =	simm.s32 $0x8480;
	[sflag:s21] =	ssyncadd.s32 $0xFFFFE000  }
0x2a3: {  	v19 =	vor.u32 s15, v12;
	s0 =	simm.s32 $0x3;
	v18 =	vld [tilespmem:s14+$0xFFFFFFC0]  }
0x2a4: {  	v17 =	vor.u32 s0, v12;
	v16 =	vld [tilespmem:s14+$0x40]  }
0x2a5: {  	s22 =	simm.s32 $0x2  }
0x2a6: {  	v21 =	vor.u32 s22, v12;
	v20 =	vld [tilespmem:s14+$0x0]  }
0x2a7: {  	s31 =	simm.s32 $0x0  }
0x2a8: {  	v23 =	vor.u32 s31, v12;
	v22 =	vld [tilespmem:s14+$0xFFFFFF80];
	[tilespmem:v19+s30+$0x0] =	vst.idx.msk $0xffff, v18  }
0x2a9: {  	[tilespmem:v17+s30+$0x0] =	vst.idx.msk $0xffff, v16;
	v19 =	vor.u32 s15, v13;
	v18 =	vld [tilespmem:s14+$0xFFFFFFD0]  }
0x2aa: {  	v17 =	vor.u32 s0, v13;
	v16 =	vld [tilespmem:s14+$0x50]  }
0x2ab: {  	[tilespmem:v21+s30+$0x0] =	vst.idx.msk $0xffff, v20  }
0x2ac: {  	s6 =	simm.s32 $0x7;
	s26 =	simm.s32 $0x8580;
	v21 =	vor.u32 s22, v13;
	v20 =	vld [tilespmem:s14+$0x10]  }
0x2ad: {  	v25 =	vor.u32 s6, v12;
	v24 =	vld [tilespmem:s26+$0x40];
	[tilespmem:v23+s30+$0x0] =	vst.idx.msk $0xffff, v22  }
0x2ae: {  	v23 =	vor.u32 s31, v13;
	v22 =	vld [tilespmem:s14+$0xFFFFFF90];
	[tilespmem:v19+s30+$0x0] =	vst.idx.msk $0xffff, v18  }
0x2af: {  	[tilespmem:v17+s30+$0x0] =	vst.idx.msk $0xffff, v16;
	v19 =	vor.u32 s15, v14;
	v18 =	vld [tilespmem:s14+$0xFFFFFFE0]  }
0x2b0: {  	s1 =	simm.s32 $0x5;
	v17 =	vor.u32 s0, v14;
	v16 =	vld [tilespmem:s14+$0x60]  }
0x2b1: {  	v27 =	vor.u32 s1, v12;
	v26 =	vld [tilespmem:s26+$0xFFFFFFC0];
	[tilespmem:v21+s30+$0x0] =	vst.idx.msk $0xffff, v20  }
0x2b2: {  	s28 =	simm.s32 $0x4;
	[tilespmem:v25+s30+$0x0] =	vst.idx.msk $0xffff, v24;
	v21 =	vor.u32 s22, v14;
	v20 =	vld [tilespmem:s14+$0x20]  }
0x2b3: {  	s29 =	simm.s32 $0x6;
	[tilespmem:v23+s30+$0x0] =	vst.idx.msk $0xffff, v22;
	v22 =	vld [tilespmem:s26+$0xFFFFFF80];
	v23 =	vor.u32 s28, v12  }
0x2b4: {  	[tilespmem:v19+s30+$0x0] =	vst.idx.msk $0xffff, v18;
	v18 =	vld [tilespmem:s26+$0x0];
	v19 =	vor.u32 s29, v12  }
0x2b5: {  	v25 =	vor.u32 s6, v13;
	v24 =	vld [tilespmem:s26+$0x50];
	[tilespmem:v17+s30+$0x0] =	vst.idx.msk $0xffff, v16  }
0x2b6: {  	[tilespmem:v27+s30+$0x0] =	vst.idx.msk $0xffff, v26;
	v17 =	vor.u32 s0, v15;
	v16 =	vld [tilespmem:s14+$0x70]  }
0x2b7: {  	[tilespmem:v21+s30+$0x0] =	vst.idx.msk $0xffff, v20;
	v20 =	vld [tilespmem:s14+$0xFFFFFFA0];
	v21 =	vor.u32 s31, v14  }
0x2b8: {  	v27 =	vor.u32 s1, v13;
	v26 =	vld [tilespmem:s26+$0xFFFFFFD0];
	[tilespmem:v23+s30+$0x0] =	vst.idx.msk $0xffff, v22  }
0x2b9: {  	v30 =	vor.u32 s28, v13;
	v29 =	vld [tilespmem:s26+$0xFFFFFF90];
	[tilespmem:v19+s30+$0x0] =	vst.idx.msk $0xffff, v18  }
0x2ba: {  	v28 =	vor.u32 s29, v13;
	[tilespmem:v25+s30+$0x0] =	vst.idx.msk $0xffff, v24;
	v22 =	vld [tilespmem:s26+$0x10]  }
0x2bb: {  	v19 =	vor.u32 s15, v15;
	[tilespmem:v17+s30+$0x0] =	vst.idx.msk $0xffff, v16;
	v16 =	vld [tilespmem:s14+$0xFFFFFFF0]  }
0x2bc: {  	v23 =	vor.u32 s22, v15;
	[tilespmem:v21+s30+$0x0] =	vst.idx.msk $0xffff, v20;
	v20 =	vld [tilespmem:s14+$0x30]  }
0x2bd: {  	[tilespmem:v27+s30+$0x0] =	vst.idx.msk $0xffff, v26;
	v25 =	vor.u32 s6, v14;
	v18 =	vld [tilespmem:s26+$0x60]  }
0x2be: {  	v24 =	vor.u32 s1, v14;
	[tilespmem:v30+s30+$0x0] =	vst.idx.msk $0xffff, v29;
	v17 =	vld [tilespmem:s26+$0xFFFFFFE0]  }
0x2bf: {  	s25 =	sadd.s32 s5, s25;
	s22 =	simm.s32 $0xC;
	v21 =	vld [tilespmem:s14+$0xFFFFFFB0];
	[tilespmem:v28+s30+$0x0] =	vst.idx.msk $0xffff, v22;
	v22 =	vor.u32 s31, v15  }
0x2c0: {  	s0 =	simm.s32 $0x8;
	s15 =	simm.s32 $0xB;
	s14 =	simm.s32 $0x8680;
	[tilespmem:v19+s30+$0x0] =	vst.idx.msk $0xffff, v16;
	v19 =	vor.u32 s29, v14;
	v16 =	vld [tilespmem:s26+$0x20]  }
.LBB2_17:
0x2c1: {  	p1 =	slt.u32 s22, $0x7C;
	s2 =	sadd.s32 $0x1, s0;
	v26 =	vld [tilespmem:s14+$0x40];
	v27 =	vor.u32 s15, v12;
	[tilespmem:v23+s30+$0x0] =	vst.idx.msk $0xffff, v20  }
0x2c2: {  	v20 =	vld [tilespmem:s14+$0xFFFFFFC0];
	v23 =	vor.u32 s2, v12;
	[tilespmem:v25+s30+$0x0] =	vst.idx.msk $0xffff, v18  }
0x2c3: {  	s17 =	sadd.s32 $0x2, s0;
	v18 =	vor.u32 s6, v15;
	s6 =	smov.u32 s15;
	[tilespmem:v24+s30+$0x0] =	vst.idx.msk $0xffff, v17;
	v17 =	vld [tilespmem:s26+$0x70]  }
0x2c4: {  	v25 =	vor.u32 s17, v12;
	v24 =	vld [tilespmem:s14+$0x0];
	[tilespmem:v22+s30+$0x0] =	vst.idx.msk $0xffff, v21  }
0x2c5: {  	v22 =	vor.u32 s0, v12;
	v21 =	vld [tilespmem:s14+$0xFFFFFF80];
	[tilespmem:v19+s30+$0x0] =	vst.idx.msk $0xffff, v16  }
0x2c6: {  	v19 =	vor.u32 s28, v14;
	[tilespmem:v27+s30+$0x0] =	vst.idx.msk $0xffff, v26;
	v16 =	vld [tilespmem:s26+$0xFFFFFFA0]  }
0x2c7: {  	[tilespmem:v23+s30+$0x0] =	vst.idx.msk $0xffff, v20;
	v20 =	vld [tilespmem:s14+$0x50];
	v23 =	vor.u32 s6, v13  }
0x2c8: {  	v27 =	vor.u32 s2, v13;
	v26 =	vld [tilespmem:s14+$0xFFFFFFD0];
	[tilespmem:v18+s30+$0x0] =	vst.idx.msk $0xffff, v17  }
0x2c9: {  	v29 =	vor.u32 s1, v15;
	s1 =	smov.u32 s2;
	[tilespmem:v25+s30+$0x0] =	vst.idx.msk $0xffff, v24;
	v28 =	vld [tilespmem:s26+$0xFFFFFFF0]  }
0x2ca: {  	[tilespmem:v22+s30+$0x0] =	vst.idx.msk $0xffff, v21;
	v21 =	vld [tilespmem:s14+$0x10];
	v22 =	vor.u32 s17, v13  }
0x2cb: {  	v31 =	vor.u32 s0, v13;
	v30 =	vld [tilespmem:s14+$0xFFFFFF90];
	[tilespmem:v19+s30+$0x0] =	vst.idx.msk $0xffff, v16  }
.Ltmp7:
0x2cc: {  	[tilespmem:v23+s30+$0x0] =	vst.idx.msk $0xffff, v20;
	v20 =	vld [tilespmem:s26+$0x30];
	v23 =	vor.u32 s29, v15;
	s29 =	smov.u32 s17;
	(pc) =	sbr.rel @p1 .LBB2_17-.Ltmp7, $4  }
0x2cd: {  	v25 =	vor.u32 s6, v14;
	[tilespmem:v27+s30+$0x0] =	vst.idx.msk $0xffff, v26;
	v18 =	vld [tilespmem:s14+$0x60]  }
0x2ce: {  	v24 =	vor.u32 s1, v14;
	v17 =	vld [tilespmem:s14+$0xFFFFFFE0];
	[tilespmem:v29+s30+$0x0] =	vst.idx.msk $0xffff, v28  }
0x2cf: {  	[tilespmem:v22+s30+$0x0] =	vst.idx.msk $0xffff, v21;
	v21 =	vld [tilespmem:s26+$0xFFFFFFB0];
	v22 =	vor.u32 s28, v15;
	s28 =	smov.u32 s0;
	s0 =	smov.u32 s22;
	s26 =	smov.u32 s14  }
0x2d0: {  	v19 =	vor.u32 s29, v14;
	s22 =	sadd.s32 $0x4, s22;
	s14 =	sadd.s32 $0x100, s14;
	s15 =	sadd.s32 $0x3, s0;
	[tilespmem:v31+s30+$0x0] =	vst.idx.msk $0xffff, v30;
	v16 =	vld [tilespmem:s26+$0x20]  }
0x2d1: {  	_ =	sdelay $0x2  }
0x2d2: {  	s2 =	sadd.s32 $0x1, s0;
	v26 =	vld [tilespmem:s14+$0x40];
	v27 =	vor.u32 s15, v12  }
0x2d3: {  	[tilespmem:v23+s30+$0x0] =	vst.idx.msk $0xffff, v20;
	v35 =	vld [tilespmem:s14+$0xFFFFFFC0];
	s17 =	sadd.s32 $0x2, s0;
	v36 =	vor.u32 s2, v12  }
0x2d4: {  	v37 =	vld [tilespmem:s14+$0x0];
	[tilespmem:v25+s30+$0x0] =	vst.idx.msk $0xffff, v18;
	v38 =	vor.u32 s17, v12  }
0x2d5: {  	v39 =	vor.u32 s0, v12;
	[tilespmem:v24+s30+$0x0] =	vst.idx.msk $0xffff, v17;
	v17 =	vld [tilespmem:s14+$0xFFFFFF80]  }
0x2d6: {  	[tilespmem:v22+s30+$0x0] =	vst.idx.msk $0xffff, v21  }
0x2d7: {  	v48 =	vld [tilespmem:s26+$0xFFFFFFA0];
	v49 =	vor.u32 s28, v14;
	[tilespmem:v27+s30+$0x0] =	vst.idx.msk $0xffff, v26  }
0x2d8: {  	v43 =	vor.u32 s15, v13;
	[tilespmem:v36+s30+$0x0] =	vst.idx.msk $0xffff, v35;
	v42 =	vld [tilespmem:s14+$0x50]  }
0x2d9: {  	v45 =	vor.u32 s2, v13;
	[tilespmem:v38+s30+$0x0] =	vst.idx.msk $0xffff, v37;
	v44 =	vld [tilespmem:s14+$0xFFFFFFD0]  }
0x2da: {  	v46 =	vor.u32 s17, v13;
	[tilespmem:v39+s30+$0x0] =	vst.idx.msk $0xffff, v17;
	v17 =	vld [tilespmem:s14+$0x10]  }
0x2db: {  	v47 =	vor.u32 s0, v13;
	[tilespmem:v19+s30+$0x0] =	vst.idx.msk $0xffff, v16;
	v16 =	vld [tilespmem:s14+$0xFFFFFF90]  }
0x2dc: {  	v40 =	vor.u32 s6, v15;
	v41 =	vld [tilespmem:s26+$0x70];
	[tilespmem:v49+s30+$0x0] =	vst.idx.msk $0xffff, v48  }
0x2dd: {  	v50 =	vor.u32 s1, v15;
	v51 =	vld [tilespmem:s26+$0xFFFFFFF0];
	[tilespmem:v43+s30+$0x0] =	vst.idx.msk $0xffff, v42  }
0x2de: {  	v52 =	vor.u32 s15, v14;
	[tilespmem:v45+s30+$0x0] =	vst.idx.msk $0xffff, v44;
	v20 =	vld [tilespmem:s14+$0x60]  }
0x2df: {  	v53 =	vor.u32 s2, v14;
	[tilespmem:v46+s30+$0x0] =	vst.idx.msk $0xffff, v17;
	v26 =	vld [tilespmem:s14+$0xFFFFFFE0]  }
0x2e0: {  	v17 =	vor.u32 s17, v14;
	[tilespmem:v47+s30+$0x0] =	vst.idx.msk $0xffff, v16;
	v16 =	vld [tilespmem:s14+$0x20]  }
0x2e1: {  	v55 =	vor.u32 s0, v14;
	[tilespmem:v40+s30+$0x0] =	vst.idx.msk $0xffff, v41;
	v54 =	vld [tilespmem:s14+$0xFFFFFFA0]  }
0x2e2: {  	v56 =	vor.u32 s29, v15;
	v57 =	vld [tilespmem:s26+$0x30];
	[tilespmem:v50+s30+$0x0] =	vst.idx.msk $0xffff, v51  }
0x2e3: {  	v59 =	vor.u32 s28, v15;
	v58 =	vld [tilespmem:s26+$0xFFFFFFB0];
	[tilespmem:v52+s30+$0x0] =	vst.idx.msk $0xffff, v20  }
0x2e4: {  	v60 =	vor.u32 s15, v15;
	[tilespmem:v53+s30+$0x0] =	vst.idx.msk $0xffff, v26;
	v23 =	vld [tilespmem:s14+$0x70]  }
0x2e5: {  	v61 =	vor.u32 s2, v15;
	[tilespmem:v17+s30+$0x0] =	vst.idx.msk $0xffff, v16;
	v16 =	vld [tilespmem:s14+$0xFFFFFFF0]  }
0x2e6: {  	v17 =	vor.u32 s17, v15;
	[tilespmem:v55+s30+$0x0] =	vst.idx.msk $0xffff, v54;
	v62 =	vld [tilespmem:s14+$0x30]  }
0x2e7: {  	v63 =	vor.u32 s0, v15;
	[tilespmem:v56+s30+$0x0] =	vst.idx.msk $0xffff, v57;
	v19 =	vld [tilespmem:s14+$0xFFFFFFB0]  }
0x2e8: {  	[tilespmem:v59+s30+$0x0] =	vst.idx.msk $0xffff, v58  }
0x2e9: {  	[tilespmem:v60+s30+$0x0] =	vst.idx.msk $0xffff, v23  }
0x2ea: {  	[tilespmem:v61+s30+$0x0] =	vst.idx.msk $0xffff, v16  }
0x2eb: {  	s0 =	sor.u32 @!p0 $0x80, s24;
	s1 =	simm.s32 @!p0 $0x80;
	[tilespmem:v17+s30+$0x0] =	vst.idx.msk $0xffff, v62  }
0x2ec: {  	s24 =	sshll.u32 s25, $0xC;
	s2 =	simm.s32 @!p0 $0x8400;
	s26 =	sshll.u32 s25, $0x9;
	[tilespmem:v63+s30+$0x0] =	vst.idx.msk $0xffff, v19  }
0x2ed: {  	[tilespmem:s2], [sflag:$0x2] =	stream.indirect.gather @!p0 [hbm4b:s4+s1], $0x40, s0, s1, $0xb8;
	[tilespmem:$0x1A400] =	vst v63  }
0x2ee: {  	s0 =	sand.u32 $0xFFF8000, s24;
	s1 =	sand.u32 $0xE00, s26  }
0x2ef: {  	s28 =	rddreg [dreg:$0x1];
	s0 =	sor.u32 s1, s0  }
0x2f0: {  	s1 =	sadd.s32 s28, s0  }
0x2f1: {  	[hbm4b:s1+s3] =	stream.linear.scatter [tilespmem:s30], [sflag:$0x4], $0x1000, $0x38;
	[tilespmem:$0x1A400] =	vst v63  }
0x2f2: {  	s31 =	simm.s32 $0x13400;
	s29 =	sadd.s32 s0, s7  }
0x2f3: {  	[hbm4b:s29+s3] =	stream.linear.scatter [tilespmem:s31], [sflag:$0x4], $0x1000, $0x38;
	[tilespmem:$0x1A400] =	vst v63  }
0x2f4: {  	s14 =	simm.s32 $0x14400;
	s6 =	sadd.s32 s0, s8  }
0x2f5: {  	[hbm4b:s6+s3] =	stream.linear.scatter [tilespmem:s14], [sflag:$0x4], $0x1000, $0x38;
	[tilespmem:$0x1A400] =	vst v63  }
0x2f6: {  	s17 =	simm.s32 $0x15400;
	s15 =	sadd.s32 s0, s9  }
0x2f7: {  	[hbm4b:s15+s3] =	stream.linear.scatter [tilespmem:s17], [sflag:$0x4], $0x1000, $0x38;
	[tilespmem:$0x1A400] =	vst v63  }
0x2f8: {  	s23 =	sadd.s32 $0x1, s23;
	s24 =	simm.s32 $0x16400;
	s22 =	sadd.s32 s0, s10  }
0x2f9: {  	[hbm4b:s22+s3] =	stream.linear.scatter [tilespmem:s24], [sflag:$0x4], $0x1000, $0x38;
	[tilespmem:$0x1A400] =	vst v63  }
0x2fa: {  	s26 =	simm.s32 $0x17400;
	p0 =	sne.s32 s23, $0x19;
	s25 =	sadd.s32 s0, s11  }
0x2fb: {  	[hbm4b:s25+s3] =	stream.linear.scatter [tilespmem:s26], [sflag:$0x4], $0x1000, $0x38;
	[tilespmem:$0x1A400] =	vst v63  }
.Ltmp8:
0x2fc: {  	_ = 	snop;
	(pc) =	sbr.rel @p0 .LBB2_2-.Ltmp8, $4  }
0x2fd: {  	s28 =	sadd.s32 s0, s12;
	s29 =	simm.s32 $0x18400  }
0x2fe: {  	[hbm4b:s28+s3] =	stream.linear.scatter [tilespmem:s29], [sflag:$0x4], $0x1000, $0x38;
	[tilespmem:$0x1A400] =	vst v63  }
0x2ff: {  	s0 =	sadd.s32 s0, s13;
	s31 =	simm.s32 $0x19400  }
0x300: {  	[hbm4b:s0+s3] =	stream.linear.scatter [tilespmem:s31], [sflag:$0x4], $0x1000, $0x38;
	[tilespmem:$0x1A400] =	vst v63  }
0x301: {  	s0 =	simm.s32 $0x3  }
0x302: {  	_ =	swait.ge [sflag:s0], $0x8000  }
0x303: {  	[sflag:s0] =	ssyncset.done $0x0  }
0x304: {  	s1 =	simm.s32 $0x4;
	[sflag:s0] =	ssyncadd.s32 $0xFFFF8000  }
0x305: {  	_ =	swait.ge [sflag:s1], $0x8000  }
0x306: {  	s2 =	rddreg [dreg:$0x5]  }
0x307: {  	s31 =	rddreg [dreg:$0x4];
	s2 =	sadd.s32 $0x1, s2  }
0x308: {  	p0 =	sne.s32 s2, s31  }
.Ltmp9:
0x309: {  	_ = 	snop;
	(pc) =	sbr.rel @p0 .LBB2_1-.Ltmp9, $3  }
0x30a: {  	_ =	sdelay $0x1  }
0x30b: {  	[sflag:s1] =	ssyncset.done $0x0  }
0x30c: {  	[sflag:s1] =	ssyncadd.s32 $0xFFFF8000  }
0x30d: {  	_ =	sfence.sel $0x180000  }
0x30e: {  	[bflag:$0x0] =	sbarrier.arrive $0xFFFF  }
0x30f: {  	_ =	strace $0x90000047  }
0x310: {  	s0 =	stileid.u32;
	[bflag:$0x2] =	sbarrier.arrive $0xFFFF  }
0x311: {  	p0 =	sne.s32 s0, $0x0;
	s0 =	rddreg [dreg:$0x2]  }
0x312: {  	s0 =	sadd.s32 @!p0 $0x100000, s0  }
0x313: {  	[sflag:s0] =	ssyncadd.tile.s32 @!p0 $0x1;
	_ =	shalt  }
.Lfunc_end2:
_tile_overlayer_lowered:
.L_overlay_start_2:
0x314: {  	(tag) =	ssettag $0x2  }
0x315: {  	s0 =	rddreg [dreg:$0x0];
	s2 =	stileid.u32  }
0x316: {  	s1 =	rddreg [dreg:$0x1];
	p0 =	sne.s32 s2, $0x0  }
0x317: {  	s3 =	rddreg [dreg:$0x2];
	[bflag:$0x3] =	sbarrier.arrive $0xFFFF;
	s2 =	simm.s32 @!p0 $0x1C05  }
0x318: {  	[timem:s3], [sflag:s2] =	dma.local @!p0 [hbm:s0], s1  }
0x319: {  	s0 =	simm.s32 @!p0 $0x5  }
0x31a: {  	_ =	swait.ge @!p0 [sflag:s0], s1  }
0x31b: {  	s1 =	ssub.s32 @!p0 $0x0, s1;
	[sflag:s0] =	ssyncset.done @!p0 $0x0  }
0x31c: {  	[sflag:s0] =	ssyncadd.s32 @!p0 s1  }
0x31d: {  	[bflag:$0x3] =	sbarrier.arrive $0xFFFF  }
0x31e: {  	_ =	shalt  }

</sc_bundles>
